<compile_context>
chip_gen: v7x
topology: tpu7x:2x2x1
jax: 0.10.2.dev20260603
libtpu: 0.0.44.dev20260713+nightly
codegen_flags: <defaults>
</compile_context>

<pallas_src>
import functools

import jax
import jax.numpy as jnp
from jax import lax
from jax.experimental import pallas as pl
from jax.experimental.pallas import tpu as pltpu
from jax.experimental.pallas import tpu_sc as plsc

N = 50000
NBUS = 500
NB = 100
NPAD = 51200
NT = 16
CN = NPAD // NT
NV = CN // 16
EA = 800000
C = 2000
EAP = 832000
CHA = EAP // NT // C
E2 = 850000
EBP = 896000
CHB = EBP // NT // C
C16 = C // 16
NITER = 11
FBASE = 1100000001
ABASE = 1200000001
SPIN_LIMIT = 1024

_mesh = plsc.VectorSubcoreMesh(
    core_axis_name="c", subcore_axis_name="s", num_cores=2, num_subcores=NT)


def _diag_body(yb_ref, out_ref):
    x = yb_ref[0]
    ii = lax.broadcasted_iota(jnp.int32, (NBUS, NBUS), 0)
    jj = lax.broadcasted_iota(jnp.int32, (NBUS, NBUS), 1)
    out_ref[0, 0, :] = jnp.sum(jnp.where(ii == jj, x, 0.0), axis=0)


def _extract_diag(ybus):
    return pl.pallas_call(
        _diag_body,
        grid=(NB,),
        in_specs=[pl.BlockSpec((1, NBUS, NBUS), lambda b: (b, 0, 0))],
        out_specs=pl.BlockSpec((1, 1, NBUS), lambda b: (b, 0, 0)),
        out_shape=jax.ShapeDtypeStruct((NB, 1, NBUS), jnp.float32),
    )(ybus)


@functools.partial(
    pl.kernel,
    out_type=(
        jax.ShapeDtypeStruct((NPAD,), jnp.float32),
        jax.ShapeDtypeStruct((NPAD,), jnp.float32),
        jax.ShapeDtypeStruct((NITER * 16,), jnp.float32),
        jax.ShapeDtypeStruct((16,), jnp.int32),
        jax.ShapeDtypeStruct((16,), jnp.int32),
    ),
    mesh=_mesh,
    scratch_types=[
        pltpu.VMEM_SHARED((NPAD,), jnp.float32),
        pltpu.VMEM_SHARED((NPAD,), jnp.float32),
        pltpu.VMEM_SHARED((NPAD,), jnp.float32),
        pltpu.VMEM_SHARED((NPAD,), jnp.float32),
        pltpu.VMEM_SHARED((NPAD,), jnp.float32),
        pltpu.VMEM_SHARED((NT * 16,), jnp.float32),
        pltpu.VMEM((CN,), jnp.float32),
        pltpu.VMEM((CN,), jnp.float32),
        pltpu.VMEM((CN,), jnp.float32),
        pltpu.VMEM((CN,), jnp.int32),
        pltpu.VMEM((CN,), jnp.float32),
        pltpu.VMEM((CN,), jnp.float32),
        pltpu.VMEM((CN,), jnp.float32),
        pltpu.VMEM((CN,), jnp.float32),
        pltpu.VMEM((CN,), jnp.float32),
        pltpu.VMEM((C,), jnp.int32),
        pltpu.VMEM((C,), jnp.int32),
        pltpu.VMEM((C,), jnp.int32),
        pltpu.VMEM((C,), jnp.int32),
        pltpu.VMEM((C,), jnp.float32),
        pltpu.VMEM((C,), jnp.float32),
        pltpu.VMEM((C,), jnp.float32),
        pltpu.VMEM((C,), jnp.float32),
        pltpu.VMEM((C,), jnp.float32),
        pltpu.VMEM((C,), jnp.float32),
        pltpu.VMEM((C,), jnp.int32),
        pltpu.VMEM((C,), jnp.int32),
        pltpu.VMEM((NT * 16,), jnp.float32),
        pltpu.VMEM((16,), jnp.int32),
        pltpu.SemaphoreType.DMA,
        pltpu.SemaphoreType.DMA,
        pltpu.SemaphoreType.DMA,
        pltpu.SemaphoreType.DMA,
        pltpu.SemaphoreType.DMA,
        pltpu.SemaphoreType.DMA,
        pltpu.SemaphoreType.DMA,
    ],
)
def _gpg_sc(x0_h, x1_h, den_h, ridx_h,
            srcA_h, dstA_h, wA_h, srcB_h, dstB_h, wB_h,
            th0_h, th1_h, err_h, flag_h, ack_h,
            theta_sh, g_sh, aggr_sh, theta2_sh, aggr2_sh, errp_sh,
            inp_v, den_v, dsafe_v, ridx_v, zero_v, acc_v, g_v, gref_v, th_v,
            srci0, srci1, dsti0, dsti1, w0, w1, tv0, tv1, msg0, msg1,
            ds0, ds1, errall_v, fbuf_v, sem, lsem0, lsem1, gsem0, gsem1,
            ssem0, ssem1):
    cid = lax.axis_index("c")
    sid = lax.axis_index("s")
    base_n = sid * CN

    def spin(mb_h, lo, hi):
        def body(i, v):
            done = (v >= lo) & (v <= hi)

            @pl.when(jnp.logical_not(done))
            def _():
                pltpu.sync_copy(mb_h, fbuf_v)
            return fbuf_v[pl.ds(0, 16)][0]
        lax.fori_loop(0, SPIN_LIMIT, body, jnp.int32(0))

    def post(mb_h, val):
        fbuf_v[pl.ds(0, 16)] = jnp.full((16,), val, jnp.int32)
        pltpu.sync_copy(fbuf_v, mb_h)

    def mp_pass(src_h, dst_h, w_h, nchunks, th_sh, agg_sh):
        ebase = sid * (nchunks * C)
        bufs = ((srci0, dsti0, w0, tv0, msg0, ds0, lsem0, gsem0, ssem0),
                (srci1, dsti1, w1, tv1, msg1, ds1, lsem1, gsem1, ssem1))

        def fire_loads(b, p):
            si, di, wv = bufs[p][0], bufs[p][1], bufs[p][2]
            ls = bufs[p][6]
            pltpu.async_copy(src_h.at[pl.ds(b, C)], si, ls)
            pltpu.async_copy(dst_h.at[pl.ds(b, C)], di, ls)
            pltpu.async_copy(w_h.at[pl.ds(b, C)], wv, ls)

        def drain_loads(p):
            si, di, wv = bufs[p][0], bufs[p][1], bufs[p][2]
            ls = bufs[p][6]
            pltpu.make_async_copy(src_h.at[pl.ds(0, C)], si, ls).wait()
            pltpu.make_async_copy(dst_h.at[pl.ds(0, C)], di, ls).wait()
            pltpu.make_async_copy(w_h.at[pl.ds(0, C)], wv, ls).wait()

        def fire_gather(p):
            si, tv, gs = bufs[p][0], bufs[p][3], bufs[p][7]
            pltpu.async_copy(th_sh.at[si], tv, gs)

        def drain_gather(p):
            tv, gs = bufs[p][3], bufs[p][7]
            pltpu.make_async_copy(w_h.at[pl.ds(0, C)], tv, gs).wait()

        def drain_scatter(p):
            mg, ss = bufs[p][4], bufs[p][8]
            pltpu.make_async_copy(w_h.at[pl.ds(0, C)], mg, ss).wait()

        def work_tail(p, not_first):
            di, tv, mg, dsb = bufs[p][1], bufs[p][3], bufs[p][4], bufs[p][5]
            ss = bufs[p][8]
            drain_gather(p)

            @pl.when(not_first)
            def _():
                drain_scatter(p)

            def mul(i, c3):
                for j in range(5):
                    s = pl.ds((i * 5 + j) * 16, 16)
                    mg[s] = tv[s] * wv_of(p)[s]
                    dsb[s] = di[s]
                return c3
            lax.fori_loop(0, C16 // 5, mul, 0)
            pltpu.async_copy(mg, agg_sh.at[dsb], ss, add=True)

        def wv_of(p):
            return bufs[p][2]

        fire_loads(ebase, 0)
        npairs = nchunks // 2

        def pair(c2, carry):
            b = ebase + (2 * c2) * C
            drain_loads(0)
            fire_gather(0)

            @pl.when(c2 > 0)
            def _():
                work_tail(1, c2 > 1)
            fire_loads(b + C, 1)
            drain_loads(1)
            fire_gather(1)
            work_tail(0, c2 > 0)

            @pl.when(c2 + 1 < npairs)
            def _():
                fire_loads(b + 2 * C, 0)
            return carry
        lax.fori_loop(0, npairs, pair, 0)
        work_tail(1, True)
        drain_scatter(0)
        drain_scatter(1)

    def zero_aggr(agg_sh):
        pltpu.sync_copy(zero_v, agg_sh.at[pl.ds(base_n, CN)])

    def load_inp_zero():
        pltpu.sync_copy(x0_h.at[pl.ds(base_n, CN)], inp_v)
        pltpu.sync_copy(x1_h.at[pl.ds(base_n, CN)], th_v)

        def f0(i, carry):
            s = pl.ds(i * 16, 16)
            inp_v[s] = inp_v[s] - th_v[s]
            zero_v[s] = jnp.zeros((16,), jnp.float32)
            return carry
        lax.fori_loop(0, NV, f0, 0)

    @pl.when(cid == 0)
    def _core0():
        @pl.when(sid == 0)
        def _():
            post(ack_h, jnp.int32(0))
        load_inp_zero()
        pltpu.sync_copy(den_h.at[pl.ds(base_n, CN)], den_v)
        pltpu.sync_copy(ridx_h.at[pl.ds(base_n, CN)], ridx_v)

        def fd(i, carry):
            s = pl.ds(i * 16, 16)
            d = den_v[s]
            dsafe_v[s] = jnp.where(d != 0.0, d, 1.0)
            return carry
        lax.fori_loop(0, NV, fd, 0)
        plsc.subcore_barrier()

        def pass0(k, carry):
            zero_aggr(aggr_sh)
            plsc.subcore_barrier()

            @pl.when(k > 0)
            def _():
                mp_pass(srcA_h, dstA_h, wA_h, CHA, theta_sh, aggr_sh)
            plsc.subcore_barrier()

            pltpu.sync_copy(aggr_sh.at[pl.ds(base_n, CN)], acc_v)

            def fg(i, c2):
                s = pl.ds(i * 16, 16)
                d = den_v[s]
                g_v[s] = jnp.where(
                    d != 0.0, (inp_v[s] - acc_v[s]) / dsafe_v[s], 0.0)
                return c2
            lax.fori_loop(0, NV, fg, 0)
            pltpu.sync_copy(g_v, g_sh.at[pl.ds(base_n, CN)])
            plsc.subcore_barrier()

            pltpu.async_copy(g_sh.at[ridx_v], gref_v, sem).wait()

            def ft(i, c2):
                s = pl.ds(i * 16, 16)
                d = den_v[s]
                th_v[s] = jnp.where(d == 0.0, 0.0, g_v[s] - gref_v[s])
                return c2
            lax.fori_loop(0, NV, ft, 0)
            pltpu.sync_copy(th_v, theta_sh.at[pl.ds(base_n, CN)])

            @pl.when((k >= 2) & (sid == 0))
            def _():
                spin(ack_h, ABASE + k - 1, ABASE + NITER)
            plsc.subcore_barrier()

            @pl.when(lax.rem(k + 1, 2) == 0)
            def _():
                pltpu.sync_copy(th_v, th0_h.at[pl.ds(base_n, CN)])

            @pl.when(lax.rem(k + 1, 2) == 1)
            def _():
                pltpu.sync_copy(th_v, th1_h.at[pl.ds(base_n, CN)])
            plsc.subcore_barrier()

            @pl.when(sid == 0)
            def _():
                post(flag_h, FBASE + k + 1)
            return carry
        lax.fori_loop(0, NITER, pass0, 0)

    @pl.when(cid == 1)
    def _core1():
        @pl.when(sid == 0)
        def _():
            post(flag_h, jnp.int32(0))
        load_inp_zero()
        plsc.subcore_barrier()

        def pass1(k, carry):
            zero_aggr(aggr2_sh)
            plsc.subcore_barrier()

            @pl.when(sid == 0)
            def _():
                spin(flag_h, FBASE + k + 1, FBASE + NITER)
            plsc.subcore_barrier()

            @pl.when(lax.rem(k + 1, 2) == 0)
            def _():
                pltpu.sync_copy(th0_h.at[pl.ds(base_n, CN)], th_v)

            @pl.when(lax.rem(k + 1, 2) == 1)
            def _():
                pltpu.sync_copy(th1_h.at[pl.ds(base_n, CN)], th_v)
            pltpu.sync_copy(th_v, theta2_sh.at[pl.ds(base_n, CN)])
            plsc.subcore_barrier()

            @pl.when(sid == 0)
            def _():
                post(ack_h, ABASE + k + 1)
            mp_pass(srcB_h, dstB_h, wB_h, CHB, theta2_sh, aggr2_sh)
            plsc.subcore_barrier()

            pltpu.sync_copy(aggr2_sh.at[pl.ds(base_n, CN)], acc_v)
            lanes = lax.iota(jnp.int32, 16)

            def fe(i, acc):
                s = pl.ds(i * 16, 16)
                nid = (base_n + i * 16) + lanes
                v = jnp.abs(inp_v[s] - acc_v[s])
                return acc + jnp.where(nid < N, v, 0.0)
            tot = lax.fori_loop(0, NV, fe, jnp.zeros((16,), jnp.float32))
            gref_v[pl.ds(0, 16)] = tot
            pltpu.sync_copy(gref_v.at[pl.ds(0, 16)],
                            errp_sh.at[pl.ds(sid * 16, 16)])
            plsc.subcore_barrier()

            @pl.when(sid == 0)
            def _():
                pltpu.sync_copy(errp_sh, errall_v)

                def fr(i, acc):
                    return acc + errall_v[pl.ds(i * 16, 16)]
                t2 = lax.fori_loop(0, NT, fr, jnp.zeros((16,), jnp.float32))
                gref_v[pl.ds(0, 16)] = t2
                pltpu.sync_copy(gref_v.at[pl.ds(0, 16)],
                                err_h.at[pl.ds(k * 16, 16)])
            plsc.subcore_barrier()
            return carry
        lax.fori_loop(0, NITER, pass1, 0)


def kernel(x, y, edge_index_no_diag, edge_attr_no_diag, ybus, edge_index,
           edge_attr):
    del y
    f32, i32 = jnp.float32, jnp.int32
    x0 = jnp.zeros((NPAD,), f32).at[:N].set(x[:, 0])
    x1 = jnp.zeros((NPAD,), f32).at[:N].set(x[:, 1])
    n_ar = jnp.arange(N, dtype=i32)
    ridx = jnp.zeros((NPAD,), i32).at[:N].set((n_ar // NBUS) * NBUS)
    den = jnp.zeros((NPAD,), f32).at[:N].set(_extract_diag(ybus).reshape(-1))
    srcA = jnp.zeros((EAP,), i32).at[:EA].set(edge_index_no_diag[0])
    dstA = jnp.full((EAP,), N, i32).at[:EA].set(edge_index_no_diag[1])
    wA = jnp.zeros((EAP,), f32).at[:EA].set(edge_attr_no_diag)
    srcB = jnp.zeros((EBP,), i32).at[:E2].set(edge_index[0])
    dstB = jnp.full((EBP,), N, i32).at[:E2].set(edge_index[1])
    wB = jnp.zeros((EBP,), f32).at[:E2].set(edge_attr)

    _, out_full, err_raw, _, _ = _gpg_sc(x0, x1, den, ridx,
                                         srcA, dstA, wA, srcB, dstB, wB)
    out = out_full[:N].reshape(N, 1)
    errors = err_raw.reshape(NITER, 16).sum(axis=1)
    return out, errors

# --- scband reference (transcript-rebuilt; emitter-appended) ---
"""Pipeline reference for scband-gpgmodel-without-nn-39049842655860 (READ-ONLY COPY).

The authoritative reference and input builder live on the scoring server;
editing this copy changes nothing except your own understanding.
"""

import jax, jax.numpy as jnp
import numpy as np

N = 50000
B = 100
NBUS = 500
E = 800000
E2 = 850000
SN = 1.0
REF = 0
L = 10


def setup_inputs(seed: int = 0) -> dict:
    key = jax.random.key(seed)
    ks = jax.random.split(key, 7)
    x = jax.random.normal(ks[0], (N, 2), dtype=jnp.float32)
    y = jax.random.normal(ks[1], (N, 1), dtype=jnp.float32)
    edge_index_no_diag = jax.random.randint(ks[2], (2, E), 0, N, dtype=jnp.int32)
    edge_attr_no_diag = jax.random.normal(ks[3], (E,), dtype=jnp.float32)
    ybus = jax.random.normal(ks[4], (B, NBUS, NBUS), dtype=jnp.float32)
    edge_index = jax.random.randint(ks[5], (2, E2), 0, N, dtype=jnp.int32)
    edge_attr = jax.random.normal(ks[6], (E2,), dtype=jnp.float32)
    return {
        "x": x,
        "y": y,
        "edge_index_no_diag": edge_index_no_diag,
        "edge_attr_no_diag": edge_attr_no_diag,
        "ybus": ybus,
        "edge_index": edge_index,
        "edge_attr": edge_attr,
    }


def reference(x, y, edge_index_no_diag, edge_attr_no_diag, ybus, edge_index, edge_attr):
    # message passing: aggr[i] = sum_{j->i} theta[j] * w_ij  (PyG aggr='add')
    def mp(theta, ei, ea):
        src = ei[0]
        dst = ei[1]
        msg = theta[src] * (ea * SN)[:, None]
        return jax.ops.segment_sum(msg, dst, num_segments=N)

    input_node_power = (x[:, 0] - x[:, 1])[:, None]
    yb = ybus * SN
    denominator = jnp.diagonal(yb, axis1=1, axis2=2).reshape(-1, 1)
    denom_safe = jnp.where(denominator != 0.0, denominator, 1.0)

    def gpg_layer(theta):
        aggr = mp(theta, edge_index_no_diag, edge_attr_no_diag)
        numerator = input_node_power - aggr
        out = jnp.where(denominator != 0.0, numerator / denom_safe, 0.0)
        o3 = out.reshape(-1, NBUS, 1)
        o3 = o3 - o3[:, REF:REF + 1, :]
        out = o3.reshape(-1, 1)
        out = jnp.where(denominator == 0.0, 0.0, out)
        return out

    def lc_layer(theta):
        aggr = mp(theta, edge_index, edge_attr)
        return input_node_power - aggr

    theta0 = jnp.zeros_like(y)
    errors = []
    out = gpg_layer(theta0)
    errors.append(jnp.abs(lc_layer(out)).sum())
    for _ in range(L):
        out = gpg_layer(out)
        errors.append(jnp.abs(lc_layer(out)).sum())
    return out, jnp.stack(errors)

if __name__ == "__main__":
    import jax
    _d = setup_inputs()
    print(jax.jit(kernel)(*tuple(_d.values())))

</pallas_src>

<mosaic_0001>
#map = affine_map<(d0, d1) -> (0)>
module attributes {stable_mosaic.version = 14 : i64} {
  func.func @_gpg_sc(%arg0: i32, %arg1: i32, %arg2: memref<51200xf32, #tpu.memory_space<hbm>>, %arg3: memref<51200xf32, #tpu.memory_space<hbm>>, %arg4: memref<51200xf32, #tpu.memory_space<hbm>>, %arg5: memref<51200xi32, #tpu.memory_space<hbm>>, %arg6: memref<832000xi32, #tpu.memory_space<hbm>>, %arg7: memref<832000xi32, #tpu.memory_space<hbm>>, %arg8: memref<832000xf32, #tpu.memory_space<hbm>>, %arg9: memref<896000xi32, #tpu.memory_space<hbm>>, %arg10: memref<896000xi32, #tpu.memory_space<hbm>>, %arg11: memref<896000xf32, #tpu.memory_space<hbm>>, %arg12: memref<51200xf32, #tpu.memory_space<hbm>>, %arg13: memref<51200xf32, #tpu.memory_space<hbm>>, %arg14: memref<176xf32, #tpu.memory_space<hbm>>, %arg15: memref<16xi32, #tpu.memory_space<hbm>>, %arg16: memref<16xi32, #tpu.memory_space<hbm>>, %arg17: memref<51200xf32, #tpu.memory_space<vmem_shared>>, %arg18: memref<51200xf32, #tpu.memory_space<vmem_shared>>, %arg19: memref<51200xf32, #tpu.memory_space<vmem_shared>>, %arg20: memref<51200xf32, #tpu.memory_space<vmem_shared>>, %arg21: memref<51200xf32, #tpu.memory_space<vmem_shared>>, %arg22: memref<256xf32, #tpu.memory_space<vmem_shared>>, %arg23: memref<3200xf32, #tpu.memory_space<vmem>>, %arg24: memref<3200xf32, #tpu.memory_space<vmem>>, %arg25: memref<3200xf32, #tpu.memory_space<vmem>>, %arg26: memref<3200xi32, #tpu.memory_space<vmem>>, %arg27: memref<3200xf32, #tpu.memory_space<vmem>>, %arg28: memref<3200xf32, #tpu.memory_space<vmem>>, %arg29: memref<3200xf32, #tpu.memory_space<vmem>>, %arg30: memref<3200xf32, #tpu.memory_space<vmem>>, %arg31: memref<3200xf32, #tpu.memory_space<vmem>>, %arg32: memref<2000xi32, #tpu.memory_space<vmem>>, %arg33: memref<2000xi32, #tpu.memory_space<vmem>>, %arg34: memref<2000xi32, #tpu.memory_space<vmem>>, %arg35: memref<2000xi32, #tpu.memory_space<vmem>>, %arg36: memref<2000xf32, #tpu.memory_space<vmem>>, %arg37: memref<2000xf32, #tpu.memory_space<vmem>>, %arg38: memref<2000xf32, #tpu.memory_space<vmem>>, %arg39: memref<2000xf32, #tpu.memory_space<vmem>>, %arg40: memref<2000xf32, #tpu.memory_space<vmem>>, %arg41: memref<2000xf32, #tpu.memory_space<vmem>>, %arg42: memref<2000xi32, #tpu.memory_space<vmem>>, %arg43: memref<2000xi32, #tpu.memory_space<vmem>>, %arg44: memref<256xf32, #tpu.memory_space<vmem>>, %arg45: memref<16xi32, #tpu.memory_space<vmem>>, %arg46: memref<!tpu.dma_semaphore, #tpu.memory_space<semaphore_mem>>, %arg47: memref<!tpu.dma_semaphore, #tpu.memory_space<semaphore_mem>>, %arg48: memref<!tpu.dma_semaphore, #tpu.memory_space<semaphore_mem>>, %arg49: memref<!tpu.dma_semaphore, #tpu.memory_space<semaphore_mem>>, %arg50: memref<!tpu.dma_semaphore, #tpu.memory_space<semaphore_mem>>, %arg51: memref<!tpu.dma_semaphore, #tpu.memory_space<semaphore_mem>>, %arg52: memref<!tpu.dma_semaphore, #tpu.memory_space<semaphore_mem>>) attributes {dimension_semantics = [#tpu.dimension_semantics<core_parallel>, #tpu.dimension_semantics<subcore_parallel>], iteration_bounds = array<i64: 2, 16>, scalar_prefetch = 0 : i64, scratch_operands = 36 : i64, tpu.core_type = #tpu.core_type<sc_vector_subcore>, window_params = [{transform_indices = #map}, {transform_indices = #map}, {transform_indices = #map}, {transform_indices = #map}, {transform_indices = #map}, {transform_indices = #map}, {transform_indices = #map}, {transform_indices = #map}, {transform_indices = #map}, {transform_indices = #map}, {transform_indices = #map}, {transform_indices = #map}, {transform_indices = #map}, {transform_indices = #map}, {transform_indices = #map}]} {
    %mul3A = arith.constant 3200 : i32
    %mul3A_0 = arith.muli %arg1, %mul3A : i32
    %eq3A = arith.constant 0 : i32
    %eq3A_1 = arith.cmpi eq, %arg0, %eq3A : i32
    %convert_element_type3A = arith.extui %eq3A_1 : i1 to i32
    %cond3A = arith.constant 0 : i32
    %cond3A_2 = arith.cmpi ne, %convert_element_type3A, %cond3A : i32
    scf.if %cond3A_2 {
      %eq3A_8 = arith.constant 0 : i32
      %eq3A_9 = arith.cmpi eq, %arg1, %eq3A_8 : i32
      %convert_element_type3A_10 = arith.extui %eq3A_9 : i1 to i32
      %cond3A_11 = arith.constant 0 : i32
      %cond3A_12 = arith.cmpi ne, %convert_element_type3A_10, %cond3A_11 : i32
      scf.if %cond3A_12 {
        %broadcast_in_dim3A = arith.constant 0 : i32
        %broadcast_in_dim3A_30 = vector.broadcast %broadcast_in_dim3A : i32 to vector<16xi32>
        %swap3A = arith.constant 0 : index
        %swap3A_31 = tpu.vector_load %arg45[%swap3A] {strides = array<i32>} : memref<16xi32, #tpu.memory_space<vmem>>, vector<16xi32>,
        %swap3A_32 = vector.shape_cast %swap3A_31 : vector<16xi32> to vector<16xi32>
        %swap3A_33 = vector.shape_cast %broadcast_in_dim3A_30 : vector<16xi32> to vector<16xi32>
        tpu.vector_store %arg45[%swap3A], %swap3A_33 {strides = array<i32>} : memref<16xi32, #tpu.memory_space<vmem>>, vector<16xi32>,
        "tpu.region"() ({
          %run_scoped3A = tpu.sem_alloc : memref<!tpu.dma_semaphore, #tpu.memory_space<semaphore_mem>>
          tpu.enqueue_dma source(%arg45 : memref<16xi32, #tpu.memory_space<vmem>>) target(%arg16 : memref<16xi32, #tpu.memory_space<hbm>>) target_semaphore(%run_scoped3A : memref<!tpu.dma_semaphore, #tpu.memory_space<semaphore_mem>>)
          tpu.wait_dma2 semaphore(%run_scoped3A : memref<!tpu.dma_semaphore, #tpu.memory_space<semaphore_mem>>) src(%arg45 : memref<16xi32, #tpu.memory_space<vmem>>) dst(%arg16 : memref<16xi32, #tpu.memory_space<hbm>>)
          tpu.yield
        }) : () -> ()
      } else {
      }
      "tpu.region"() ({
        %run_scoped3A = tpu.sem_alloc : memref<!tpu.dma_semaphore, #tpu.memory_space<semaphore_mem>>
        %dma_start3A = tpu.memref_slice %arg2[%mul3A_0] : memref<51200xf32, #tpu.memory_space<hbm>> -> memref<3200xf32, #tpu.memory_space<hbm>>
        %dma_start3A_30 = tpu.memref_slice %arg2[%mul3A_0] : memref<51200xf32, #tpu.memory_space<hbm>> -> memref<3200xf32, #tpu.memory_space<hbm>>
        tpu.enqueue_dma source(%dma_start3A_30 : memref<3200xf32, #tpu.memory_space<hbm>>) target(%arg23 : memref<3200xf32, #tpu.memory_space<vmem>>) target_semaphore(%run_scoped3A : memref<!tpu.dma_semaphore, #tpu.memory_space<semaphore_mem>>)
        %dma_wait3A = tpu.memref_slice %arg2[%mul3A_0] : memref<51200xf32, #tpu.memory_space<hbm>> -> memref<3200xf32, #tpu.memory_space<hbm>>
        %dma_wait3A_31 = tpu.memref_slice %arg2[%mul3A_0] : memref<51200xf32, #tpu.memory_space<hbm>> -> memref<3200xf32, #tpu.memory_space<hbm>>
        tpu.wait_dma2 semaphore(%run_scoped3A : memref<!tpu.dma_semaphore, #tpu.memory_space<semaphore_mem>>) src(%dma_wait3A_31 : memref<3200xf32, #tpu.memory_space<hbm>>) dst(%arg23 : memref<3200xf32, #tpu.memory_space<vmem>>)
        tpu.yield
      }) : () -> ()
      "tpu.region"() ({
        %run_scoped3A = tpu.sem_alloc : memref<!tpu.dma_semaphore, #tpu.memory_space<semaphore_mem>>
        %dma_start3A = tpu.memref_slice %arg3[%mul3A_0] : memref<51200xf32, #tpu.memory_space<hbm>> -> memref<3200xf32, #tpu.memory_space<hbm>>
        %dma_start3A_30 = tpu.memref_slice %arg3[%mul3A_0] : memref<51200xf32, #tpu.memory_space<hbm>> -> memref<3200xf32, #tpu.memory_space<hbm>>
        tpu.enqueue_dma source(%dma_start3A_30 : memref<3200xf32, #tpu.memory_space<hbm>>) target(%arg31 : memref<3200xf32, #tpu.memory_space<vmem>>) target_semaphore(%run_scoped3A : memref<!tpu.dma_semaphore, #tpu.memory_space<semaphore_mem>>)
        %dma_wait3A = tpu.memref_slice %arg3[%mul3A_0] : memref<51200xf32, #tpu.memory_space<hbm>> -> memref<3200xf32, #tpu.memory_space<hbm>>
        %dma_wait3A_31 = tpu.memref_slice %arg3[%mul3A_0] : memref<51200xf32, #tpu.memory_space<hbm>> -> memref<3200xf32, #tpu.memory_space<hbm>>
        tpu.wait_dma2 semaphore(%run_scoped3A : memref<!tpu.dma_semaphore, #tpu.memory_space<semaphore_mem>>) src(%dma_wait3A_31 : memref<3200xf32, #tpu.memory_space<hbm>>) dst(%arg31 : memref<3200xf32, #tpu.memory_space<vmem>>)
        tpu.yield
      }) : () -> ()
      %scan3A = arith.constant 0 : i32
      %scan3A_13 = arith.constant 0 : i32
      %scan3A_14 = arith.constant 200 : i32
      %scan3A_15 = arith.addi %scan3A_13, %scan3A_14 : i32
      %scan3A_16 = arith.constant 1 : i32
      scf.for %scan3A_30 = %scan3A_13 to %scan3A_15 step %scan3A_16  : i32 {
        %mul3A_31 = arith.constant 16 : i32
        %mul3A_32 = arith.muli %scan3A_30, %mul3A_31 : i32
        %get3A = arith.index_cast %mul3A_32 : i32 to index
        %get3A_33 = tpu.vector_load %arg23[%get3A] {strides = array<i32>} : memref<3200xf32, #tpu.memory_space<vmem>>, vector<16xf32>,
        %get3A_34 = vector.shape_cast %get3A_33 : vector<16xf32> to vector<16xf32>
        %get3A_35 = arith.index_cast %mul3A_32 : i32 to index
        %get3A_36 = tpu.vector_load %arg31[%get3A_35] {strides = array<i32>} : memref<3200xf32, #tpu.memory_space<vmem>>, vector<16xf32>,
        %get3A_37 = vector.shape_cast %get3A_36 : vector<16xf32> to vector<16xf32>
        %sub3A = arith.subf %get3A_34, %get3A_37 : vector<16xf32>
        %swap3A = arith.index_cast %mul3A_32 : i32 to index
        %swap3A_38 = tpu.vector_load %arg23[%swap3A] {strides = array<i32>} : memref<3200xf32, #tpu.memory_space<vmem>>, vector<16xf32>,
        %swap3A_39 = vector.shape_cast %swap3A_38 : vector<16xf32> to vector<16xf32>
        %swap3A_40 = vector.shape_cast %sub3A : vector<16xf32> to vector<16xf32>
        tpu.vector_store %arg23[%swap3A], %swap3A_40 {strides = array<i32>} : memref<3200xf32, #tpu.memory_space<vmem>>, vector<16xf32>,
        %broadcast_in_dim3A = arith.constant 0.000000e+00 : f32
        %broadcast_in_dim3A_41 = vector.broadcast %broadcast_in_dim3A : f32 to vector<16xf32>
        %swap3A_42 = arith.index_cast %mul3A_32 : i32 to index
        %swap3A_43 = tpu.vector_load %arg27[%swap3A_42] {strides = array<i32>} : memref<3200xf32, #tpu.memory_space<vmem>>, vector<16xf32>,
        %swap3A_44 = vector.shape_cast %swap3A_43 : vector<16xf32> to vector<16xf32>
        %swap3A_45 = vector.shape_cast %broadcast_in_dim3A_41 : vector<16xf32> to vector<16xf32>
        tpu.vector_store %arg27[%swap3A_42], %swap3A_45 {strides = array<i32>} : memref<3200xf32, #tpu.memory_space<vmem>>, vector<16xf32>,
      }
      %scan3A_17 = arith.constant 200 : i32
      "tpu.region"() ({
        %run_scoped3A = tpu.sem_alloc : memref<!tpu.dma_semaphore, #tpu.memory_space<semaphore_mem>>
        %dma_start3A = tpu.memref_slice %arg4[%mul3A_0] : memref<51200xf32, #tpu.memory_space<hbm>> -> memref<3200xf32, #tpu.memory_space<hbm>>
        %dma_start3A_30 = tpu.memref_slice %arg4[%mul3A_0] : memref<51200xf32, #tpu.memory_space<hbm>> -> memref<3200xf32, #tpu.memory_space<hbm>>
        tpu.enqueue_dma source(%dma_start3A_30 : memref<3200xf32, #tpu.memory_space<hbm>>) target(%arg24 : memref<3200xf32, #tpu.memory_space<vmem>>) target_semaphore(%run_scoped3A : memref<!tpu.dma_semaphore, #tpu.memory_space<semaphore_mem>>)
        %dma_wait3A = tpu.memref_slice %arg4[%mul3A_0] : memref<51200xf32, #tpu.memory_space<hbm>> -> memref<3200xf32, #tpu.memory_space<hbm>>
        %dma_wait3A_31 = tpu.memref_slice %arg4[%mul3A_0] : memref<51200xf32, #tpu.memory_space<hbm>> -> memref<3200xf32, #tpu.memory_space<hbm>>
        tpu.wait_dma2 semaphore(%run_scoped3A : memref<!tpu.dma_semaphore, #tpu.memory_space<semaphore_mem>>) src(%dma_wait3A_31 : memref<3200xf32, #tpu.memory_space<hbm>>) dst(%arg24 : memref<3200xf32, #tpu.memory_space<vmem>>)
        tpu.yield
      }) : () -> ()
      "tpu.region"() ({
        %run_scoped3A = tpu.sem_alloc : memref<!tpu.dma_semaphore, #tpu.memory_space<semaphore_mem>>
        %dma_start3A = tpu.memref_slice %arg5[%mul3A_0] : memref<51200xi32, #tpu.memory_space<hbm>> -> memref<3200xi32, #tpu.memory_space<hbm>>
        %dma_start3A_30 = tpu.memref_slice %arg5[%mul3A_0] : memref<51200xi32, #tpu.memory_space<hbm>> -> memref<3200xi32, #tpu.memory_space<hbm>>
        tpu.enqueue_dma source(%dma_start3A_30 : memref<3200xi32, #tpu.memory_space<hbm>>) target(%arg26 : memref<3200xi32, #tpu.memory_space<vmem>>) target_semaphore(%run_scoped3A : memref<!tpu.dma_semaphore, #tpu.memory_space<semaphore_mem>>)
        %dma_wait3A = tpu.memref_slice %arg5[%mul3A_0] : memref<51200xi32, #tpu.memory_space<hbm>> -> memref<3200xi32, #tpu.memory_space<hbm>>
        %dma_wait3A_31 = tpu.memref_slice %arg5[%mul3A_0] : memref<51200xi32, #tpu.memory_space<hbm>> -> memref<3200xi32, #tpu.memory_space<hbm>>
        tpu.wait_dma2 semaphore(%run_scoped3A : memref<!tpu.dma_semaphore, #tpu.memory_space<semaphore_mem>>) src(%dma_wait3A_31 : memref<3200xi32, #tpu.memory_space<hbm>>) dst(%arg26 : memref<3200xi32, #tpu.memory_space<vmem>>)
        tpu.yield
      }) : () -> ()
      %scan3A_18 = arith.constant 0 : i32
      %scan3A_19 = arith.constant 0 : i32
      %scan3A_20 = arith.constant 200 : i32
      %scan3A_21 = arith.addi %scan3A_19, %scan3A_20 : i32
      %scan3A_22 = arith.constant 1 : i32
      scf.for %scan3A_30 = %scan3A_19 to %scan3A_21 step %scan3A_22  : i32 {
        %mul3A_31 = arith.constant 16 : i32
        %mul3A_32 = arith.muli %scan3A_30, %mul3A_31 : i32
        %get3A = arith.index_cast %mul3A_32 : i32 to index
        %get3A_33 = tpu.vector_load %arg24[%get3A] {strides = array<i32>} : memref<3200xf32, #tpu.memory_space<vmem>>, vector<16xf32>,
        %get3A_34 = vector.shape_cast %get3A_33 : vector<16xf32> to vector<16xf32>
        %ne3A = arith.constant 0.000000e+00 : f32
        %ne3A_35 = vector.broadcast %ne3A : f32 to vector<16xf32>
        %ne3A_36 = arith.cmpf one, %get3A_34, %ne3A_35 : vector<16xf32>
        %jit3A = arith.constant 1.000000e+00 : f32
        %broadcast_in_dim3A = vector.broadcast %jit3A : f32 to vector<16xf32>
        %select_n3A = arith.select %ne3A_36, %get3A_34, %broadcast_in_dim3A : vector<16xi1>, vector<16xf32>
        %swap3A = arith.index_cast %mul3A_32 : i32 to index
        %swap3A_37 = tpu.vector_load %arg25[%swap3A] {strides = array<i32>} : memref<3200xf32, #tpu.memory_space<vmem>>, vector<16xf32>,
        %swap3A_38 = vector.shape_cast %swap3A_37 : vector<16xf32> to vector<16xf32>
        %swap3A_39 = vector.shape_cast %select_n3A : vector<16xf32> to vector<16xf32>
        tpu.vector_store %arg25[%swap3A], %swap3A_39 {strides = array<i32>} : memref<3200xf32, #tpu.memory_space<vmem>>, vector<16xf32>,
      }
      %scan3A_23 = arith.constant 200 : i32
      %barrier3A = arith.constant 0 : index
      tpu.barrier barrier_id(%barrier3A)
      %scan3A_24 = arith.constant 0 : i32
      %scan3A_25 = arith.constant 0 : i32
      %scan3A_26 = arith.constant 11 : i32
      %scan3A_27 = arith.addi %scan3A_25, %scan3A_26 : i32
      %scan3A_28 = arith.constant 1 : i32
      scf.for %scan3A_30 = %scan3A_25 to %scan3A_27 step %scan3A_28  : i32 {
        "tpu.region"() ({
          %run_scoped3A = tpu.sem_alloc : memref<!tpu.dma_semaphore, #tpu.memory_space<semaphore_mem>>
          %dma_start3A_81 = tpu.memref_slice %arg19[%mul3A_0] : memref<51200xf32, #tpu.memory_space<vmem_shared>> -> memref<3200xf32, #tpu.memory_space<vmem_shared>>
          %dma_start3A_82 = tpu.memref_slice %arg19[%mul3A_0] : memref<51200xf32, #tpu.memory_space<vmem_shared>> -> memref<3200xf32, #tpu.memory_space<vmem_shared>>
          tpu.enqueue_dma source(%arg27 : memref<3200xf32, #tpu.memory_space<vmem>>) target(%dma_start3A_82 : memref<3200xf32, #tpu.memory_space<vmem_shared>>) target_semaphore(%run_scoped3A : memref<!tpu.dma_semaphore, #tpu.memory_space<semaphore_mem>>)
          %dma_wait3A_83 = tpu.memref_slice %arg19[%mul3A_0] : memref<51200xf32, #tpu.memory_space<vmem_shared>> -> memref<3200xf32, #tpu.memory_space<vmem_shared>>
          %dma_wait3A_84 = tpu.memref_slice %arg19[%mul3A_0] : memref<51200xf32, #tpu.memory_space<vmem_shared>> -> memref<3200xf32, #tpu.memory_space<vmem_shared>>
          tpu.wait_dma2 semaphore(%run_scoped3A : memref<!tpu.dma_semaphore, #tpu.memory_space<semaphore_mem>>) src(%arg27 : memref<3200xf32, #tpu.memory_space<vmem>>) dst(%dma_wait3A_84 : memref<3200xf32, #tpu.memory_space<vmem_shared>>)
          tpu.yield
        }) : () -> ()
        %barrier3A_31 = arith.constant 0 : index
        tpu.barrier barrier_id(%barrier3A_31)
        %gt3A = arith.constant 0 : i32
        %gt3A_32 = arith.cmpi sgt, %scan3A_30, %gt3A : i32
        %convert_element_type3A_33 = arith.extui %gt3A_32 : i1 to i32
        %cond3A_34 = arith.constant 0 : i32
        %cond3A_35 = arith.cmpi ne, %convert_element_type3A_33, %cond3A_34 : i32
        scf.if %cond3A_35 {
          %mul3A_81 = arith.constant 52000 : i32
          %mul3A_82 = arith.muli %arg1, %mul3A_81 : i32
          %dma_start3A_83 = tpu.memref_slice %arg6[%mul3A_82] : memref<832000xi32, #tpu.memory_space<hbm>> -> memref<2000xi32, #tpu.memory_space<hbm>>
          %dma_start3A_84 = tpu.memref_slice %arg6[%mul3A_82] : memref<832000xi32, #tpu.memory_space<hbm>> -> memref<2000xi32, #tpu.memory_space<hbm>>
          tpu.enqueue_dma source(%dma_start3A_84 : memref<2000xi32, #tpu.memory_space<hbm>>) target(%arg32 : memref<2000xi32, #tpu.memory_space<vmem>>) target_semaphore(%arg47 : memref<!tpu.dma_semaphore, #tpu.memory_space<semaphore_mem>>)
          %dma_start3A_85 = tpu.memref_slice %arg7[%mul3A_82] : memref<832000xi32, #tpu.memory_space<hbm>> -> memref<2000xi32, #tpu.memory_space<hbm>>
          %dma_start3A_86 = tpu.memref_slice %arg7[%mul3A_82] : memref<832000xi32, #tpu.memory_space<hbm>> -> memref<2000xi32, #tpu.memory_space<hbm>>
          tpu.enqueue_dma source(%dma_start3A_86 : memref<2000xi32, #tpu.memory_space<hbm>>) target(%arg34 : memref<2000xi32, #tpu.memory_space<vmem>>) target_semaphore(%arg47 : memref<!tpu.dma_semaphore, #tpu.memory_space<semaphore_mem>>)
          %dma_start3A_87 = tpu.memref_slice %arg8[%mul3A_82] : memref<832000xf32, #tpu.memory_space<hbm>> -> memref<2000xf32, #tpu.memory_space<hbm>>
          %dma_start3A_88 = tpu.memref_slice %arg8[%mul3A_82] : memref<832000xf32, #tpu.memory_space<hbm>> -> memref<2000xf32, #tpu.memory_space<hbm>>
          tpu.enqueue_dma source(%dma_start3A_88 : memref<2000xf32, #tpu.memory_space<hbm>>) target(%arg36 : memref<2000xf32, #tpu.memory_space<vmem>>) target_semaphore(%arg47 : memref<!tpu.dma_semaphore, #tpu.memory_space<semaphore_mem>>)
          %scan3A_89 = arith.constant 0 : i32
          %scan3A_90 = arith.constant 0 : i32
          %scan3A_91 = arith.constant 13 : i32
          %scan3A_92 = arith.addi %scan3A_90, %scan3A_91 : i32
          %scan3A_93 = arith.constant 1 : i32
          scf.for %scan3A_119 = %scan3A_90 to %scan3A_92 step %scan3A_93  : i32 {
            %mul3A_120 = arith.constant 2 : i32
            %mul3A_121 = arith.muli %mul3A_120, %scan3A_119 : i32
            %mul3A_122 = arith.constant 2000 : i32
            %mul3A_123 = arith.muli %mul3A_121, %mul3A_122 : i32
            %add3A_124 = arith.addi %mul3A_82, %mul3A_123 : i32
            %dma_wait3A_125 = arith.constant 0 : i32
            %dma_wait3A_126 = tpu.memref_slice %arg6[%dma_wait3A_125] : memref<832000xi32, #tpu.memory_space<hbm>> -> memref<2000xi32, #tpu.memory_space<hbm>>
            %dma_wait3A_127 = arith.constant 0 : i32
            %dma_wait3A_128 = tpu.memref_slice %arg6[%dma_wait3A_127] : memref<832000xi32, #tpu.memory_space<hbm>> -> memref<2000xi32, #tpu.memory_space<hbm>>
            tpu.wait_dma2 semaphore(%arg47 : memref<!tpu.dma_semaphore, #tpu.memory_space<semaphore_mem>>) src(%dma_wait3A_128 : memref<2000xi32, #tpu.memory_space<hbm>>) dst(%arg32 : memref<2000xi32, #tpu.memory_space<vmem>>)
            %dma_wait3A_129 = arith.constant 0 : i32
            %dma_wait3A_130 = tpu.memref_slice %arg7[%dma_wait3A_129] : memref<832000xi32, #tpu.memory_space<hbm>> -> memref<2000xi32, #tpu.memory_space<hbm>>
            %dma_wait3A_131 = arith.constant 0 : i32
            %dma_wait3A_132 = tpu.memref_slice %arg7[%dma_wait3A_131] : memref<832000xi32, #tpu.memory_space<hbm>> -> memref<2000xi32, #tpu.memory_space<hbm>>
            tpu.wait_dma2 semaphore(%arg47 : memref<!tpu.dma_semaphore, #tpu.memory_space<semaphore_mem>>) src(%dma_wait3A_132 : memref<2000xi32, #tpu.memory_space<hbm>>) dst(%arg34 : memref<2000xi32, #tpu.memory_space<vmem>>)
            %dma_wait3A_133 = arith.constant 0 : i32
            %dma_wait3A_134 = tpu.memref_slice %arg8[%dma_wait3A_133] : memref<832000xf32, #tpu.memory_space<hbm>> -> memref<2000xf32, #tpu.memory_space<hbm>>
            %dma_wait3A_135 = arith.constant 0 : i32
            %dma_wait3A_136 = tpu.memref_slice %arg8[%dma_wait3A_135] : memref<832000xf32, #tpu.memory_space<hbm>> -> memref<2000xf32, #tpu.memory_space<hbm>>
            tpu.wait_dma2 semaphore(%arg47 : memref<!tpu.dma_semaphore, #tpu.memory_space<semaphore_mem>>) src(%dma_wait3A_136 : memref<2000xf32, #tpu.memory_space<hbm>>) dst(%arg36 : memref<2000xf32, #tpu.memory_space<vmem>>)
            %dma_start3A_137 = arith.constant 0 : i32
            %dma_start3A_138 = tpu.memref_slice %arg17[%dma_start3A_137] : memref<51200xf32, #tpu.memory_space<vmem_shared>> -> memref<51200xf32, #tpu.memory_space<vmem_shared>>
            tpu.enqueue_indirect_dma source(%dma_start3A_138 : memref<51200xf32, #tpu.memory_space<vmem_shared>>) target(%arg38 : memref<2000xf32, #tpu.memory_space<vmem>>) offsets(%arg32 : memref<2000xi32, #tpu.memory_space<vmem>>) semaphore(%arg49 : memref<!tpu.dma_semaphore, #tpu.memory_space<semaphore_mem>>)
            %gt3A_139 = arith.constant 0 : i32
            %gt3A_140 = arith.cmpi sgt, %scan3A_119, %gt3A_139 : i32
            %convert_element_type3A_141 = arith.extui %gt3A_140 : i1 to i32
            %cond3A_142 = arith.constant 0 : i32
            %cond3A_143 = arith.cmpi ne, %convert_element_type3A_141, %cond3A_142 : i32
            scf.if %cond3A_143 {
              %gt3A_189 = arith.constant 1 : i32
              %gt3A_190 = arith.cmpi sgt, %scan3A_119, %gt3A_189 : i32
              %dma_wait3A_191 = arith.constant 0 : i32
              %dma_wait3A_192 = tpu.memref_slice %arg8[%dma_wait3A_191] : memref<832000xf32, #tpu.memory_space<hbm>> -> memref<2000xf32, #tpu.memory_space<hbm>>
              %dma_wait3A_193 = arith.constant 0 : i32
              %dma_wait3A_194 = tpu.memref_slice %arg8[%dma_wait3A_193] : memref<832000xf32, #tpu.memory_space<hbm>> -> memref<2000xf32, #tpu.memory_space<hbm>>
              tpu.wait_dma2 semaphore(%arg50 : memref<!tpu.dma_semaphore, #tpu.memory_space<semaphore_mem>>) src(%dma_wait3A_194 : memref<2000xf32, #tpu.memory_space<hbm>>) dst(%arg39 : memref<2000xf32, #tpu.memory_space<vmem>>)
              %convert_element_type3A_195 = arith.extui %gt3A_190 : i1 to i32
              %cond3A_196 = arith.constant 0 : i32
              %cond3A_197 = arith.cmpi ne, %convert_element_type3A_195, %cond3A_196 : i32
              scf.if %cond3A_197 {
                %dma_wait3A_206 = arith.constant 0 : i32
                %dma_wait3A_207 = tpu.memref_slice %arg8[%dma_wait3A_206] : memref<832000xf32, #tpu.memory_space<hbm>> -> memref<2000xf32, #tpu.memory_space<hbm>>
                %dma_wait3A_208 = arith.constant 0 : i32
                %dma_wait3A_209 = tpu.memref_slice %arg8[%dma_wait3A_208] : memref<832000xf32, #tpu.memory_space<hbm>> -> memref<2000xf32, #tpu.memory_space<hbm>>
                tpu.wait_dma2 semaphore(%arg52 : memref<!tpu.dma_semaphore, #tpu.memory_space<semaphore_mem>>) src(%dma_wait3A_209 : memref<2000xf32, #tpu.memory_space<hbm>>) dst(%arg41 : memref<2000xf32, #tpu.memory_space<vmem>>)
              } else {
              }
              %scan3A_198 = arith.constant 0 : i32
              %scan3A_199 = arith.constant 0 : i32
              %scan3A_200 = arith.constant 25 : i32
              %scan3A_201 = arith.addi %scan3A_199, %scan3A_200 : i32
              %scan3A_202 = arith.constant 1 : i32
              scf.for %scan3A_206 = %scan3A_199 to %scan3A_201 step %scan3A_202  : i32 {
                %mul3A_207 = arith.constant 5 : i32
                %mul3A_208 = arith.muli %scan3A_206, %mul3A_207 : i32
                %add3A_209 = arith.constant 0 : i32
                %add3A_210 = arith.addi %mul3A_208, %add3A_209 : i32
                %mul3A_211 = arith.constant 16 : i32
                %mul3A_212 = arith.muli %add3A_210, %mul3A_211 : i32
                %get3A = arith.index_cast %mul3A_212 : i32 to index
                %get3A_213 = tpu.vector_load %arg39[%get3A] {strides = array<i32>} : memref<2000xf32, #tpu.memory_space<vmem>>, vector<16xf32>,
                %get3A_214 = vector.shape_cast %get3A_213 : vector<16xf32> to vector<16xf32>
                %get3A_215 = arith.index_cast %mul3A_212 : i32 to index
                %get3A_216 = tpu.vector_load %arg37[%get3A_215] {strides = array<i32>} : memref<2000xf32, #tpu.memory_space<vmem>>, vector<16xf32>,
                %get3A_217 = vector.shape_cast %get3A_216 : vector<16xf32> to vector<16xf32>
                %mul3A_218 = arith.mulf %get3A_214, %get3A_217 : vector<16xf32>
                %swap3A = arith.index_cast %mul3A_212 : i32 to index
                %swap3A_219 = tpu.vector_load %arg41[%swap3A] {strides = array<i32>} : memref<2000xf32, #tpu.memory_space<vmem>>, vector<16xf32>,
                %swap3A_220 = vector.shape_cast %swap3A_219 : vector<16xf32> to vector<16xf32>
                %swap3A_221 = vector.shape_cast %mul3A_218 : vector<16xf32> to vector<16xf32>
                tpu.vector_store %arg41[%swap3A], %swap3A_221 {strides = array<i32>} : memref<2000xf32, #tpu.memory_space<vmem>>, vector<16xf32>,
                %get3A_222 = arith.index_cast %mul3A_212 : i32 to index
                %get3A_223 = tpu.vector_load %arg35[%get3A_222] {strides = array<i32>} : memref<2000xi32, #tpu.memory_space<vmem>>, vector<16xi32>,
                %get3A_224 = vector.shape_cast %get3A_223 : vector<16xi32> to vector<16xi32>
                %swap3A_225 = arith.index_cast %mul3A_212 : i32 to index
                %swap3A_226 = tpu.vector_load %arg43[%swap3A_225] {strides = array<i32>} : memref<2000xi32, #tpu.memory_space<vmem>>, vector<16xi32>,
                %swap3A_227 = vector.shape_cast %swap3A_226 : vector<16xi32> to vector<16xi32>
                %swap3A_228 = vector.shape_cast %get3A_224 : vector<16xi32> to vector<16xi32>
                tpu.vector_store %arg43[%swap3A_225], %swap3A_228 {strides = array<i32>} : memref<2000xi32, #tpu.memory_space<vmem>>, vector<16xi32>,
                %mul3A_229 = arith.constant 5 : i32
                %mul3A_230 = arith.muli %scan3A_206, %mul3A_229 : i32
                %add3A_231 = arith.constant 1 : i32
                %add3A_232 = arith.addi %mul3A_230, %add3A_231 : i32
                %mul3A_233 = arith.constant 16 : i32
                %mul3A_234 = arith.muli %add3A_232, %mul3A_233 : i32
                %get3A_235 = arith.index_cast %mul3A_234 : i32 to index
                %get3A_236 = tpu.vector_load %arg39[%get3A_235] {strides = array<i32>} : memref<2000xf32, #tpu.memory_space<vmem>>, vector<16xf32>,
                %get3A_237 = vector.shape_cast %get3A_236 : vector<16xf32> to vector<16xf32>
                %get3A_238 = arith.index_cast %mul3A_234 : i32 to index
                %get3A_239 = tpu.vector_load %arg37[%get3A_238] {strides = array<i32>} : memref<2000xf32, #tpu.memory_space<vmem>>, vector<16xf32>,
                %get3A_240 = vector.shape_cast %get3A_239 : vector<16xf32> to vector<16xf32>
                %mul3A_241 = arith.mulf %get3A_237, %get3A_240 : vector<16xf32>
                %swap3A_242 = arith.index_cast %mul3A_234 : i32 to index
                %swap3A_243 = tpu.vector_load %arg41[%swap3A_242] {strides = array<i32>} : memref<2000xf32, #tpu.memory_space<vmem>>, vector<16xf32>,
                %swap3A_244 = vector.shape_cast %swap3A_243 : vector<16xf32> to vector<16xf32>
                %swap3A_245 = vector.shape_cast %mul3A_241 : vector<16xf32> to vector<16xf32>
                tpu.vector_store %arg41[%swap3A_242], %swap3A_245 {strides = array<i32>} : memref<2000xf32, #tpu.memory_space<vmem>>, vector<16xf32>,
                %get3A_246 = arith.index_cast %mul3A_234 : i32 to index
                %get3A_247 = tpu.vector_load %arg35[%get3A_246] {strides = array<i32>} : memref<2000xi32, #tpu.memory_space<vmem>>, vector<16xi32>,
                %get3A_248 = vector.shape_cast %get3A_247 : vector<16xi32> to vector<16xi32>
                %swap3A_249 = arith.index_cast %mul3A_234 : i32 to index
                %swap3A_250 = tpu.vector_load %arg43[%swap3A_249] {strides = array<i32>} : memref<2000xi32, #tpu.memory_space<vmem>>, vector<16xi32>,
                %swap3A_251 = vector.shape_cast %swap3A_250 : vector<16xi32> to vector<16xi32>
                %swap3A_252 = vector.shape_cast %get3A_248 : vector<16xi32> to vector<16xi32>
                tpu.vector_store %arg43[%swap3A_249], %swap3A_252 {strides = array<i32>} : memref<2000xi32, #tpu.memory_space<vmem>>, vector<16xi32>,
                %mul3A_253 = arith.constant 5 : i32
                %mul3A_254 = arith.muli %scan3A_206, %mul3A_253 : i32
                %add3A_255 = arith.constant 2 : i32
                %add3A_256 = arith.addi %mul3A_254, %add3A_255 : i32
                %mul3A_257 = arith.constant 16 : i32
                %mul3A_258 = arith.muli %add3A_256, %mul3A_257 : i32
                %get3A_259 = arith.index_cast %mul3A_258 : i32 to index
                %get3A_260 = tpu.vector_load %arg39[%get3A_259] {strides = array<i32>} : memref<2000xf32, #tpu.memory_space<vmem>>, vector<16xf32>,
                %get3A_261 = vector.shape_cast %get3A_260 : vector<16xf32> to vector<16xf32>
                %get3A_262 = arith.index_cast %mul3A_258 : i32 to index
                %get3A_263 = tpu.vector_load %arg37[%get3A_262] {strides = array<i32>} : memref<2000xf32, #tpu.memory_space<vmem>>, vector<16xf32>,
                %get3A_264 = vector.shape_cast %get3A_263 : vector<16xf32> to vector<16xf32>
                %mul3A_265 = arith.mulf %get3A_261, %get3A_264 : vector<16xf32>
                %swap3A_266 = arith.index_cast %mul3A_258 : i32 to index
                %swap3A_267 = tpu.vector_load %arg41[%swap3A_266] {strides = array<i32>} : memref<2000xf32, #tpu.memory_space<vmem>>, vector<16xf32>,
                %swap3A_268 = vector.shape_cast %swap3A_267 : vector<16xf32> to vector<16xf32>
                %swap3A_269 = vector.shape_cast %mul3A_265 : vector<16xf32> to vector<16xf32>
                tpu.vector_store %arg41[%swap3A_266], %swap3A_269 {strides = array<i32>} : memref<2000xf32, #tpu.memory_space<vmem>>, vector<16xf32>,
                %get3A_270 = arith.index_cast %mul3A_258 : i32 to index
                %get3A_271 = tpu.vector_load %arg35[%get3A_270] {strides = array<i32>} : memref<2000xi32, #tpu.memory_space<vmem>>, vector<16xi32>,
                %get3A_272 = vector.shape_cast %get3A_271 : vector<16xi32> to vector<16xi32>
                %swap3A_273 = arith.index_cast %mul3A_258 : i32 to index
                %swap3A_274 = tpu.vector_load %arg43[%swap3A_273] {strides = array<i32>} : memref<2000xi32, #tpu.memory_space<vmem>>, vector<16xi32>,
                %swap3A_275 = vector.shape_cast %swap3A_274 : vector<16xi32> to vector<16xi32>
                %swap3A_276 = vector.shape_cast %get3A_272 : vector<16xi32> to vector<16xi32>
                tpu.vector_store %arg43[%swap3A_273], %swap3A_276 {strides = array<i32>} : memref<2000xi32, #tpu.memory_space<vmem>>, vector<16xi32>,
                %mul3A_277 = arith.constant 5 : i32
                %mul3A_278 = arith.muli %scan3A_206, %mul3A_277 : i32
                %add3A_279 = arith.constant 3 : i32
                %add3A_280 = arith.addi %mul3A_278, %add3A_279 : i32
                %mul3A_281 = arith.constant 16 : i32
                %mul3A_282 = arith.muli %add3A_280, %mul3A_281 : i32
                %get3A_283 = arith.index_cast %mul3A_282 : i32 to index
                %get3A_284 = tpu.vector_load %arg39[%get3A_283] {strides = array<i32>} : memref<2000xf32, #tpu.memory_space<vmem>>, vector<16xf32>,
                %get3A_285 = vector.shape_cast %get3A_284 : vector<16xf32> to vector<16xf32>
                %get3A_286 = arith.index_cast %mul3A_282 : i32 to index
                %get3A_287 = tpu.vector_load %arg37[%get3A_286] {strides = array<i32>} : memref<2000xf32, #tpu.memory_space<vmem>>, vector<16xf32>,
                %get3A_288 = vector.shape_cast %get3A_287 : vector<16xf32> to vector<16xf32>
                %mul3A_289 = arith.mulf %get3A_285, %get3A_288 : vector<16xf32>
                %swap3A_290 = arith.index_cast %mul3A_282 : i32 to index
                %swap3A_291 = tpu.vector_load %arg41[%swap3A_290] {strides = array<i32>} : memref<2000xf32, #tpu.memory_space<vmem>>, vector<16xf32>,
                %swap3A_292 = vector.shape_cast %swap3A_291 : vector<16xf32> to vector<16xf32>
                %swap3A_293 = vector.shape_cast %mul3A_289 : vector<16xf32> to vector<16xf32>
                tpu.vector_store %arg41[%swap3A_290], %swap3A_293 {strides = array<i32>} : memref<2000xf32, #tpu.memory_space<vmem>>, vector<16xf32>,
                %get3A_294 = arith.index_cast %mul3A_282 : i32 to index
                %get3A_295 = tpu.vector_load %arg35[%get3A_294] {strides = array<i32>} : memref<2000xi32, #tpu.memory_space<vmem>>, vector<16xi32>,
                %get3A_296 = vector.shape_cast %get3A_295 : vector<16xi32> to vector<16xi32>
                %swap3A_297 = arith.index_cast %mul3A_282 : i32 to index
                %swap3A_298 = tpu.vector_load %arg43[%swap3A_297] {strides = array<i32>} : memref<2000xi32, #tpu.memory_space<vmem>>, vector<16xi32>,
                %swap3A_299 = vector.shape_cast %swap3A_298 : vector<16xi32> to vector<16xi32>
                %swap3A_300 = vector.shape_cast %get3A_296 : vector<16xi32> to vector<16xi32>
                tpu.vector_store %arg43[%swap3A_297], %swap3A_300 {strides = array<i32>} : memref<2000xi32, #tpu.memory_space<vmem>>, vector<16xi32>,
                %mul3A_301 = arith.constant 5 : i32
                %mul3A_302 = arith.muli %scan3A_206, %mul3A_301 : i32
                %add3A_303 = arith.constant 4 : i32
                %add3A_304 = arith.addi %mul3A_302, %add3A_303 : i32
                %mul3A_305 = arith.constant 16 : i32
                %mul3A_306 = arith.muli %add3A_304, %mul3A_305 : i32
                %get3A_307 = arith.index_cast %mul3A_306 : i32 to index
                %get3A_308 = tpu.vector_load %arg39[%get3A_307] {strides = array<i32>} : memref<2000xf32, #tpu.memory_space<vmem>>, vector<16xf32>,
                %get3A_309 = vector.shape_cast %get3A_308 : vector<16xf32> to vector<16xf32>
                %get3A_310 = arith.index_cast %mul3A_306 : i32 to index
                %get3A_311 = tpu.vector_load %arg37[%get3A_310] {strides = array<i32>} : memref<2000xf32, #tpu.memory_space<vmem>>, vector<16xf32>,
                %get3A_312 = vector.shape_cast %get3A_311 : vector<16xf32> to vector<16xf32>
                %mul3A_313 = arith.mulf %get3A_309, %get3A_312 : vector<16xf32>
                %swap3A_314 = arith.index_cast %mul3A_306 : i32 to index
                %swap3A_315 = tpu.vector_load %arg41[%swap3A_314] {strides = array<i32>} : memref<2000xf32, #tpu.memory_space<vmem>>, vector<16xf32>,
                %swap3A_316 = vector.shape_cast %swap3A_315 : vector<16xf32> to vector<16xf32>
                %swap3A_317 = vector.shape_cast %mul3A_313 : vector<16xf32> to vector<16xf32>
                tpu.vector_store %arg41[%swap3A_314], %swap3A_317 {strides = array<i32>} : memref<2000xf32, #tpu.memory_space<vmem>>, vector<16xf32>,
                %get3A_318 = arith.index_cast %mul3A_306 : i32 to index
                %get3A_319 = tpu.vector_load %arg35[%get3A_318] {strides = array<i32>} : memref<2000xi32, #tpu.memory_space<vmem>>, vector<16xi32>,
                %get3A_320 = vector.shape_cast %get3A_319 : vector<16xi32> to vector<16xi32>
                %swap3A_321 = arith.index_cast %mul3A_306 : i32 to index
                %swap3A_322 = tpu.vector_load %arg43[%swap3A_321] {strides = array<i32>} : memref<2000xi32, #tpu.memory_space<vmem>>, vector<16xi32>,
                %swap3A_323 = vector.shape_cast %swap3A_322 : vector<16xi32> to vector<16xi32>
                %swap3A_324 = vector.shape_cast %get3A_320 : vector<16xi32> to vector<16xi32>
                tpu.vector_store %arg43[%swap3A_321], %swap3A_324 {strides = array<i32>} : memref<2000xi32, #tpu.memory_space<vmem>>, vector<16xi32>,
              }
              %scan3A_203 = arith.constant 25 : i32
              %dma_start3A_204 = arith.constant 0 : i32
              %dma_start3A_205 = tpu.memref_slice %arg19[%dma_start3A_204] : memref<51200xf32, #tpu.memory_space<vmem_shared>> -> memref<51200xf32, #tpu.memory_space<vmem_shared>>
              tpu.enqueue_indirect_dma source(%arg41 : memref<2000xf32, #tpu.memory_space<vmem>>) target(%dma_start3A_205 : memref<51200xf32, #tpu.memory_space<vmem_shared>>) offsets(%arg43 : memref<2000xi32, #tpu.memory_space<vmem>>) semaphore(%arg52 : memref<!tpu.dma_semaphore, #tpu.memory_space<semaphore_mem>>) {add = true}
            } else {
            }
            %add3A_144 = arith.constant 2000 : i32
            %add3A_145 = arith.addi %add3A_124, %add3A_144 : i32
            %dma_start3A_146 = tpu.memref_slice %arg6[%add3A_145] : memref<832000xi32, #tpu.memory_space<hbm>> -> memref<2000xi32, #tpu.memory_space<hbm>>
            %dma_start3A_147 = tpu.memref_slice %arg6[%add3A_145] : memref<832000xi32, #tpu.memory_space<hbm>> -> memref<2000xi32, #tpu.memory_space<hbm>>
            tpu.enqueue_dma source(%dma_start3A_147 : memref<2000xi32, #tpu.memory_space<hbm>>) target(%arg33 : memref<2000xi32, #tpu.memory_space<vmem>>) target_semaphore(%arg48 : memref<!tpu.dma_semaphore, #tpu.memory_space<semaphore_mem>>)
            %dma_start3A_148 = tpu.memref_slice %arg7[%add3A_145] : memref<832000xi32, #tpu.memory_space<hbm>> -> memref<2000xi32, #tpu.memory_space<hbm>>
            %dma_start3A_149 = tpu.memref_slice %arg7[%add3A_145] : memref<832000xi32, #tpu.memory_space<hbm>> -> memref<2000xi32, #tpu.memory_space<hbm>>
            tpu.enqueue_dma source(%dma_start3A_149 : memref<2000xi32, #tpu.memory_space<hbm>>) target(%arg35 : memref<2000xi32, #tpu.memory_space<vmem>>) target_semaphore(%arg48 : memref<!tpu.dma_semaphore, #tpu.memory_space<semaphore_mem>>)
            %dma_start3A_150 = tpu.memref_slice %arg8[%add3A_145] : memref<832000xf32, #tpu.memory_space<hbm>> -> memref<2000xf32, #tpu.memory_space<hbm>>
            %dma_start3A_151 = tpu.memref_slice %arg8[%add3A_145] : memref<832000xf32, #tpu.memory_space<hbm>> -> memref<2000xf32, #tpu.memory_space<hbm>>
            tpu.enqueue_dma source(%dma_start3A_151 : memref<2000xf32, #tpu.memory_space<hbm>>) target(%arg37 : memref<2000xf32, #tpu.memory_space<vmem>>) target_semaphore(%arg48 : memref<!tpu.dma_semaphore, #tpu.memory_space<semaphore_mem>>)
            %dma_wait3A_152 = arith.constant 0 : i32
            %dma_wait3A_153 = tpu.memref_slice %arg6[%dma_wait3A_152] : memref<832000xi32, #tpu.memory_space<hbm>> -> memref<2000xi32, #tpu.memory_space<hbm>>
            %dma_wait3A_154 = arith.constant 0 : i32
            %dma_wait3A_155 = tpu.memref_slice %arg6[%dma_wait3A_154] : memref<832000xi32, #tpu.memory_space<hbm>> -> memref<2000xi32, #tpu.memory_space<hbm>>
            tpu.wait_dma2 semaphore(%arg48 : memref<!tpu.dma_semaphore, #tpu.memory_space<semaphore_mem>>) src(%dma_wait3A_155 : memref<2000xi32, #tpu.memory_space<hbm>>) dst(%arg33 : memref<2000xi32, #tpu.memory_space<vmem>>)
            %dma_wait3A_156 = arith.constant 0 : i32
            %dma_wait3A_157 = tpu.memref_slice %arg7[%dma_wait3A_156] : memref<832000xi32, #tpu.memory_space<hbm>> -> memref<2000xi32, #tpu.memory_space<hbm>>
            %dma_wait3A_158 = arith.constant 0 : i32
            %dma_wait3A_159 = tpu.memref_slice %arg7[%dma_wait3A_158] : memref<832000xi32, #tpu.memory_space<hbm>> -> memref<2000xi32, #tpu.memory_space<hbm>>
            tpu.wait_dma2 semaphore(%arg48 : memref<!tpu.dma_semaphore, #tpu.memory_space<semaphore_mem>>) src(%dma_wait3A_159 : memref<2000xi32, #tpu.memory_space<hbm>>) dst(%arg35 : memref<2000xi32, #tpu.memory_space<vmem>>)
            %dma_wait3A_160 = arith.constant 0 : i32
            %dma_wait3A_161 = tpu.memref_slice %arg8[%dma_wait3A_160] : memref<832000xf32, #tpu.memory_space<hbm>> -> memref<2000xf32, #tpu.memory_space<hbm>>
            %dma_wait3A_162 = arith.constant 0 : i32
            %dma_wait3A_163 = tpu.memref_slice %arg8[%dma_wait3A_162] : memref<832000xf32, #tpu.memory_space<hbm>> -> memref<2000xf32, #tpu.memory_space<hbm>>
            tpu.wait_dma2 semaphore(%arg48 : memref<!tpu.dma_semaphore, #tpu.memory_space<semaphore_mem>>) src(%dma_wait3A_163 : memref<2000xf32, #tpu.memory_space<hbm>>) dst(%arg37 : memref<2000xf32, #tpu.memory_space<vmem>>)
            %dma_start3A_164 = arith.constant 0 : i32
            %dma_start3A_165 = tpu.memref_slice %arg17[%dma_start3A_164] : memref<51200xf32, #tpu.memory_space<vmem_shared>> -> memref<51200xf32, #tpu.memory_space<vmem_shared>>
            tpu.enqueue_indirect_dma source(%dma_start3A_165 : memref<51200xf32, #tpu.memory_space<vmem_shared>>) target(%arg39 : memref<2000xf32, #tpu.memory_space<vmem>>) offsets(%arg33 : memref<2000xi32, #tpu.memory_space<vmem>>) semaphore(%arg50 : memref<!tpu.dma_semaphore, #tpu.memory_space<semaphore_mem>>)
            %gt3A_166 = arith.constant 0 : i32
            %gt3A_167 = arith.cmpi sgt, %scan3A_119, %gt3A_166 : i32
            %dma_wait3A_168 = arith.constant 0 : i32
            %dma_wait3A_169 = tpu.memref_slice %arg8[%dma_wait3A_168] : memref<832000xf32, #tpu.memory_space<hbm>> -> memref<2000xf32, #tpu.memory_space<hbm>>
            %dma_wait3A_170 = arith.constant 0 : i32
            %dma_wait3A_171 = tpu.memref_slice %arg8[%dma_wait3A_170] : memref<832000xf32, #tpu.memory_space<hbm>> -> memref<2000xf32, #tpu.memory_space<hbm>>
            tpu.wait_dma2 semaphore(%arg49 : memref<!tpu.dma_semaphore, #tpu.memory_space<semaphore_mem>>) src(%dma_wait3A_171 : memref<2000xf32, #tpu.memory_space<hbm>>) dst(%arg38 : memref<2000xf32, #tpu.memory_space<vmem>>)
            %convert_element_type3A_172 = arith.extui %gt3A_167 : i1 to i32
            %cond3A_173 = arith.constant 0 : i32
            %cond3A_174 = arith.cmpi ne, %convert_element_type3A_172, %cond3A_173 : i32
            scf.if %cond3A_174 {
              %dma_wait3A_189 = arith.constant 0 : i32
              %dma_wait3A_190 = tpu.memref_slice %arg8[%dma_wait3A_189] : memref<832000xf32, #tpu.memory_space<hbm>> -> memref<2000xf32, #tpu.memory_space<hbm>>
              %dma_wait3A_191 = arith.constant 0 : i32
              %dma_wait3A_192 = tpu.memref_slice %arg8[%dma_wait3A_191] : memref<832000xf32, #tpu.memory_space<hbm>> -> memref<2000xf32, #tpu.memory_space<hbm>>
              tpu.wait_dma2 semaphore(%arg51 : memref<!tpu.dma_semaphore, #tpu.memory_space<semaphore_mem>>) src(%dma_wait3A_192 : memref<2000xf32, #tpu.memory_space<hbm>>) dst(%arg40 : memref<2000xf32, #tpu.memory_space<vmem>>)
            } else {
            }
            %scan3A_175 = arith.constant 0 : i32
            %scan3A_176 = arith.constant 0 : i32
            %scan3A_177 = arith.constant 25 : i32
            %scan3A_178 = arith.addi %scan3A_176, %scan3A_177 : i32
            %scan3A_179 = arith.constant 1 : i32
            scf.for %scan3A_189 = %scan3A_176 to %scan3A_178 step %scan3A_179  : i32 {
              %mul3A_190 = arith.constant 5 : i32
              %mul3A_191 = arith.muli %scan3A_189, %mul3A_190 : i32
              %add3A_192 = arith.constant 0 : i32
              %add3A_193 = arith.addi %mul3A_191, %add3A_192 : i32
              %mul3A_194 = arith.constant 16 : i32
              %mul3A_195 = arith.muli %add3A_193, %mul3A_194 : i32
              %get3A = arith.index_cast %mul3A_195 : i32 to index
              %get3A_196 = tpu.vector_load %arg38[%get3A] {strides = array<i32>} : memref<2000xf32, #tpu.memory_space<vmem>>, vector<16xf32>,
              %get3A_197 = vector.shape_cast %get3A_196 : vector<16xf32> to vector<16xf32>
              %get3A_198 = arith.index_cast %mul3A_195 : i32 to index
              %get3A_199 = tpu.vector_load %arg36[%get3A_198] {strides = array<i32>} : memref<2000xf32, #tpu.memory_space<vmem>>, vector<16xf32>,
              %get3A_200 = vector.shape_cast %get3A_199 : vector<16xf32> to vector<16xf32>
              %mul3A_201 = arith.mulf %get3A_197, %get3A_200 : vector<16xf32>
              %swap3A = arith.index_cast %mul3A_195 : i32 to index
              %swap3A_202 = tpu.vector_load %arg40[%swap3A] {strides = array<i32>} : memref<2000xf32, #tpu.memory_space<vmem>>, vector<16xf32>,
              %swap3A_203 = vector.shape_cast %swap3A_202 : vector<16xf32> to vector<16xf32>
              %swap3A_204 = vector.shape_cast %mul3A_201 : vector<16xf32> to vector<16xf32>
              tpu.vector_store %arg40[%swap3A], %swap3A_204 {strides = array<i32>} : memref<2000xf32, #tpu.memory_space<vmem>>, vector<16xf32>,
              %get3A_205 = arith.index_cast %mul3A_195 : i32 to index
              %get3A_206 = tpu.vector_load %arg34[%get3A_205] {strides = array<i32>} : memref<2000xi32, #tpu.memory_space<vmem>>, vector<16xi32>,
              %get3A_207 = vector.shape_cast %get3A_206 : vector<16xi32> to vector<16xi32>
              %swap3A_208 = arith.index_cast %mul3A_195 : i32 to index
              %swap3A_209 = tpu.vector_load %arg42[%swap3A_208] {strides = array<i32>} : memref<2000xi32, #tpu.memory_space<vmem>>, vector<16xi32>,
              %swap3A_210 = vector.shape_cast %swap3A_209 : vector<16xi32> to vector<16xi32>
              %swap3A_211 = vector.shape_cast %get3A_207 : vector<16xi32> to vector<16xi32>
              tpu.vector_store %arg42[%swap3A_208], %swap3A_211 {strides = array<i32>} : memref<2000xi32, #tpu.memory_space<vmem>>, vector<16xi32>,
              %mul3A_212 = arith.constant 5 : i32
              %mul3A_213 = arith.muli %scan3A_189, %mul3A_212 : i32
              %add3A_214 = arith.constant 1 : i32
              %add3A_215 = arith.addi %mul3A_213, %add3A_214 : i32
              %mul3A_216 = arith.constant 16 : i32
              %mul3A_217 = arith.muli %add3A_215, %mul3A_216 : i32
              %get3A_218 = arith.index_cast %mul3A_217 : i32 to index
              %get3A_219 = tpu.vector_load %arg38[%get3A_218] {strides = array<i32>} : memref<2000xf32, #tpu.memory_space<vmem>>, vector<16xf32>,
              %get3A_220 = vector.shape_cast %get3A_219 : vector<16xf32> to vector<16xf32>
              %get3A_221 = arith.index_cast %mul3A_217 : i32 to index
              %get3A_222 = tpu.vector_load %arg36[%get3A_221] {strides = array<i32>} : memref<2000xf32, #tpu.memory_space<vmem>>, vector<16xf32>,
              %get3A_223 = vector.shape_cast %get3A_222 : vector<16xf32> to vector<16xf32>
              %mul3A_224 = arith.mulf %get3A_220, %get3A_223 : vector<16xf32>
              %swap3A_225 = arith.index_cast %mul3A_217 : i32 to index
              %swap3A_226 = tpu.vector_load %arg40[%swap3A_225] {strides = array<i32>} : memref<2000xf32, #tpu.memory_space<vmem>>, vector<16xf32>,
              %swap3A_227 = vector.shape_cast %swap3A_226 : vector<16xf32> to vector<16xf32>
              %swap3A_228 = vector.shape_cast %mul3A_224 : vector<16xf32> to vector<16xf32>
              tpu.vector_store %arg40[%swap3A_225], %swap3A_228 {strides = array<i32>} : memref<2000xf32, #tpu.memory_space<vmem>>, vector<16xf32>,
              %get3A_229 = arith.index_cast %mul3A_217 : i32 to index
              %get3A_230 = tpu.vector_load %arg34[%get3A_229] {strides = array<i32>} : memref<2000xi32, #tpu.memory_space<vmem>>, vector<16xi32>,
              %get3A_231 = vector.shape_cast %get3A_230 : vector<16xi32> to vector<16xi32>
              %swap3A_232 = arith.index_cast %mul3A_217 : i32 to index
              %swap3A_233 = tpu.vector_load %arg42[%swap3A_232] {strides = array<i32>} : memref<2000xi32, #tpu.memory_space<vmem>>, vector<16xi32>,
              %swap3A_234 = vector.shape_cast %swap3A_233 : vector<16xi32> to vector<16xi32>
              %swap3A_235 = vector.shape_cast %get3A_231 : vector<16xi32> to vector<16xi32>
              tpu.vector_store %arg42[%swap3A_232], %swap3A_235 {strides = array<i32>} : memref<2000xi32, #tpu.memory_space<vmem>>, vector<16xi32>,
              %mul3A_236 = arith.constant 5 : i32
              %mul3A_237 = arith.muli %scan3A_189, %mul3A_236 : i32
              %add3A_238 = arith.constant 2 : i32
              %add3A_239 = arith.addi %mul3A_237, %add3A_238 : i32
              %mul3A_240 = arith.constant 16 : i32
              %mul3A_241 = arith.muli %add3A_239, %mul3A_240 : i32
              %get3A_242 = arith.index_cast %mul3A_241 : i32 to index
              %get3A_243 = tpu.vector_load %arg38[%get3A_242] {strides = array<i32>} : memref<2000xf32, #tpu.memory_space<vmem>>, vector<16xf32>,
              %get3A_244 = vector.shape_cast %get3A_243 : vector<16xf32> to vector<16xf32>
              %get3A_245 = arith.index_cast %mul3A_241 : i32 to index
              %get3A_246 = tpu.vector_load %arg36[%get3A_245] {strides = array<i32>} : memref<2000xf32, #tpu.memory_space<vmem>>, vector<16xf32>,
              %get3A_247 = vector.shape_cast %get3A_246 : vector<16xf32> to vector<16xf32>
              %mul3A_248 = arith.mulf %get3A_244, %get3A_247 : vector<16xf32>
              %swap3A_249 = arith.index_cast %mul3A_241 : i32 to index
              %swap3A_250 = tpu.vector_load %arg40[%swap3A_249] {strides = array<i32>} : memref<2000xf32, #tpu.memory_space<vmem>>, vector<16xf32>,
              %swap3A_251 = vector.shape_cast %swap3A_250 : vector<16xf32> to vector<16xf32>
              %swap3A_252 = vector.shape_cast %mul3A_248 : vector<16xf32> to vector<16xf32>
              tpu.vector_store %arg40[%swap3A_249], %swap3A_252 {strides = array<i32>} : memref<2000xf32, #tpu.memory_space<vmem>>, vector<16xf32>,
              %get3A_253 = arith.index_cast %mul3A_241 : i32 to index
              %get3A_254 = tpu.vector_load %arg34[%get3A_253] {strides = array<i32>} : memref<2000xi32, #tpu.memory_space<vmem>>, vector<16xi32>,
              %get3A_255 = vector.shape_cast %get3A_254 : vector<16xi32> to vector<16xi32>
              %swap3A_256 = arith.index_cast %mul3A_241 : i32 to index
              %swap3A_257 = tpu.vector_load %arg42[%swap3A_256] {strides = array<i32>} : memref<2000xi32, #tpu.memory_space<vmem>>, vector<16xi32>,
              %swap3A_258 = vector.shape_cast %swap3A_257 : vector<16xi32> to vector<16xi32>
              %swap3A_259 = vector.shape_cast %get3A_255 : vector<16xi32> to vector<16xi32>
              tpu.vector_store %arg42[%swap3A_256], %swap3A_259 {strides = array<i32>} : memref<2000xi32, #tpu.memory_space<vmem>>, vector<16xi32>,
              %mul3A_260 = arith.constant 5 : i32
              %mul3A_261 = arith.muli %scan3A_189, %mul3A_260 : i32
              %add3A_262 = arith.constant 3 : i32
              %add3A_263 = arith.addi %mul3A_261, %add3A_262 : i32
              %mul3A_264 = arith.constant 16 : i32
              %mul3A_265 = arith.muli %add3A_263, %mul3A_264 : i32
              %get3A_266 = arith.index_cast %mul3A_265 : i32 to index
              %get3A_267 = tpu.vector_load %arg38[%get3A_266] {strides = array<i32>} : memref<2000xf32, #tpu.memory_space<vmem>>, vector<16xf32>,
              %get3A_268 = vector.shape_cast %get3A_267 : vector<16xf32> to vector<16xf32>
              %get3A_269 = arith.index_cast %mul3A_265 : i32 to index
              %get3A_270 = tpu.vector_load %arg36[%get3A_269] {strides = array<i32>} : memref<2000xf32, #tpu.memory_space<vmem>>, vector<16xf32>,
              %get3A_271 = vector.shape_cast %get3A_270 : vector<16xf32> to vector<16xf32>
              %mul3A_272 = arith.mulf %get3A_268, %get3A_271 : vector<16xf32>
              %swap3A_273 = arith.index_cast %mul3A_265 : i32 to index
              %swap3A_274 = tpu.vector_load %arg40[%swap3A_273] {strides = array<i32>} : memref<2000xf32, #tpu.memory_space<vmem>>, vector<16xf32>,
              %swap3A_275 = vector.shape_cast %swap3A_274 : vector<16xf32> to vector<16xf32>
              %swap3A_276 = vector.shape_cast %mul3A_272 : vector<16xf32> to vector<16xf32>
              tpu.vector_store %arg40[%swap3A_273], %swap3A_276 {strides = array<i32>} : memref<2000xf32, #tpu.memory_space<vmem>>, vector<16xf32>,
              %get3A_277 = arith.index_cast %mul3A_265 : i32 to index
              %get3A_278 = tpu.vector_load %arg34[%get3A_277] {strides = array<i32>} : memref<2000xi32, #tpu.memory_space<vmem>>, vector<16xi32>,
              %get3A_279 = vector.shape_cast %get3A_278 : vector<16xi32> to vector<16xi32>
              %swap3A_280 = arith.index_cast %mul3A_265 : i32 to index
              %swap3A_281 = tpu.vector_load %arg42[%swap3A_280] {strides = array<i32>} : memref<2000xi32, #tpu.memory_space<vmem>>, vector<16xi32>,
              %swap3A_282 = vector.shape_cast %swap3A_281 : vector<16xi32> to vector<16xi32>
              %swap3A_283 = vector.shape_cast %get3A_279 : vector<16xi32> to vector<16xi32>
              tpu.vector_store %arg42[%swap3A_280], %swap3A_283 {strides = array<i32>} : memref<2000xi32, #tpu.memory_space<vmem>>, vector<16xi32>,
              %mul3A_284 = arith.constant 5 : i32
              %mul3A_285 = arith.muli %scan3A_189, %mul3A_284 : i32
              %add3A_286 = arith.constant 4 : i32
              %add3A_287 = arith.addi %mul3A_285, %add3A_286 : i32
              %mul3A_288 = arith.constant 16 : i32
              %mul3A_289 = arith.muli %add3A_287, %mul3A_288 : i32
              %get3A_290 = arith.index_cast %mul3A_289 : i32 to index
              %get3A_291 = tpu.vector_load %arg38[%get3A_290] {strides = array<i32>} : memref<2000xf32, #tpu.memory_space<vmem>>, vector<16xf32>,
              %get3A_292 = vector.shape_cast %get3A_291 : vector<16xf32> to vector<16xf32>
              %get3A_293 = arith.index_cast %mul3A_289 : i32 to index
              %get3A_294 = tpu.vector_load %arg36[%get3A_293] {strides = array<i32>} : memref<2000xf32, #tpu.memory_space<vmem>>, vector<16xf32>,
              %get3A_295 = vector.shape_cast %get3A_294 : vector<16xf32> to vector<16xf32>
              %mul3A_296 = arith.mulf %get3A_292, %get3A_295 : vector<16xf32>
              %swap3A_297 = arith.index_cast %mul3A_289 : i32 to index
              %swap3A_298 = tpu.vector_load %arg40[%swap3A_297] {strides = array<i32>} : memref<2000xf32, #tpu.memory_space<vmem>>, vector<16xf32>,
              %swap3A_299 = vector.shape_cast %swap3A_298 : vector<16xf32> to vector<16xf32>
              %swap3A_300 = vector.shape_cast %mul3A_296 : vector<16xf32> to vector<16xf32>
              tpu.vector_store %arg40[%swap3A_297], %swap3A_300 {strides = array<i32>} : memref<2000xf32, #tpu.memory_space<vmem>>, vector<16xf32>,
              %get3A_301 = arith.index_cast %mul3A_289 : i32 to index
              %get3A_302 = tpu.vector_load %arg34[%get3A_301] {strides = array<i32>} : memref<2000xi32, #tpu.memory_space<vmem>>, vector<16xi32>,
              %get3A_303 = vector.shape_cast %get3A_302 : vector<16xi32> to vector<16xi32>
              %swap3A_304 = arith.index_cast %mul3A_289 : i32 to index
              %swap3A_305 = tpu.vector_load %arg42[%swap3A_304] {strides = array<i32>} : memref<2000xi32, #tpu.memory_space<vmem>>, vector<16xi32>,
              %swap3A_306 = vector.shape_cast %swap3A_305 : vector<16xi32> to vector<16xi32>
              %swap3A_307 = vector.shape_cast %get3A_303 : vector<16xi32> to vector<16xi32>
              tpu.vector_store %arg42[%swap3A_304], %swap3A_307 {strides = array<i32>} : memref<2000xi32, #tpu.memory_space<vmem>>, vector<16xi32>,
            }
            %scan3A_180 = arith.constant 25 : i32
            %dma_start3A_181 = arith.constant 0 : i32
            %dma_start3A_182 = tpu.memref_slice %arg19[%dma_start3A_181] : memref<51200xf32, #tpu.memory_space<vmem_shared>> -> memref<51200xf32, #tpu.memory_space<vmem_shared>>
            tpu.enqueue_indirect_dma source(%arg40 : memref<2000xf32, #tpu.memory_space<vmem>>) target(%dma_start3A_182 : memref<51200xf32, #tpu.memory_space<vmem_shared>>) offsets(%arg42 : memref<2000xi32, #tpu.memory_space<vmem>>) semaphore(%arg51 : memref<!tpu.dma_semaphore, #tpu.memory_space<semaphore_mem>>) {add = true}
            %add3A_183 = arith.constant 1 : i32
            %add3A_184 = arith.addi %scan3A_119, %add3A_183 : i32
            %lt3A = arith.constant 13 : i32
            %lt3A_185 = arith.cmpi slt, %add3A_184, %lt3A : i32
            %convert_element_type3A_186 = arith.extui %lt3A_185 : i1 to i32
            %cond3A_187 = arith.constant 0 : i32
            %cond3A_188 = arith.cmpi ne, %convert_element_type3A_186, %cond3A_187 : i32
            scf.if %cond3A_188 {
              %add3A_189 = arith.constant 4000 : i32
              %add3A_190 = arith.addi %add3A_124, %add3A_189 : i32
              %dma_start3A_191 = tpu.memref_slice %arg6[%add3A_190] : memref<832000xi32, #tpu.memory_space<hbm>> -> memref<2000xi32, #tpu.memory_space<hbm>>
              %dma_start3A_192 = tpu.memref_slice %arg6[%add3A_190] : memref<832000xi32, #tpu.memory_space<hbm>> -> memref<2000xi32, #tpu.memory_space<hbm>>
              tpu.enqueue_dma source(%dma_start3A_192 : memref<2000xi32, #tpu.memory_space<hbm>>) target(%arg32 : memref<2000xi32, #tpu.memory_space<vmem>>) target_semaphore(%arg47 : memref<!tpu.dma_semaphore, #tpu.memory_space<semaphore_mem>>)
              %dma_start3A_193 = tpu.memref_slice %arg7[%add3A_190] : memref<832000xi32, #tpu.memory_space<hbm>> -> memref<2000xi32, #tpu.memory_space<hbm>>
              %dma_start3A_194 = tpu.memref_slice %arg7[%add3A_190] : memref<832000xi32, #tpu.memory_space<hbm>> -> memref<2000xi32, #tpu.memory_space<hbm>>
              tpu.enqueue_dma source(%dma_start3A_194 : memref<2000xi32, #tpu.memory_space<hbm>>) target(%arg34 : memref<2000xi32, #tpu.memory_space<vmem>>) target_semaphore(%arg47 : memref<!tpu.dma_semaphore, #tpu.memory_space<semaphore_mem>>)
              %dma_start3A_195 = tpu.memref_slice %arg8[%add3A_190] : memref<832000xf32, #tpu.memory_space<hbm>> -> memref<2000xf32, #tpu.memory_space<hbm>>
              %dma_start3A_196 = tpu.memref_slice %arg8[%add3A_190] : memref<832000xf32, #tpu.memory_space<hbm>> -> memref<2000xf32, #tpu.memory_space<hbm>>
              tpu.enqueue_dma source(%dma_start3A_196 : memref<2000xf32, #tpu.memory_space<hbm>>) target(%arg36 : memref<2000xf32, #tpu.memory_space<vmem>>) target_semaphore(%arg47 : memref<!tpu.dma_semaphore, #tpu.memory_space<semaphore_mem>>)
            } else {
            }
          }
          %scan3A_94 = arith.constant 13 : i32
          %dma_wait3A_95 = arith.constant 0 : i32
          %dma_wait3A_96 = tpu.memref_slice %arg8[%dma_wait3A_95] : memref<832000xf32, #tpu.memory_space<hbm>> -> memref<2000xf32, #tpu.memory_space<hbm>>
          %dma_wait3A_97 = arith.constant 0 : i32
          %dma_wait3A_98 = tpu.memref_slice %arg8[%dma_wait3A_97] : memref<832000xf32, #tpu.memory_space<hbm>> -> memref<2000xf32, #tpu.memory_space<hbm>>
          tpu.wait_dma2 semaphore(%arg50 : memref<!tpu.dma_semaphore, #tpu.memory_space<semaphore_mem>>) src(%dma_wait3A_98 : memref<2000xf32, #tpu.memory_space<hbm>>) dst(%arg39 : memref<2000xf32, #tpu.memory_space<vmem>>)
          %dma_wait3A_99 = arith.constant 0 : i32
          %dma_wait3A_100 = tpu.memref_slice %arg8[%dma_wait3A_99] : memref<832000xf32, #tpu.memory_space<hbm>> -> memref<2000xf32, #tpu.memory_space<hbm>>
          %dma_wait3A_101 = arith.constant 0 : i32
          %dma_wait3A_102 = tpu.memref_slice %arg8[%dma_wait3A_101] : memref<832000xf32, #tpu.memory_space<hbm>> -> memref<2000xf32, #tpu.memory_space<hbm>>
          tpu.wait_dma2 semaphore(%arg52 : memref<!tpu.dma_semaphore, #tpu.memory_space<semaphore_mem>>) src(%dma_wait3A_102 : memref<2000xf32, #tpu.memory_space<hbm>>) dst(%arg41 : memref<2000xf32, #tpu.memory_space<vmem>>)
          %scan3A_103 = arith.constant 0 : i32
          %scan3A_104 = arith.constant 0 : i32
          %scan3A_105 = arith.constant 25 : i32
          %scan3A_106 = arith.addi %scan3A_104, %scan3A_105 : i32
          %scan3A_107 = arith.constant 1 : i32
          scf.for %scan3A_119 = %scan3A_104 to %scan3A_106 step %scan3A_107  : i32 {
            %mul3A_120 = arith.constant 5 : i32
            %mul3A_121 = arith.muli %scan3A_119, %mul3A_120 : i32
            %add3A_122 = arith.constant 0 : i32
            %add3A_123 = arith.addi %mul3A_121, %add3A_122 : i32
            %mul3A_124 = arith.constant 16 : i32
            %mul3A_125 = arith.muli %add3A_123, %mul3A_124 : i32
            %get3A = arith.index_cast %mul3A_125 : i32 to index
            %get3A_126 = tpu.vector_load %arg39[%get3A] {strides = array<i32>} : memref<2000xf32, #tpu.memory_space<vmem>>, vector<16xf32>,
            %get3A_127 = vector.shape_cast %get3A_126 : vector<16xf32> to vector<16xf32>
            %get3A_128 = arith.index_cast %mul3A_125 : i32 to index
            %get3A_129 = tpu.vector_load %arg37[%get3A_128] {strides = array<i32>} : memref<2000xf32, #tpu.memory_space<vmem>>, vector<16xf32>,
            %get3A_130 = vector.shape_cast %get3A_129 : vector<16xf32> to vector<16xf32>
            %mul3A_131 = arith.mulf %get3A_127, %get3A_130 : vector<16xf32>
            %swap3A = arith.index_cast %mul3A_125 : i32 to index
            %swap3A_132 = tpu.vector_load %arg41[%swap3A] {strides = array<i32>} : memref<2000xf32, #tpu.memory_space<vmem>>, vector<16xf32>,
            %swap3A_133 = vector.shape_cast %swap3A_132 : vector<16xf32> to vector<16xf32>
            %swap3A_134 = vector.shape_cast %mul3A_131 : vector<16xf32> to vector<16xf32>
            tpu.vector_store %arg41[%swap3A], %swap3A_134 {strides = array<i32>} : memref<2000xf32, #tpu.memory_space<vmem>>, vector<16xf32>,
            %get3A_135 = arith.index_cast %mul3A_125 : i32 to index
            %get3A_136 = tpu.vector_load %arg35[%get3A_135] {strides = array<i32>} : memref<2000xi32, #tpu.memory_space<vmem>>, vector<16xi32>,
            %get3A_137 = vector.shape_cast %get3A_136 : vector<16xi32> to vector<16xi32>
            %swap3A_138 = arith.index_cast %mul3A_125 : i32 to index
            %swap3A_139 = tpu.vector_load %arg43[%swap3A_138] {strides = array<i32>} : memref<2000xi32, #tpu.memory_space<vmem>>, vector<16xi32>,
            %swap3A_140 = vector.shape_cast %swap3A_139 : vector<16xi32> to vector<16xi32>
            %swap3A_141 = vector.shape_cast %get3A_137 : vector<16xi32> to vector<16xi32>
            tpu.vector_store %arg43[%swap3A_138], %swap3A_141 {strides = array<i32>} : memref<2000xi32, #tpu.memory_space<vmem>>, vector<16xi32>,
            %mul3A_142 = arith.constant 5 : i32
            %mul3A_143 = arith.muli %scan3A_119, %mul3A_142 : i32
            %add3A_144 = arith.constant 1 : i32
            %add3A_145 = arith.addi %mul3A_143, %add3A_144 : i32
            %mul3A_146 = arith.constant 16 : i32
            %mul3A_147 = arith.muli %add3A_145, %mul3A_146 : i32
            %get3A_148 = arith.index_cast %mul3A_147 : i32 to index
            %get3A_149 = tpu.vector_load %arg39[%get3A_148] {strides = array<i32>} : memref<2000xf32, #tpu.memory_space<vmem>>, vector<16xf32>,
            %get3A_150 = vector.shape_cast %get3A_149 : vector<16xf32> to vector<16xf32>
            %get3A_151 = arith.index_cast %mul3A_147 : i32 to index
            %get3A_152 = tpu.vector_load %arg37[%get3A_151] {strides = array<i32>} : memref<2000xf32, #tpu.memory_space<vmem>>, vector<16xf32>,
            %get3A_153 = vector.shape_cast %get3A_152 : vector<16xf32> to vector<16xf32>
            %mul3A_154 = arith.mulf %get3A_150, %get3A_153 : vector<16xf32>
            %swap3A_155 = arith.index_cast %mul3A_147 : i32 to index
            %swap3A_156 = tpu.vector_load %arg41[%swap3A_155] {strides = array<i32>} : memref<2000xf32, #tpu.memory_space<vmem>>, vector<16xf32>,
            %swap3A_157 = vector.shape_cast %swap3A_156 : vector<16xf32> to vector<16xf32>
            %swap3A_158 = vector.shape_cast %mul3A_154 : vector<16xf32> to vector<16xf32>
            tpu.vector_store %arg41[%swap3A_155], %swap3A_158 {strides = array<i32>} : memref<2000xf32, #tpu.memory_space<vmem>>, vector<16xf32>,
            %get3A_159 = arith.index_cast %mul3A_147 : i32 to index
            %get3A_160 = tpu.vector_load %arg35[%get3A_159] {strides = array<i32>} : memref<2000xi32, #tpu.memory_space<vmem>>, vector<16xi32>,
            %get3A_161 = vector.shape_cast %get3A_160 : vector<16xi32> to vector<16xi32>
            %swap3A_162 = arith.index_cast %mul3A_147 : i32 to index
            %swap3A_163 = tpu.vector_load %arg43[%swap3A_162] {strides = array<i32>} : memref<2000xi32, #tpu.memory_space<vmem>>, vector<16xi32>,
            %swap3A_164 = vector.shape_cast %swap3A_163 : vector<16xi32> to vector<16xi32>
            %swap3A_165 = vector.shape_cast %get3A_161 : vector<16xi32> to vector<16xi32>
            tpu.vector_store %arg43[%swap3A_162], %swap3A_165 {strides = array<i32>} : memref<2000xi32, #tpu.memory_space<vmem>>, vector<16xi32>,
            %mul3A_166 = arith.constant 5 : i32
            %mul3A_167 = arith.muli %scan3A_119, %mul3A_166 : i32
            %add3A_168 = arith.constant 2 : i32
            %add3A_169 = arith.addi %mul3A_167, %add3A_168 : i32
            %mul3A_170 = arith.constant 16 : i32
            %mul3A_171 = arith.muli %add3A_169, %mul3A_170 : i32
            %get3A_172 = arith.index_cast %mul3A_171 : i32 to index
            %get3A_173 = tpu.vector_load %arg39[%get3A_172] {strides = array<i32>} : memref<2000xf32, #tpu.memory_space<vmem>>, vector<16xf32>,
            %get3A_174 = vector.shape_cast %get3A_173 : vector<16xf32> to vector<16xf32>
            %get3A_175 = arith.index_cast %mul3A_171 : i32 to index
            %get3A_176 = tpu.vector_load %arg37[%get3A_175] {strides = array<i32>} : memref<2000xf32, #tpu.memory_space<vmem>>, vector<16xf32>,
            %get3A_177 = vector.shape_cast %get3A_176 : vector<16xf32> to vector<16xf32>
            %mul3A_178 = arith.mulf %get3A_174, %get3A_177 : vector<16xf32>
            %swap3A_179 = arith.index_cast %mul3A_171 : i32 to index
            %swap3A_180 = tpu.vector_load %arg41[%swap3A_179] {strides = array<i32>} : memref<2000xf32, #tpu.memory_space<vmem>>, vector<16xf32>,
            %swap3A_181 = vector.shape_cast %swap3A_180 : vector<16xf32> to vector<16xf32>
            %swap3A_182 = vector.shape_cast %mul3A_178 : vector<16xf32> to vector<16xf32>
            tpu.vector_store %arg41[%swap3A_179], %swap3A_182 {strides = array<i32>} : memref<2000xf32, #tpu.memory_space<vmem>>, vector<16xf32>,
            %get3A_183 = arith.index_cast %mul3A_171 : i32 to index
            %get3A_184 = tpu.vector_load %arg35[%get3A_183] {strides = array<i32>} : memref<2000xi32, #tpu.memory_space<vmem>>, vector<16xi32>,
            %get3A_185 = vector.shape_cast %get3A_184 : vector<16xi32> to vector<16xi32>
            %swap3A_186 = arith.index_cast %mul3A_171 : i32 to index
            %swap3A_187 = tpu.vector_load %arg43[%swap3A_186] {strides = array<i32>} : memref<2000xi32, #tpu.memory_space<vmem>>, vector<16xi32>,
            %swap3A_188 = vector.shape_cast %swap3A_187 : vector<16xi32> to vector<16xi32>
            %swap3A_189 = vector.shape_cast %get3A_185 : vector<16xi32> to vector<16xi32>
            tpu.vector_store %arg43[%swap3A_186], %swap3A_189 {strides = array<i32>} : memref<2000xi32, #tpu.memory_space<vmem>>, vector<16xi32>,
            %mul3A_190 = arith.constant 5 : i32
            %mul3A_191 = arith.muli %scan3A_119, %mul3A_190 : i32
            %add3A_192 = arith.constant 3 : i32
            %add3A_193 = arith.addi %mul3A_191, %add3A_192 : i32
            %mul3A_194 = arith.constant 16 : i32
            %mul3A_195 = arith.muli %add3A_193, %mul3A_194 : i32
            %get3A_196 = arith.index_cast %mul3A_195 : i32 to index
            %get3A_197 = tpu.vector_load %arg39[%get3A_196] {strides = array<i32>} : memref<2000xf32, #tpu.memory_space<vmem>>, vector<16xf32>,
            %get3A_198 = vector.shape_cast %get3A_197 : vector<16xf32> to vector<16xf32>
            %get3A_199 = arith.index_cast %mul3A_195 : i32 to index
            %get3A_200 = tpu.vector_load %arg37[%get3A_199] {strides = array<i32>} : memref<2000xf32, #tpu.memory_space<vmem>>, vector<16xf32>,
            %get3A_201 = vector.shape_cast %get3A_200 : vector<16xf32> to vector<16xf32>
            %mul3A_202 = arith.mulf %get3A_198, %get3A_201 : vector<16xf32>
            %swap3A_203 = arith.index_cast %mul3A_195 : i32 to index
            %swap3A_204 = tpu.vector_load %arg41[%swap3A_203] {strides = array<i32>} : memref<2000xf32, #tpu.memory_space<vmem>>, vector<16xf32>,
            %swap3A_205 = vector.shape_cast %swap3A_204 : vector<16xf32> to vector<16xf32>
            %swap3A_206 = vector.shape_cast %mul3A_202 : vector<16xf32> to vector<16xf32>
            tpu.vector_store %arg41[%swap3A_203], %swap3A_206 {strides = array<i32>} : memref<2000xf32, #tpu.memory_space<vmem>>, vector<16xf32>,
            %get3A_207 = arith.index_cast %mul3A_195 : i32 to index
            %get3A_208 = tpu.vector_load %arg35[%get3A_207] {strides = array<i32>} : memref<2000xi32, #tpu.memory_space<vmem>>, vector<16xi32>,
            %get3A_209 = vector.shape_cast %get3A_208 : vector<16xi32> to vector<16xi32>
            %swap3A_210 = arith.index_cast %mul3A_195 : i32 to index
            %swap3A_211 = tpu.vector_load %arg43[%swap3A_210] {strides = array<i32>} : memref<2000xi32, #tpu.memory_space<vmem>>, vector<16xi32>,
            %swap3A_212 = vector.shape_cast %swap3A_211 : vector<16xi32> to vector<16xi32>
            %swap3A_213 = vector.shape_cast %get3A_209 : vector<16xi32> to vector<16xi32>
            tpu.vector_store %arg43[%swap3A_210], %swap3A_213 {strides = array<i32>} : memref<2000xi32, #tpu.memory_space<vmem>>, vector<16xi32>,
            %mul3A_214 = arith.constant 5 : i32
            %mul3A_215 = arith.muli %scan3A_119, %mul3A_214 : i32
            %add3A_216 = arith.constant 4 : i32
            %add3A_217 = arith.addi %mul3A_215, %add3A_216 : i32
            %mul3A_218 = arith.constant 16 : i32
            %mul3A_219 = arith.muli %add3A_217, %mul3A_218 : i32
            %get3A_220 = arith.index_cast %mul3A_219 : i32 to index
            %get3A_221 = tpu.vector_load %arg39[%get3A_220] {strides = array<i32>} : memref<2000xf32, #tpu.memory_space<vmem>>, vector<16xf32>,
            %get3A_222 = vector.shape_cast %get3A_221 : vector<16xf32> to vector<16xf32>
            %get3A_223 = arith.index_cast %mul3A_219 : i32 to index
            %get3A_224 = tpu.vector_load %arg37[%get3A_223] {strides = array<i32>} : memref<2000xf32, #tpu.memory_space<vmem>>, vector<16xf32>,
            %get3A_225 = vector.shape_cast %get3A_224 : vector<16xf32> to vector<16xf32>
            %mul3A_226 = arith.mulf %get3A_222, %get3A_225 : vector<16xf32>
            %swap3A_227 = arith.index_cast %mul3A_219 : i32 to index
            %swap3A_228 = tpu.vector_load %arg41[%swap3A_227] {strides = array<i32>} : memref<2000xf32, #tpu.memory_space<vmem>>, vector<16xf32>,
            %swap3A_229 = vector.shape_cast %swap3A_228 : vector<16xf32> to vector<16xf32>
            %swap3A_230 = vector.shape_cast %mul3A_226 : vector<16xf32> to vector<16xf32>
            tpu.vector_store %arg41[%swap3A_227], %swap3A_230 {strides = array<i32>} : memref<2000xf32, #tpu.memory_space<vmem>>, vector<16xf32>,
            %get3A_231 = arith.index_cast %mul3A_219 : i32 to index
            %get3A_232 = tpu.vector_load %arg35[%get3A_231] {strides = array<i32>} : memref<2000xi32, #tpu.memory_space<vmem>>, vector<16xi32>,
            %get3A_233 = vector.shape_cast %get3A_232 : vector<16xi32> to vector<16xi32>
            %swap3A_234 = arith.index_cast %mul3A_219 : i32 to index
            %swap3A_235 = tpu.vector_load %arg43[%swap3A_234] {strides = array<i32>} : memref<2000xi32, #tpu.memory_space<vmem>>, vector<16xi32>,
            %swap3A_236 = vector.shape_cast %swap3A_235 : vector<16xi32> to vector<16xi32>
            %swap3A_237 = vector.shape_cast %get3A_233 : vector<16xi32> to vector<16xi32>
            tpu.vector_store %arg43[%swap3A_234], %swap3A_237 {strides = array<i32>} : memref<2000xi32, #tpu.memory_space<vmem>>, vector<16xi32>,
          }
          %scan3A_108 = arith.constant 25 : i32
          %dma_start3A_109 = arith.constant 0 : i32
          %dma_start3A_110 = tpu.memref_slice %arg19[%dma_start3A_109] : memref<51200xf32, #tpu.memory_space<vmem_shared>> -> memref<51200xf32, #tpu.memory_space<vmem_shared>>
          tpu.enqueue_indirect_dma source(%arg41 : memref<2000xf32, #tpu.memory_space<vmem>>) target(%dma_start3A_110 : memref<51200xf32, #tpu.memory_space<vmem_shared>>) offsets(%arg43 : memref<2000xi32, #tpu.memory_space<vmem>>) semaphore(%arg52 : memref<!tpu.dma_semaphore, #tpu.memory_space<semaphore_mem>>) {add = true}
          %dma_wait3A_111 = arith.constant 0 : i32
          %dma_wait3A_112 = tpu.memref_slice %arg8[%dma_wait3A_111] : memref<832000xf32, #tpu.memory_space<hbm>> -> memref<2000xf32, #tpu.memory_space<hbm>>
          %dma_wait3A_113 = arith.constant 0 : i32
          %dma_wait3A_114 = tpu.memref_slice %arg8[%dma_wait3A_113] : memref<832000xf32, #tpu.memory_space<hbm>> -> memref<2000xf32, #tpu.memory_space<hbm>>
          tpu.wait_dma2 semaphore(%arg51 : memref<!tpu.dma_semaphore, #tpu.memory_space<semaphore_mem>>) src(%dma_wait3A_114 : memref<2000xf32, #tpu.memory_space<hbm>>) dst(%arg40 : memref<2000xf32, #tpu.memory_space<vmem>>)
          %dma_wait3A_115 = arith.constant 0 : i32
          %dma_wait3A_116 = tpu.memref_slice %arg8[%dma_wait3A_115] : memref<832000xf32, #tpu.memory_space<hbm>> -> memref<2000xf32, #tpu.memory_space<hbm>>
          %dma_wait3A_117 = arith.constant 0 : i32
          %dma_wait3A_118 = tpu.memref_slice %arg8[%dma_wait3A_117] : memref<832000xf32, #tpu.memory_space<hbm>> -> memref<2000xf32, #tpu.memory_space<hbm>>
          tpu.wait_dma2 semaphore(%arg52 : memref<!tpu.dma_semaphore, #tpu.memory_space<semaphore_mem>>) src(%dma_wait3A_118 : memref<2000xf32, #tpu.memory_space<hbm>>) dst(%arg41 : memref<2000xf32, #tpu.memory_space<vmem>>)
        } else {
        }
        %barrier3A_36 = arith.constant 0 : index
        tpu.barrier barrier_id(%barrier3A_36)
        "tpu.region"() ({
          %run_scoped3A = tpu.sem_alloc : memref<!tpu.dma_semaphore, #tpu.memory_space<semaphore_mem>>
          %dma_start3A_81 = tpu.memref_slice %arg19[%mul3A_0] : memref<51200xf32, #tpu.memory_space<vmem_shared>> -> memref<3200xf32, #tpu.memory_space<vmem_shared>>
          %dma_start3A_82 = tpu.memref_slice %arg19[%mul3A_0] : memref<51200xf32, #tpu.memory_space<vmem_shared>> -> memref<3200xf32, #tpu.memory_space<vmem_shared>>
          tpu.enqueue_dma source(%dma_start3A_82 : memref<3200xf32, #tpu.memory_space<vmem_shared>>) target(%arg28 : memref<3200xf32, #tpu.memory_space<vmem>>) target_semaphore(%run_scoped3A : memref<!tpu.dma_semaphore, #tpu.memory_space<semaphore_mem>>)
          %dma_wait3A_83 = tpu.memref_slice %arg19[%mul3A_0] : memref<51200xf32, #tpu.memory_space<vmem_shared>> -> memref<3200xf32, #tpu.memory_space<vmem_shared>>
          %dma_wait3A_84 = tpu.memref_slice %arg19[%mul3A_0] : memref<51200xf32, #tpu.memory_space<vmem_shared>> -> memref<3200xf32, #tpu.memory_space<vmem_shared>>
          tpu.wait_dma2 semaphore(%run_scoped3A : memref<!tpu.dma_semaphore, #tpu.memory_space<semaphore_mem>>) src(%dma_wait3A_84 : memref<3200xf32, #tpu.memory_space<vmem_shared>>) dst(%arg28 : memref<3200xf32, #tpu.memory_space<vmem>>)
          tpu.yield
        }) : () -> ()
        %scan3A_37 = arith.constant 0 : i32
        %scan3A_38 = arith.constant 0 : i32
        %scan3A_39 = arith.constant 200 : i32
        %scan3A_40 = arith.addi %scan3A_38, %scan3A_39 : i32
        %scan3A_41 = arith.constant 1 : i32
        scf.for %scan3A_81 = %scan3A_38 to %scan3A_40 step %scan3A_41  : i32 {
          %mul3A_82 = arith.constant 16 : i32
          %mul3A_83 = arith.muli %scan3A_81, %mul3A_82 : i32
          %get3A = arith.index_cast %mul3A_83 : i32 to index
          %get3A_84 = tpu.vector_load %arg24[%get3A] {strides = array<i32>} : memref<3200xf32, #tpu.memory_space<vmem>>, vector<16xf32>,
          %get3A_85 = vector.shape_cast %get3A_84 : vector<16xf32> to vector<16xf32>
          %ne3A = arith.constant 0.000000e+00 : f32
          %ne3A_86 = vector.broadcast %ne3A : f32 to vector<16xf32>
          %ne3A_87 = arith.cmpf one, %get3A_85, %ne3A_86 : vector<16xf32>
          %get3A_88 = arith.index_cast %mul3A_83 : i32 to index
          %get3A_89 = tpu.vector_load %arg23[%get3A_88] {strides = array<i32>} : memref<3200xf32, #tpu.memory_space<vmem>>, vector<16xf32>,
          %get3A_90 = vector.shape_cast %get3A_89 : vector<16xf32> to vector<16xf32>
          %get3A_91 = arith.index_cast %mul3A_83 : i32 to index
          %get3A_92 = tpu.vector_load %arg28[%get3A_91] {strides = array<i32>} : memref<3200xf32, #tpu.memory_space<vmem>>, vector<16xf32>,
          %get3A_93 = vector.shape_cast %get3A_92 : vector<16xf32> to vector<16xf32>
          %sub3A = arith.subf %get3A_90, %get3A_93 : vector<16xf32>
          %get3A_94 = arith.index_cast %mul3A_83 : i32 to index
          %get3A_95 = tpu.vector_load %arg25[%get3A_94] {strides = array<i32>} : memref<3200xf32, #tpu.memory_space<vmem>>, vector<16xf32>,
          %get3A_96 = vector.shape_cast %get3A_95 : vector<16xf32> to vector<16xf32>
          %div3A = arith.divf %sub3A, %get3A_96 : vector<16xf32>
          %jit3A = arith.constant 0.000000e+00 : f32
          %broadcast_in_dim3A = vector.broadcast %jit3A : f32 to vector<16xf32>
          %select_n3A = arith.select %ne3A_87, %div3A, %broadcast_in_dim3A : vector<16xi1>, vector<16xf32>
          %swap3A = arith.index_cast %mul3A_83 : i32 to index
          %swap3A_97 = tpu.vector_load %arg29[%swap3A] {strides = array<i32>} : memref<3200xf32, #tpu.memory_space<vmem>>, vector<16xf32>,
          %swap3A_98 = vector.shape_cast %swap3A_97 : vector<16xf32> to vector<16xf32>
          %swap3A_99 = vector.shape_cast %select_n3A : vector<16xf32> to vector<16xf32>
          tpu.vector_store %arg29[%swap3A], %swap3A_99 {strides = array<i32>} : memref<3200xf32, #tpu.memory_space<vmem>>, vector<16xf32>,
        }
        %scan3A_42 = arith.constant 200 : i32
        "tpu.region"() ({
          %run_scoped3A = tpu.sem_alloc : memref<!tpu.dma_semaphore, #tpu.memory_space<semaphore_mem>>
          %dma_start3A_81 = tpu.memref_slice %arg18[%mul3A_0] : memref<51200xf32, #tpu.memory_space<vmem_shared>> -> memref<3200xf32, #tpu.memory_space<vmem_shared>>
          %dma_start3A_82 = tpu.memref_slice %arg18[%mul3A_0] : memref<51200xf32, #tpu.memory_space<vmem_shared>> -> memref<3200xf32, #tpu.memory_space<vmem_shared>>
          tpu.enqueue_dma source(%arg29 : memref<3200xf32, #tpu.memory_space<vmem>>) target(%dma_start3A_82 : memref<3200xf32, #tpu.memory_space<vmem_shared>>) target_semaphore(%run_scoped3A : memref<!tpu.dma_semaphore, #tpu.memory_space<semaphore_mem>>)
          %dma_wait3A_83 = tpu.memref_slice %arg18[%mul3A_0] : memref<51200xf32, #tpu.memory_space<vmem_shared>> -> memref<3200xf32, #tpu.memory_space<vmem_shared>>
          %dma_wait3A_84 = tpu.memref_slice %arg18[%mul3A_0] : memref<51200xf32, #tpu.memory_space<vmem_shared>> -> memref<3200xf32, #tpu.memory_space<vmem_shared>>
          tpu.wait_dma2 semaphore(%run_scoped3A : memref<!tpu.dma_semaphore, #tpu.memory_space<semaphore_mem>>) src(%arg29 : memref<3200xf32, #tpu.memory_space<vmem>>) dst(%dma_wait3A_84 : memref<3200xf32, #tpu.memory_space<vmem_shared>>)
          tpu.yield
        }) : () -> ()
        %barrier3A_43 = arith.constant 0 : index
        tpu.barrier barrier_id(%barrier3A_43)
        %dma_start3A = arith.constant 0 : i32
        %dma_start3A_44 = tpu.memref_slice %arg18[%dma_start3A] : memref<51200xf32, #tpu.memory_space<vmem_shared>> -> memref<51200xf32, #tpu.memory_space<vmem_shared>>
        tpu.enqueue_indirect_dma source(%dma_start3A_44 : memref<51200xf32, #tpu.memory_space<vmem_shared>>) target(%arg30 : memref<3200xf32, #tpu.memory_space<vmem>>) offsets(%arg26 : memref<3200xi32, #tpu.memory_space<vmem>>) semaphore(%arg46 : memref<!tpu.dma_semaphore, #tpu.memory_space<semaphore_mem>>)
        %dma_wait3A = arith.constant 0 : i32
        %dma_wait3A_45 = tpu.memref_slice %arg18[%dma_wait3A] : memref<51200xf32, #tpu.memory_space<vmem_shared>> -> memref<51200xf32, #tpu.memory_space<vmem_shared>>
        tpu.wait_indirect_dma semaphore(%arg46 : memref<!tpu.dma_semaphore, #tpu.memory_space<semaphore_mem>>) src(%dma_wait3A_45 : memref<51200xf32, #tpu.memory_space<vmem_shared>>) dst(%arg30 : memref<3200xf32, #tpu.memory_space<vmem>>)
        %scan3A_46 = arith.constant 0 : i32
        %scan3A_47 = arith.constant 0 : i32
        %scan3A_48 = arith.constant 200 : i32
        %scan3A_49 = arith.addi %scan3A_47, %scan3A_48 : i32
        %scan3A_50 = arith.constant 1 : i32
        scf.for %scan3A_81 = %scan3A_47 to %scan3A_49 step %scan3A_50  : i32 {
          %mul3A_82 = arith.constant 16 : i32
          %mul3A_83 = arith.muli %scan3A_81, %mul3A_82 : i32
          %get3A = arith.index_cast %mul3A_83 : i32 to index
          %get3A_84 = tpu.vector_load %arg24[%get3A] {strides = array<i32>} : memref<3200xf32, #tpu.memory_space<vmem>>, vector<16xf32>,
          %get3A_85 = vector.shape_cast %get3A_84 : vector<16xf32> to vector<16xf32>
          %eq3A_86 = arith.constant 0.000000e+00 : f32
          %eq3A_87 = vector.broadcast %eq3A_86 : f32 to vector<16xf32>
          %eq3A_88 = arith.cmpf oeq, %get3A_85, %eq3A_87 : vector<16xf32>
          %get3A_89 = arith.index_cast %mul3A_83 : i32 to index
          %get3A_90 = tpu.vector_load %arg29[%get3A_89] {strides = array<i32>} : memref<3200xf32, #tpu.memory_space<vmem>>, vector<16xf32>,
          %get3A_91 = vector.shape_cast %get3A_90 : vector<16xf32> to vector<16xf32>
          %get3A_92 = arith.index_cast %mul3A_83 : i32 to index
          %get3A_93 = tpu.vector_load %arg30[%get3A_92] {strides = array<i32>} : memref<3200xf32, #tpu.memory_space<vmem>>, vector<16xf32>,
          %get3A_94 = vector.shape_cast %get3A_93 : vector<16xf32> to vector<16xf32>
          %sub3A = arith.subf %get3A_91, %get3A_94 : vector<16xf32>
          %jit3A = arith.constant 0.000000e+00 : f32
          %broadcast_in_dim3A = vector.broadcast %jit3A : f32 to vector<16xf32>
          %select_n3A = arith.select %eq3A_88, %broadcast_in_dim3A, %sub3A : vector<16xi1>, vector<16xf32>
          %swap3A = arith.index_cast %mul3A_83 : i32 to index
          %swap3A_95 = tpu.vector_load %arg31[%swap3A] {strides = array<i32>} : memref<3200xf32, #tpu.memory_space<vmem>>, vector<16xf32>,
          %swap3A_96 = vector.shape_cast %swap3A_95 : vector<16xf32> to vector<16xf32>
          %swap3A_97 = vector.shape_cast %select_n3A : vector<16xf32> to vector<16xf32>
          tpu.vector_store %arg31[%swap3A], %swap3A_97 {strides = array<i32>} : memref<3200xf32, #tpu.memory_space<vmem>>, vector<16xf32>,
        }
        %scan3A_51 = arith.constant 200 : i32
        "tpu.region"() ({
          %run_scoped3A = tpu.sem_alloc : memref<!tpu.dma_semaphore, #tpu.memory_space<semaphore_mem>>
          %dma_start3A_81 = tpu.memref_slice %arg17[%mul3A_0] : memref<51200xf32, #tpu.memory_space<vmem_shared>> -> memref<3200xf32, #tpu.memory_space<vmem_shared>>
          %dma_start3A_82 = tpu.memref_slice %arg17[%mul3A_0] : memref<51200xf32, #tpu.memory_space<vmem_shared>> -> memref<3200xf32, #tpu.memory_space<vmem_shared>>
          tpu.enqueue_dma source(%arg31 : memref<3200xf32, #tpu.memory_space<vmem>>) target(%dma_start3A_82 : memref<3200xf32, #tpu.memory_space<vmem_shared>>) target_semaphore(%run_scoped3A : memref<!tpu.dma_semaphore, #tpu.memory_space<semaphore_mem>>)
          %dma_wait3A_83 = tpu.memref_slice %arg17[%mul3A_0] : memref<51200xf32, #tpu.memory_space<vmem_shared>> -> memref<3200xf32, #tpu.memory_space<vmem_shared>>
          %dma_wait3A_84 = tpu.memref_slice %arg17[%mul3A_0] : memref<51200xf32, #tpu.memory_space<vmem_shared>> -> memref<3200xf32, #tpu.memory_space<vmem_shared>>
          tpu.wait_dma2 semaphore(%run_scoped3A : memref<!tpu.dma_semaphore, #tpu.memory_space<semaphore_mem>>) src(%arg31 : memref<3200xf32, #tpu.memory_space<vmem>>) dst(%dma_wait3A_84 : memref<3200xf32, #tpu.memory_space<vmem_shared>>)
          tpu.yield
        }) : () -> ()
        %ge3A = arith.constant 2 : i32
        %ge3A_52 = arith.cmpi sge, %scan3A_30, %ge3A : i32
        %eq3A_53 = arith.constant 0 : i32
        %eq3A_54 = arith.cmpi eq, %arg1, %eq3A_53 : i32
        %and3A = arith.andi %ge3A_52, %eq3A_54 : i1
        %convert_element_type3A_55 = arith.extui %and3A : i1 to i32
        %cond3A_56 = arith.constant 0 : i32
        %cond3A_57 = arith.cmpi ne, %convert_element_type3A_55, %cond3A_56 : i32
        scf.if %cond3A_57 {
          %add3A_81 = arith.constant 1200000001 : i32
          %add3A_82 = arith.addi %add3A_81, %scan3A_30 : i32
          %sub3A = arith.constant 1 : i32
          %sub3A_83 = arith.subi %add3A_82, %sub3A : i32
          %scan3A_84 = arith.constant 0 : i32
          %scan3A_85 = arith.constant 0 : i32
          %scan3A_86 = arith.constant 1024 : i32
          %scan3A_87 = arith.addi %scan3A_85, %scan3A_86 : i32
          %scan3A_88 = arith.constant 1 : i32
          %scan3A_89 = scf.for %scan3A_91 = %scan3A_85 to %scan3A_87 step %scan3A_88 iter_args(%scan3A_92 = %scan3A_84) -> (i32)  : i32 {
            %ge3A_93 = arith.cmpi sge, %scan3A_92, %sub3A_83 : i32
            %le3A = arith.constant 1200000012 : i32
            %le3A_94 = arith.cmpi sle, %scan3A_92, %le3A : i32
            %and3A_95 = arith.andi %ge3A_93, %le3A_94 : i1
            %not3A = arith.constant true
            %not3A_96 = arith.xori %and3A_95, %not3A : i1
            %convert_element_type3A_97 = arith.extui %not3A_96 : i1 to i32
            %cond3A_98 = arith.constant 0 : i32
            %cond3A_99 = arith.cmpi ne, %convert_element_type3A_97, %cond3A_98 : i32
            scf.if %cond3A_99 {
              "tpu.region"() ({
                %run_scoped3A = tpu.sem_alloc : memref<!tpu.dma_semaphore, #tpu.memory_space<semaphore_mem>>
                tpu.enqueue_dma source(%arg16 : memref<16xi32, #tpu.memory_space<hbm>>) target(%arg45 : memref<16xi32, #tpu.memory_space<vmem>>) target_semaphore(%run_scoped3A : memref<!tpu.dma_semaphore, #tpu.memory_space<semaphore_mem>>)
                tpu.wait_dma2 semaphore(%run_scoped3A : memref<!tpu.dma_semaphore, #tpu.memory_space<semaphore_mem>>) src(%arg16 : memref<16xi32, #tpu.memory_space<hbm>>) dst(%arg45 : memref<16xi32, #tpu.memory_space<vmem>>)
                tpu.yield
              }) : () -> ()
            } else {
            }
            %get3A = arith.constant 0 : index
            %get3A_100 = tpu.vector_load %arg45[%get3A] {strides = array<i32>} : memref<16xi32, #tpu.memory_space<vmem>>, vector<16xi32>,
            %get3A_101 = vector.shape_cast %get3A_100 : vector<16xi32> to vector<16xi32>
            %slice3A = vector.extract_strided_slice %get3A_101 {offsets = [0], sizes = [1], strides = [1]} : vector<16xi32> to vector<1xi32>
            %squeeze3A = vector.extract %slice3A[0] : i32 from vector<1xi32>
            scf.yield %squeeze3A : i32
          }
          %scan3A_90 = arith.constant 1024 : i32
        } else {
        }
        %barrier3A_58 = arith.constant 0 : index
        tpu.barrier barrier_id(%barrier3A_58)
        %add3A = arith.constant 1 : i32
        %add3A_59 = arith.addi %scan3A_30, %add3A : i32
        %rem3A = arith.constant 2 : i32
        %rem3A_60 = arith.remsi %add3A_59, %rem3A : i32
        %eq3A_61 = arith.constant 0 : i32
        %eq3A_62 = arith.cmpi eq, %rem3A_60, %eq3A_61 : i32
        %convert_element_type3A_63 = arith.extui %eq3A_62 : i1 to i32
        %cond3A_64 = arith.constant 0 : i32
        %cond3A_65 = arith.cmpi ne, %convert_element_type3A_63, %cond3A_64 : i32
        scf.if %cond3A_65 {
          "tpu.region"() ({
            %run_scoped3A = tpu.sem_alloc : memref<!tpu.dma_semaphore, #tpu.memory_space<semaphore_mem>>
            %dma_start3A_81 = tpu.memref_slice %arg12[%mul3A_0] : memref<51200xf32, #tpu.memory_space<hbm>> -> memref<3200xf32, #tpu.memory_space<hbm>>
            %dma_start3A_82 = tpu.memref_slice %arg12[%mul3A_0] : memref<51200xf32, #tpu.memory_space<hbm>> -> memref<3200xf32, #tpu.memory_space<hbm>>
            tpu.enqueue_dma source(%arg31 : memref<3200xf32, #tpu.memory_space<vmem>>) target(%dma_start3A_82 : memref<3200xf32, #tpu.memory_space<hbm>>) target_semaphore(%run_scoped3A : memref<!tpu.dma_semaphore, #tpu.memory_space<semaphore_mem>>)
            %dma_wait3A_83 = tpu.memref_slice %arg12[%mul3A_0] : memref<51200xf32, #tpu.memory_space<hbm>> -> memref<3200xf32, #tpu.memory_space<hbm>>
            %dma_wait3A_84 = tpu.memref_slice %arg12[%mul3A_0] : memref<51200xf32, #tpu.memory_space<hbm>> -> memref<3200xf32, #tpu.memory_space<hbm>>
            tpu.wait_dma2 semaphore(%run_scoped3A : memref<!tpu.dma_semaphore, #tpu.memory_space<semaphore_mem>>) src(%arg31 : memref<3200xf32, #tpu.memory_space<vmem>>) dst(%dma_wait3A_84 : memref<3200xf32, #tpu.memory_space<hbm>>)
            tpu.yield
          }) : () -> ()
        } else {
        }
        %add3A_66 = arith.constant 1 : i32
        %add3A_67 = arith.addi %scan3A_30, %add3A_66 : i32
        %rem3A_68 = arith.constant 2 : i32
        %rem3A_69 = arith.remsi %add3A_67, %rem3A_68 : i32
        %eq3A_70 = arith.constant 1 : i32
        %eq3A_71 = arith.cmpi eq, %rem3A_69, %eq3A_70 : i32
        %convert_element_type3A_72 = arith.extui %eq3A_71 : i1 to i32
        %cond3A_73 = arith.constant 0 : i32
        %cond3A_74 = arith.cmpi ne, %convert_element_type3A_72, %cond3A_73 : i32
        scf.if %cond3A_74 {
          "tpu.region"() ({
            %run_scoped3A = tpu.sem_alloc : memref<!tpu.dma_semaphore, #tpu.memory_space<semaphore_mem>>
            %dma_start3A_81 = tpu.memref_slice %arg13[%mul3A_0] : memref<51200xf32, #tpu.memory_space<hbm>> -> memref<3200xf32, #tpu.memory_space<hbm>>
            %dma_start3A_82 = tpu.memref_slice %arg13[%mul3A_0] : memref<51200xf32, #tpu.memory_space<hbm>> -> memref<3200xf32, #tpu.memory_space<hbm>>
            tpu.enqueue_dma source(%arg31 : memref<3200xf32, #tpu.memory_space<vmem>>) target(%dma_start3A_82 : memref<3200xf32, #tpu.memory_space<hbm>>) target_semaphore(%run_scoped3A : memref<!tpu.dma_semaphore, #tpu.memory_space<semaphore_mem>>)
            %dma_wait3A_83 = tpu.memref_slice %arg13[%mul3A_0] : memref<51200xf32, #tpu.memory_space<hbm>> -> memref<3200xf32, #tpu.memory_space<hbm>>
            %dma_wait3A_84 = tpu.memref_slice %arg13[%mul3A_0] : memref<51200xf32, #tpu.memory_space<hbm>> -> memref<3200xf32, #tpu.memory_space<hbm>>
            tpu.wait_dma2 semaphore(%run_scoped3A : memref<!tpu.dma_semaphore, #tpu.memory_space<semaphore_mem>>) src(%arg31 : memref<3200xf32, #tpu.memory_space<vmem>>) dst(%dma_wait3A_84 : memref<3200xf32, #tpu.memory_space<hbm>>)
            tpu.yield
          }) : () -> ()
        } else {
        }
        %barrier3A_75 = arith.constant 0 : index
        tpu.barrier barrier_id(%barrier3A_75)
        %eq3A_76 = arith.constant 0 : i32
        %eq3A_77 = arith.cmpi eq, %arg1, %eq3A_76 : i32
        %convert_element_type3A_78 = arith.extui %eq3A_77 : i1 to i32
        %cond3A_79 = arith.constant 0 : i32
        %cond3A_80 = arith.cmpi ne, %convert_element_type3A_78, %cond3A_79 : i32
        scf.if %cond3A_80 {
          %add3A_81 = arith.constant 1100000001 : i32
          %add3A_82 = arith.addi %add3A_81, %scan3A_30 : i32
          %add3A_83 = arith.constant 1 : i32
          %add3A_84 = arith.addi %add3A_82, %add3A_83 : i32
          %broadcast_in_dim3A = vector.broadcast %add3A_84 : i32 to vector<16xi32>
          %swap3A = arith.constant 0 : index
          %swap3A_85 = tpu.vector_load %arg45[%swap3A] {strides = array<i32>} : memref<16xi32, #tpu.memory_space<vmem>>, vector<16xi32>,
          %swap3A_86 = vector.shape_cast %swap3A_85 : vector<16xi32> to vector<16xi32>
          %swap3A_87 = vector.shape_cast %broadcast_in_dim3A : vector<16xi32> to vector<16xi32>
          tpu.vector_store %arg45[%swap3A], %swap3A_87 {strides = array<i32>} : memref<16xi32, #tpu.memory_space<vmem>>, vector<16xi32>,
          "tpu.region"() ({
            %run_scoped3A = tpu.sem_alloc : memref<!tpu.dma_semaphore, #tpu.memory_space<semaphore_mem>>
            tpu.enqueue_dma source(%arg45 : memref<16xi32, #tpu.memory_space<vmem>>) target(%arg15 : memref<16xi32, #tpu.memory_space<hbm>>) target_semaphore(%run_scoped3A : memref<!tpu.dma_semaphore, #tpu.memory_space<semaphore_mem>>)
            tpu.wait_dma2 semaphore(%run_scoped3A : memref<!tpu.dma_semaphore, #tpu.memory_space<semaphore_mem>>) src(%arg45 : memref<16xi32, #tpu.memory_space<vmem>>) dst(%arg15 : memref<16xi32, #tpu.memory_space<hbm>>)
            tpu.yield
          }) : () -> ()
        } else {
        }
      }
      %scan3A_29 = arith.constant 11 : i32
    } else {
    }
    %eq3A_3 = arith.constant 1 : i32
    %eq3A_4 = arith.cmpi eq, %arg0, %eq3A_3 : i32
    %convert_element_type3A_5 = arith.extui %eq3A_4 : i1 to i32
    %cond3A_6 = arith.constant 0 : i32
    %cond3A_7 = arith.cmpi ne, %convert_element_type3A_5, %cond3A_6 : i32
    scf.if %cond3A_7 {
      %eq3A_8 = arith.constant 0 : i32
      %eq3A_9 = arith.cmpi eq, %arg1, %eq3A_8 : i32
      %convert_element_type3A_10 = arith.extui %eq3A_9 : i1 to i32
      %cond3A_11 = arith.constant 0 : i32
      %cond3A_12 = arith.cmpi ne, %convert_element_type3A_10, %cond3A_11 : i32
      scf.if %cond3A_12 {
        %broadcast_in_dim3A = arith.constant 0 : i32
        %broadcast_in_dim3A_24 = vector.broadcast %broadcast_in_dim3A : i32 to vector<16xi32>
        %swap3A = arith.constant 0 : index
        %swap3A_25 = tpu.vector_load %arg45[%swap3A] {strides = array<i32>} : memref<16xi32, #tpu.memory_space<vmem>>, vector<16xi32>,
        %swap3A_26 = vector.shape_cast %swap3A_25 : vector<16xi32> to vector<16xi32>
        %swap3A_27 = vector.shape_cast %broadcast_in_dim3A_24 : vector<16xi32> to vector<16xi32>
        tpu.vector_store %arg45[%swap3A], %swap3A_27 {strides = array<i32>} : memref<16xi32, #tpu.memory_space<vmem>>, vector<16xi32>,
        "tpu.region"() ({
          %run_scoped3A = tpu.sem_alloc : memref<!tpu.dma_semaphore, #tpu.memory_space<semaphore_mem>>
          tpu.enqueue_dma source(%arg45 : memref<16xi32, #tpu.memory_space<vmem>>) target(%arg15 : memref<16xi32, #tpu.memory_space<hbm>>) target_semaphore(%run_scoped3A : memref<!tpu.dma_semaphore, #tpu.memory_space<semaphore_mem>>)
          tpu.wait_dma2 semaphore(%run_scoped3A : memref<!tpu.dma_semaphore, #tpu.memory_space<semaphore_mem>>) src(%arg45 : memref<16xi32, #tpu.memory_space<vmem>>) dst(%arg15 : memref<16xi32, #tpu.memory_space<hbm>>)
          tpu.yield
        }) : () -> ()
      } else {
      }
      "tpu.region"() ({
        %run_scoped3A = tpu.sem_alloc : memref<!tpu.dma_semaphore, #tpu.memory_space<semaphore_mem>>
        %dma_start3A = tpu.memref_slice %arg2[%mul3A_0] : memref<51200xf32, #tpu.memory_space<hbm>> -> memref<3200xf32, #tpu.memory_space<hbm>>
        %dma_start3A_24 = tpu.memref_slice %arg2[%mul3A_0] : memref<51200xf32, #tpu.memory_space<hbm>> -> memref<3200xf32, #tpu.memory_space<hbm>>
        tpu.enqueue_dma source(%dma_start3A_24 : memref<3200xf32, #tpu.memory_space<hbm>>) target(%arg23 : memref<3200xf32, #tpu.memory_space<vmem>>) target_semaphore(%run_scoped3A : memref<!tpu.dma_semaphore, #tpu.memory_space<semaphore_mem>>)
        %dma_wait3A = tpu.memref_slice %arg2[%mul3A_0] : memref<51200xf32, #tpu.memory_space<hbm>> -> memref<3200xf32, #tpu.memory_space<hbm>>
        %dma_wait3A_25 = tpu.memref_slice %arg2[%mul3A_0] : memref<51200xf32, #tpu.memory_space<hbm>> -> memref<3200xf32, #tpu.memory_space<hbm>>
        tpu.wait_dma2 semaphore(%run_scoped3A : memref<!tpu.dma_semaphore, #tpu.memory_space<semaphore_mem>>) src(%dma_wait3A_25 : memref<3200xf32, #tpu.memory_space<hbm>>) dst(%arg23 : memref<3200xf32, #tpu.memory_space<vmem>>)
        tpu.yield
      }) : () -> ()
      "tpu.region"() ({
        %run_scoped3A = tpu.sem_alloc : memref<!tpu.dma_semaphore, #tpu.memory_space<semaphore_mem>>
        %dma_start3A = tpu.memref_slice %arg3[%mul3A_0] : memref<51200xf32, #tpu.memory_space<hbm>> -> memref<3200xf32, #tpu.memory_space<hbm>>
        %dma_start3A_24 = tpu.memref_slice %arg3[%mul3A_0] : memref<51200xf32, #tpu.memory_space<hbm>> -> memref<3200xf32, #tpu.memory_space<hbm>>
        tpu.enqueue_dma source(%dma_start3A_24 : memref<3200xf32, #tpu.memory_space<hbm>>) target(%arg31 : memref<3200xf32, #tpu.memory_space<vmem>>) target_semaphore(%run_scoped3A : memref<!tpu.dma_semaphore, #tpu.memory_space<semaphore_mem>>)
        %dma_wait3A = tpu.memref_slice %arg3[%mul3A_0] : memref<51200xf32, #tpu.memory_space<hbm>> -> memref<3200xf32, #tpu.memory_space<hbm>>
        %dma_wait3A_25 = tpu.memref_slice %arg3[%mul3A_0] : memref<51200xf32, #tpu.memory_space<hbm>> -> memref<3200xf32, #tpu.memory_space<hbm>>
        tpu.wait_dma2 semaphore(%run_scoped3A : memref<!tpu.dma_semaphore, #tpu.memory_space<semaphore_mem>>) src(%dma_wait3A_25 : memref<3200xf32, #tpu.memory_space<hbm>>) dst(%arg31 : memref<3200xf32, #tpu.memory_space<vmem>>)
        tpu.yield
      }) : () -> ()
      %scan3A = arith.constant 0 : i32
      %scan3A_13 = arith.constant 0 : i32
      %scan3A_14 = arith.constant 200 : i32
      %scan3A_15 = arith.addi %scan3A_13, %scan3A_14 : i32
      %scan3A_16 = arith.constant 1 : i32
      scf.for %scan3A_24 = %scan3A_13 to %scan3A_15 step %scan3A_16  : i32 {
        %mul3A_25 = arith.constant 16 : i32
        %mul3A_26 = arith.muli %scan3A_24, %mul3A_25 : i32
        %get3A = arith.index_cast %mul3A_26 : i32 to index
        %get3A_27 = tpu.vector_load %arg23[%get3A] {strides = array<i32>} : memref<3200xf32, #tpu.memory_space<vmem>>, vector<16xf32>,
        %get3A_28 = vector.shape_cast %get3A_27 : vector<16xf32> to vector<16xf32>
        %get3A_29 = arith.index_cast %mul3A_26 : i32 to index
        %get3A_30 = tpu.vector_load %arg31[%get3A_29] {strides = array<i32>} : memref<3200xf32, #tpu.memory_space<vmem>>, vector<16xf32>,
        %get3A_31 = vector.shape_cast %get3A_30 : vector<16xf32> to vector<16xf32>
        %sub3A = arith.subf %get3A_28, %get3A_31 : vector<16xf32>
        %swap3A = arith.index_cast %mul3A_26 : i32 to index
        %swap3A_32 = tpu.vector_load %arg23[%swap3A] {strides = array<i32>} : memref<3200xf32, #tpu.memory_space<vmem>>, vector<16xf32>,
        %swap3A_33 = vector.shape_cast %swap3A_32 : vector<16xf32> to vector<16xf32>
        %swap3A_34 = vector.shape_cast %sub3A : vector<16xf32> to vector<16xf32>
        tpu.vector_store %arg23[%swap3A], %swap3A_34 {strides = array<i32>} : memref<3200xf32, #tpu.memory_space<vmem>>, vector<16xf32>,
        %broadcast_in_dim3A = arith.constant 0.000000e+00 : f32
        %broadcast_in_dim3A_35 = vector.broadcast %broadcast_in_dim3A : f32 to vector<16xf32>
        %swap3A_36 = arith.index_cast %mul3A_26 : i32 to index
        %swap3A_37 = tpu.vector_load %arg27[%swap3A_36] {strides = array<i32>} : memref<3200xf32, #tpu.memory_space<vmem>>, vector<16xf32>,
        %swap3A_38 = vector.shape_cast %swap3A_37 : vector<16xf32> to vector<16xf32>
        %swap3A_39 = vector.shape_cast %broadcast_in_dim3A_35 : vector<16xf32> to vector<16xf32>
        tpu.vector_store %arg27[%swap3A_36], %swap3A_39 {strides = array<i32>} : memref<3200xf32, #tpu.memory_space<vmem>>, vector<16xf32>,
      }
      %scan3A_17 = arith.constant 200 : i32
      %barrier3A = arith.constant 0 : index
      tpu.barrier barrier_id(%barrier3A)
      %scan3A_18 = arith.constant 0 : i32
      %scan3A_19 = arith.constant 0 : i32
      %scan3A_20 = arith.constant 11 : i32
      %scan3A_21 = arith.addi %scan3A_19, %scan3A_20 : i32
      %scan3A_22 = arith.constant 1 : i32
      scf.for %scan3A_24 = %scan3A_19 to %scan3A_21 step %scan3A_22  : i32 {
        "tpu.region"() ({
          %run_scoped3A = tpu.sem_alloc : memref<!tpu.dma_semaphore, #tpu.memory_space<semaphore_mem>>
          %dma_start3A_110 = tpu.memref_slice %arg21[%mul3A_0] : memref<51200xf32, #tpu.memory_space<vmem_shared>> -> memref<3200xf32, #tpu.memory_space<vmem_shared>>
          %dma_start3A_111 = tpu.memref_slice %arg21[%mul3A_0] : memref<51200xf32, #tpu.memory_space<vmem_shared>> -> memref<3200xf32, #tpu.memory_space<vmem_shared>>
          tpu.enqueue_dma source(%arg27 : memref<3200xf32, #tpu.memory_space<vmem>>) target(%dma_start3A_111 : memref<3200xf32, #tpu.memory_space<vmem_shared>>) target_semaphore(%run_scoped3A : memref<!tpu.dma_semaphore, #tpu.memory_space<semaphore_mem>>)
          %dma_wait3A_112 = tpu.memref_slice %arg21[%mul3A_0] : memref<51200xf32, #tpu.memory_space<vmem_shared>> -> memref<3200xf32, #tpu.memory_space<vmem_shared>>
          %dma_wait3A_113 = tpu.memref_slice %arg21[%mul3A_0] : memref<51200xf32, #tpu.memory_space<vmem_shared>> -> memref<3200xf32, #tpu.memory_space<vmem_shared>>
          tpu.wait_dma2 semaphore(%run_scoped3A : memref<!tpu.dma_semaphore, #tpu.memory_space<semaphore_mem>>) src(%arg27 : memref<3200xf32, #tpu.memory_space<vmem>>) dst(%dma_wait3A_113 : memref<3200xf32, #tpu.memory_space<vmem_shared>>)
          tpu.yield
        }) : () -> ()
        %barrier3A_25 = arith.constant 0 : index
        tpu.barrier barrier_id(%barrier3A_25)
        %eq3A_26 = arith.constant 0 : i32
        %eq3A_27 = arith.cmpi eq, %arg1, %eq3A_26 : i32
        %convert_element_type3A_28 = arith.extui %eq3A_27 : i1 to i32
        %cond3A_29 = arith.constant 0 : i32
        %cond3A_30 = arith.cmpi ne, %convert_element_type3A_28, %cond3A_29 : i32
        scf.if %cond3A_30 {
          %add3A_110 = arith.constant 1100000001 : i32
          %add3A_111 = arith.addi %add3A_110, %scan3A_24 : i32
          %add3A_112 = arith.constant 1 : i32
          %add3A_113 = arith.addi %add3A_111, %add3A_112 : i32
          %scan3A_114 = arith.constant 0 : i32
          %scan3A_115 = arith.constant 0 : i32
          %scan3A_116 = arith.constant 1024 : i32
          %scan3A_117 = arith.addi %scan3A_115, %scan3A_116 : i32
          %scan3A_118 = arith.constant 1 : i32
          %scan3A_119 = scf.for %scan3A_121 = %scan3A_115 to %scan3A_117 step %scan3A_118 iter_args(%scan3A_122 = %scan3A_114) -> (i32)  : i32 {
            %ge3A = arith.cmpi sge, %scan3A_122, %add3A_113 : i32
            %le3A = arith.constant 1100000012 : i32
            %le3A_123 = arith.cmpi sle, %scan3A_122, %le3A : i32
            %and3A = arith.andi %ge3A, %le3A_123 : i1
            %not3A = arith.constant true
            %not3A_124 = arith.xori %and3A, %not3A : i1
            %convert_element_type3A_125 = arith.extui %not3A_124 : i1 to i32
            %cond3A_126 = arith.constant 0 : i32
            %cond3A_127 = arith.cmpi ne, %convert_element_type3A_125, %cond3A_126 : i32
            scf.if %cond3A_127 {
              "tpu.region"() ({
                %run_scoped3A = tpu.sem_alloc : memref<!tpu.dma_semaphore, #tpu.memory_space<semaphore_mem>>
                tpu.enqueue_dma source(%arg15 : memref<16xi32, #tpu.memory_space<hbm>>) target(%arg45 : memref<16xi32, #tpu.memory_space<vmem>>) target_semaphore(%run_scoped3A : memref<!tpu.dma_semaphore, #tpu.memory_space<semaphore_mem>>)
                tpu.wait_dma2 semaphore(%run_scoped3A : memref<!tpu.dma_semaphore, #tpu.memory_space<semaphore_mem>>) src(%arg15 : memref<16xi32, #tpu.memory_space<hbm>>) dst(%arg45 : memref<16xi32, #tpu.memory_space<vmem>>)
                tpu.yield
              }) : () -> ()
            } else {
            }
            %get3A = arith.constant 0 : index
            %get3A_128 = tpu.vector_load %arg45[%get3A] {strides = array<i32>} : memref<16xi32, #tpu.memory_space<vmem>>, vector<16xi32>,
            %get3A_129 = vector.shape_cast %get3A_128 : vector<16xi32> to vector<16xi32>
            %slice3A = vector.extract_strided_slice %get3A_129 {offsets = [0], sizes = [1], strides = [1]} : vector<16xi32> to vector<1xi32>
            %squeeze3A = vector.extract %slice3A[0] : i32 from vector<1xi32>
            scf.yield %squeeze3A : i32
          }
          %scan3A_120 = arith.constant 1024 : i32
        } else {
        }
        %barrier3A_31 = arith.constant 0 : index
        tpu.barrier barrier_id(%barrier3A_31)
        %add3A = arith.constant 1 : i32
        %add3A_32 = arith.addi %scan3A_24, %add3A : i32
        %rem3A = arith.constant 2 : i32
        %rem3A_33 = arith.remsi %add3A_32, %rem3A : i32
        %eq3A_34 = arith.constant 0 : i32
        %eq3A_35 = arith.cmpi eq, %rem3A_33, %eq3A_34 : i32
        %convert_element_type3A_36 = arith.extui %eq3A_35 : i1 to i32
        %cond3A_37 = arith.constant 0 : i32
        %cond3A_38 = arith.cmpi ne, %convert_element_type3A_36, %cond3A_37 : i32
        scf.if %cond3A_38 {
          "tpu.region"() ({
            %run_scoped3A = tpu.sem_alloc : memref<!tpu.dma_semaphore, #tpu.memory_space<semaphore_mem>>
            %dma_start3A_110 = tpu.memref_slice %arg12[%mul3A_0] : memref<51200xf32, #tpu.memory_space<hbm>> -> memref<3200xf32, #tpu.memory_space<hbm>>
            %dma_start3A_111 = tpu.memref_slice %arg12[%mul3A_0] : memref<51200xf32, #tpu.memory_space<hbm>> -> memref<3200xf32, #tpu.memory_space<hbm>>
            tpu.enqueue_dma source(%dma_start3A_111 : memref<3200xf32, #tpu.memory_space<hbm>>) target(%arg31 : memref<3200xf32, #tpu.memory_space<vmem>>) target_semaphore(%run_scoped3A : memref<!tpu.dma_semaphore, #tpu.memory_space<semaphore_mem>>)
            %dma_wait3A_112 = tpu.memref_slice %arg12[%mul3A_0] : memref<51200xf32, #tpu.memory_space<hbm>> -> memref<3200xf32, #tpu.memory_space<hbm>>
            %dma_wait3A_113 = tpu.memref_slice %arg12[%mul3A_0] : memref<51200xf32, #tpu.memory_space<hbm>> -> memref<3200xf32, #tpu.memory_space<hbm>>
            tpu.wait_dma2 semaphore(%run_scoped3A : memref<!tpu.dma_semaphore, #tpu.memory_space<semaphore_mem>>) src(%dma_wait3A_113 : memref<3200xf32, #tpu.memory_space<hbm>>) dst(%arg31 : memref<3200xf32, #tpu.memory_space<vmem>>)
            tpu.yield
          }) : () -> ()
        } else {
        }
        %add3A_39 = arith.constant 1 : i32
        %add3A_40 = arith.addi %scan3A_24, %add3A_39 : i32
        %rem3A_41 = arith.constant 2 : i32
        %rem3A_42 = arith.remsi %add3A_40, %rem3A_41 : i32
        %eq3A_43 = arith.constant 1 : i32
        %eq3A_44 = arith.cmpi eq, %rem3A_42, %eq3A_43 : i32
        %convert_element_type3A_45 = arith.extui %eq3A_44 : i1 to i32
        %cond3A_46 = arith.constant 0 : i32
        %cond3A_47 = arith.cmpi ne, %convert_element_type3A_45, %cond3A_46 : i32
        scf.if %cond3A_47 {
          "tpu.region"() ({
            %run_scoped3A = tpu.sem_alloc : memref<!tpu.dma_semaphore, #tpu.memory_space<semaphore_mem>>
            %dma_start3A_110 = tpu.memref_slice %arg13[%mul3A_0] : memref<51200xf32, #tpu.memory_space<hbm>> -> memref<3200xf32, #tpu.memory_space<hbm>>
            %dma_start3A_111 = tpu.memref_slice %arg13[%mul3A_0] : memref<51200xf32, #tpu.memory_space<hbm>> -> memref<3200xf32, #tpu.memory_space<hbm>>
            tpu.enqueue_dma source(%dma_start3A_111 : memref<3200xf32, #tpu.memory_space<hbm>>) target(%arg31 : memref<3200xf32, #tpu.memory_space<vmem>>) target_semaphore(%run_scoped3A : memref<!tpu.dma_semaphore, #tpu.memory_space<semaphore_mem>>)
            %dma_wait3A_112 = tpu.memref_slice %arg13[%mul3A_0] : memref<51200xf32, #tpu.memory_space<hbm>> -> memref<3200xf32, #tpu.memory_space<hbm>>
            %dma_wait3A_113 = tpu.memref_slice %arg13[%mul3A_0] : memref<51200xf32, #tpu.memory_space<hbm>> -> memref<3200xf32, #tpu.memory_space<hbm>>
            tpu.wait_dma2 semaphore(%run_scoped3A : memref<!tpu.dma_semaphore, #tpu.memory_space<semaphore_mem>>) src(%dma_wait3A_113 : memref<3200xf32, #tpu.memory_space<hbm>>) dst(%arg31 : memref<3200xf32, #tpu.memory_space<vmem>>)
            tpu.yield
          }) : () -> ()
        } else {
        }
        "tpu.region"() ({
          %run_scoped3A = tpu.sem_alloc : memref<!tpu.dma_semaphore, #tpu.memory_space<semaphore_mem>>
          %dma_start3A_110 = tpu.memref_slice %arg20[%mul3A_0] : memref<51200xf32, #tpu.memory_space<vmem_shared>> -> memref<3200xf32, #tpu.memory_space<vmem_shared>>
          %dma_start3A_111 = tpu.memref_slice %arg20[%mul3A_0] : memref<51200xf32, #tpu.memory_space<vmem_shared>> -> memref<3200xf32, #tpu.memory_space<vmem_shared>>
          tpu.enqueue_dma source(%arg31 : memref<3200xf32, #tpu.memory_space<vmem>>) target(%dma_start3A_111 : memref<3200xf32, #tpu.memory_space<vmem_shared>>) target_semaphore(%run_scoped3A : memref<!tpu.dma_semaphore, #tpu.memory_space<semaphore_mem>>)
          %dma_wait3A_112 = tpu.memref_slice %arg20[%mul3A_0] : memref<51200xf32, #tpu.memory_space<vmem_shared>> -> memref<3200xf32, #tpu.memory_space<vmem_shared>>
          %dma_wait3A_113 = tpu.memref_slice %arg20[%mul3A_0] : memref<51200xf32, #tpu.memory_space<vmem_shared>> -> memref<3200xf32, #tpu.memory_space<vmem_shared>>
          tpu.wait_dma2 semaphore(%run_scoped3A : memref<!tpu.dma_semaphore, #tpu.memory_space<semaphore_mem>>) src(%arg31 : memref<3200xf32, #tpu.memory_space<vmem>>) dst(%dma_wait3A_113 : memref<3200xf32, #tpu.memory_space<vmem_shared>>)
          tpu.yield
        }) : () -> ()
        %barrier3A_48 = arith.constant 0 : index
        tpu.barrier barrier_id(%barrier3A_48)
        %eq3A_49 = arith.constant 0 : i32
        %eq3A_50 = arith.cmpi eq, %arg1, %eq3A_49 : i32
        %convert_element_type3A_51 = arith.extui %eq3A_50 : i1 to i32
        %cond3A_52 = arith.constant 0 : i32
        %cond3A_53 = arith.cmpi ne, %convert_element_type3A_51, %cond3A_52 : i32
        scf.if %cond3A_53 {
          %add3A_110 = arith.constant 1200000001 : i32
          %add3A_111 = arith.addi %add3A_110, %scan3A_24 : i32
          %add3A_112 = arith.constant 1 : i32
          %add3A_113 = arith.addi %add3A_111, %add3A_112 : i32
          %broadcast_in_dim3A_114 = vector.broadcast %add3A_113 : i32 to vector<16xi32>
          %swap3A_115 = arith.constant 0 : index
          %swap3A_116 = tpu.vector_load %arg45[%swap3A_115] {strides = array<i32>} : memref<16xi32, #tpu.memory_space<vmem>>, vector<16xi32>,
          %swap3A_117 = vector.shape_cast %swap3A_116 : vector<16xi32> to vector<16xi32>
          %swap3A_118 = vector.shape_cast %broadcast_in_dim3A_114 : vector<16xi32> to vector<16xi32>
          tpu.vector_store %arg45[%swap3A_115], %swap3A_118 {strides = array<i32>} : memref<16xi32, #tpu.memory_space<vmem>>, vector<16xi32>,
          "tpu.region"() ({
            %run_scoped3A = tpu.sem_alloc : memref<!tpu.dma_semaphore, #tpu.memory_space<semaphore_mem>>
            tpu.enqueue_dma source(%arg45 : memref<16xi32, #tpu.memory_space<vmem>>) target(%arg16 : memref<16xi32, #tpu.memory_space<hbm>>) target_semaphore(%run_scoped3A : memref<!tpu.dma_semaphore, #tpu.memory_space<semaphore_mem>>)
            tpu.wait_dma2 semaphore(%run_scoped3A : memref<!tpu.dma_semaphore, #tpu.memory_space<semaphore_mem>>) src(%arg45 : memref<16xi32, #tpu.memory_space<vmem>>) dst(%arg16 : memref<16xi32, #tpu.memory_space<hbm>>)
            tpu.yield
          }) : () -> ()
        } else {
        }
        %mul3A_54 = arith.constant 56000 : i32
        %mul3A_55 = arith.muli %arg1, %mul3A_54 : i32
        %dma_start3A = tpu.memref_slice %arg9[%mul3A_55] : memref<896000xi32, #tpu.memory_space<hbm>> -> memref<2000xi32, #tpu.memory_space<hbm>>
        %dma_start3A_56 = tpu.memref_slice %arg9[%mul3A_55] : memref<896000xi32, #tpu.memory_space<hbm>> -> memref<2000xi32, #tpu.memory_space<hbm>>
        tpu.enqueue_dma source(%dma_start3A_56 : memref<2000xi32, #tpu.memory_space<hbm>>) target(%arg32 : memref<2000xi32, #tpu.memory_space<vmem>>) target_semaphore(%arg47 : memref<!tpu.dma_semaphore, #tpu.memory_space<semaphore_mem>>)
        %dma_start3A_57 = tpu.memref_slice %arg10[%mul3A_55] : memref<896000xi32, #tpu.memory_space<hbm>> -> memref<2000xi32, #tpu.memory_space<hbm>>
        %dma_start3A_58 = tpu.memref_slice %arg10[%mul3A_55] : memref<896000xi32, #tpu.memory_space<hbm>> -> memref<2000xi32, #tpu.memory_space<hbm>>
        tpu.enqueue_dma source(%dma_start3A_58 : memref<2000xi32, #tpu.memory_space<hbm>>) target(%arg34 : memref<2000xi32, #tpu.memory_space<vmem>>) target_semaphore(%arg47 : memref<!tpu.dma_semaphore, #tpu.memory_space<semaphore_mem>>)
        %dma_start3A_59 = tpu.memref_slice %arg11[%mul3A_55] : memref<896000xf32, #tpu.memory_space<hbm>> -> memref<2000xf32, #tpu.memory_space<hbm>>
        %dma_start3A_60 = tpu.memref_slice %arg11[%mul3A_55] : memref<896000xf32, #tpu.memory_space<hbm>> -> memref<2000xf32, #tpu.memory_space<hbm>>
        tpu.enqueue_dma source(%dma_start3A_60 : memref<2000xf32, #tpu.memory_space<hbm>>) target(%arg36 : memref<2000xf32, #tpu.memory_space<vmem>>) target_semaphore(%arg47 : memref<!tpu.dma_semaphore, #tpu.memory_space<semaphore_mem>>)
        %scan3A_61 = arith.constant 0 : i32
        %scan3A_62 = arith.constant 0 : i32
        %scan3A_63 = arith.constant 14 : i32
        %scan3A_64 = arith.addi %scan3A_62, %scan3A_63 : i32
        %scan3A_65 = arith.constant 1 : i32
        scf.for %scan3A_110 = %scan3A_62 to %scan3A_64 step %scan3A_65  : i32 {
          %mul3A_111 = arith.constant 2 : i32
          %mul3A_112 = arith.muli %mul3A_111, %scan3A_110 : i32
          %mul3A_113 = arith.constant 2000 : i32
          %mul3A_114 = arith.muli %mul3A_112, %mul3A_113 : i32
          %add3A_115 = arith.addi %mul3A_55, %mul3A_114 : i32
          %dma_wait3A_116 = arith.constant 0 : i32
          %dma_wait3A_117 = tpu.memref_slice %arg9[%dma_wait3A_116] : memref<896000xi32, #tpu.memory_space<hbm>> -> memref<2000xi32, #tpu.memory_space<hbm>>
          %dma_wait3A_118 = arith.constant 0 : i32
          %dma_wait3A_119 = tpu.memref_slice %arg9[%dma_wait3A_118] : memref<896000xi32, #tpu.memory_space<hbm>> -> memref<2000xi32, #tpu.memory_space<hbm>>
          tpu.wait_dma2 semaphore(%arg47 : memref<!tpu.dma_semaphore, #tpu.memory_space<semaphore_mem>>) src(%dma_wait3A_119 : memref<2000xi32, #tpu.memory_space<hbm>>) dst(%arg32 : memref<2000xi32, #tpu.memory_space<vmem>>)
          %dma_wait3A_120 = arith.constant 0 : i32
          %dma_wait3A_121 = tpu.memref_slice %arg10[%dma_wait3A_120] : memref<896000xi32, #tpu.memory_space<hbm>> -> memref<2000xi32, #tpu.memory_space<hbm>>
          %dma_wait3A_122 = arith.constant 0 : i32
          %dma_wait3A_123 = tpu.memref_slice %arg10[%dma_wait3A_122] : memref<896000xi32, #tpu.memory_space<hbm>> -> memref<2000xi32, #tpu.memory_space<hbm>>
          tpu.wait_dma2 semaphore(%arg47 : memref<!tpu.dma_semaphore, #tpu.memory_space<semaphore_mem>>) src(%dma_wait3A_123 : memref<2000xi32, #tpu.memory_space<hbm>>) dst(%arg34 : memref<2000xi32, #tpu.memory_space<vmem>>)
          %dma_wait3A_124 = arith.constant 0 : i32
          %dma_wait3A_125 = tpu.memref_slice %arg11[%dma_wait3A_124] : memref<896000xf32, #tpu.memory_space<hbm>> -> memref<2000xf32, #tpu.memory_space<hbm>>
          %dma_wait3A_126 = arith.constant 0 : i32
          %dma_wait3A_127 = tpu.memref_slice %arg11[%dma_wait3A_126] : memref<896000xf32, #tpu.memory_space<hbm>> -> memref<2000xf32, #tpu.memory_space<hbm>>
          tpu.wait_dma2 semaphore(%arg47 : memref<!tpu.dma_semaphore, #tpu.memory_space<semaphore_mem>>) src(%dma_wait3A_127 : memref<2000xf32, #tpu.memory_space<hbm>>) dst(%arg36 : memref<2000xf32, #tpu.memory_space<vmem>>)
          %dma_start3A_128 = arith.constant 0 : i32
          %dma_start3A_129 = tpu.memref_slice %arg20[%dma_start3A_128] : memref<51200xf32, #tpu.memory_space<vmem_shared>> -> memref<51200xf32, #tpu.memory_space<vmem_shared>>
          tpu.enqueue_indirect_dma source(%dma_start3A_129 : memref<51200xf32, #tpu.memory_space<vmem_shared>>) target(%arg38 : memref<2000xf32, #tpu.memory_space<vmem>>) offsets(%arg32 : memref<2000xi32, #tpu.memory_space<vmem>>) semaphore(%arg49 : memref<!tpu.dma_semaphore, #tpu.memory_space<semaphore_mem>>)
          %gt3A = arith.constant 0 : i32
          %gt3A_130 = arith.cmpi sgt, %scan3A_110, %gt3A : i32
          %convert_element_type3A_131 = arith.extui %gt3A_130 : i1 to i32
          %cond3A_132 = arith.constant 0 : i32
          %cond3A_133 = arith.cmpi ne, %convert_element_type3A_131, %cond3A_132 : i32
          scf.if %cond3A_133 {
            %gt3A_179 = arith.constant 1 : i32
            %gt3A_180 = arith.cmpi sgt, %scan3A_110, %gt3A_179 : i32
            %dma_wait3A_181 = arith.constant 0 : i32
            %dma_wait3A_182 = tpu.memref_slice %arg11[%dma_wait3A_181] : memref<896000xf32, #tpu.memory_space<hbm>> -> memref<2000xf32, #tpu.memory_space<hbm>>
            %dma_wait3A_183 = arith.constant 0 : i32
            %dma_wait3A_184 = tpu.memref_slice %arg11[%dma_wait3A_183] : memref<896000xf32, #tpu.memory_space<hbm>> -> memref<2000xf32, #tpu.memory_space<hbm>>
            tpu.wait_dma2 semaphore(%arg50 : memref<!tpu.dma_semaphore, #tpu.memory_space<semaphore_mem>>) src(%dma_wait3A_184 : memref<2000xf32, #tpu.memory_space<hbm>>) dst(%arg39 : memref<2000xf32, #tpu.memory_space<vmem>>)
            %convert_element_type3A_185 = arith.extui %gt3A_180 : i1 to i32
            %cond3A_186 = arith.constant 0 : i32
            %cond3A_187 = arith.cmpi ne, %convert_element_type3A_185, %cond3A_186 : i32
            scf.if %cond3A_187 {
              %dma_wait3A_196 = arith.constant 0 : i32
              %dma_wait3A_197 = tpu.memref_slice %arg11[%dma_wait3A_196] : memref<896000xf32, #tpu.memory_space<hbm>> -> memref<2000xf32, #tpu.memory_space<hbm>>
              %dma_wait3A_198 = arith.constant 0 : i32
              %dma_wait3A_199 = tpu.memref_slice %arg11[%dma_wait3A_198] : memref<896000xf32, #tpu.memory_space<hbm>> -> memref<2000xf32, #tpu.memory_space<hbm>>
              tpu.wait_dma2 semaphore(%arg52 : memref<!tpu.dma_semaphore, #tpu.memory_space<semaphore_mem>>) src(%dma_wait3A_199 : memref<2000xf32, #tpu.memory_space<hbm>>) dst(%arg41 : memref<2000xf32, #tpu.memory_space<vmem>>)
            } else {
            }
            %scan3A_188 = arith.constant 0 : i32
            %scan3A_189 = arith.constant 0 : i32
            %scan3A_190 = arith.constant 25 : i32
            %scan3A_191 = arith.addi %scan3A_189, %scan3A_190 : i32
            %scan3A_192 = arith.constant 1 : i32
            scf.for %scan3A_196 = %scan3A_189 to %scan3A_191 step %scan3A_192  : i32 {
              %mul3A_197 = arith.constant 5 : i32
              %mul3A_198 = arith.muli %scan3A_196, %mul3A_197 : i32
              %add3A_199 = arith.constant 0 : i32
              %add3A_200 = arith.addi %mul3A_198, %add3A_199 : i32
              %mul3A_201 = arith.constant 16 : i32
              %mul3A_202 = arith.muli %add3A_200, %mul3A_201 : i32
              %get3A = arith.index_cast %mul3A_202 : i32 to index
              %get3A_203 = tpu.vector_load %arg39[%get3A] {strides = array<i32>} : memref<2000xf32, #tpu.memory_space<vmem>>, vector<16xf32>,
              %get3A_204 = vector.shape_cast %get3A_203 : vector<16xf32> to vector<16xf32>
              %get3A_205 = arith.index_cast %mul3A_202 : i32 to index
              %get3A_206 = tpu.vector_load %arg37[%get3A_205] {strides = array<i32>} : memref<2000xf32, #tpu.memory_space<vmem>>, vector<16xf32>,
              %get3A_207 = vector.shape_cast %get3A_206 : vector<16xf32> to vector<16xf32>
              %mul3A_208 = arith.mulf %get3A_204, %get3A_207 : vector<16xf32>
              %swap3A_209 = arith.index_cast %mul3A_202 : i32 to index
              %swap3A_210 = tpu.vector_load %arg41[%swap3A_209] {strides = array<i32>} : memref<2000xf32, #tpu.memory_space<vmem>>, vector<16xf32>,
              %swap3A_211 = vector.shape_cast %swap3A_210 : vector<16xf32> to vector<16xf32>
              %swap3A_212 = vector.shape_cast %mul3A_208 : vector<16xf32> to vector<16xf32>
              tpu.vector_store %arg41[%swap3A_209], %swap3A_212 {strides = array<i32>} : memref<2000xf32, #tpu.memory_space<vmem>>, vector<16xf32>,
              %get3A_213 = arith.index_cast %mul3A_202 : i32 to index
              %get3A_214 = tpu.vector_load %arg35[%get3A_213] {strides = array<i32>} : memref<2000xi32, #tpu.memory_space<vmem>>, vector<16xi32>,
              %get3A_215 = vector.shape_cast %get3A_214 : vector<16xi32> to vector<16xi32>
              %swap3A_216 = arith.index_cast %mul3A_202 : i32 to index
              %swap3A_217 = tpu.vector_load %arg43[%swap3A_216] {strides = array<i32>} : memref<2000xi32, #tpu.memory_space<vmem>>, vector<16xi32>,
              %swap3A_218 = vector.shape_cast %swap3A_217 : vector<16xi32> to vector<16xi32>
              %swap3A_219 = vector.shape_cast %get3A_215 : vector<16xi32> to vector<16xi32>
              tpu.vector_store %arg43[%swap3A_216], %swap3A_219 {strides = array<i32>} : memref<2000xi32, #tpu.memory_space<vmem>>, vector<16xi32>,
              %mul3A_220 = arith.constant 5 : i32
              %mul3A_221 = arith.muli %scan3A_196, %mul3A_220 : i32
              %add3A_222 = arith.constant 1 : i32
              %add3A_223 = arith.addi %mul3A_221, %add3A_222 : i32
              %mul3A_224 = arith.constant 16 : i32
              %mul3A_225 = arith.muli %add3A_223, %mul3A_224 : i32
              %get3A_226 = arith.index_cast %mul3A_225 : i32 to index
              %get3A_227 = tpu.vector_load %arg39[%get3A_226] {strides = array<i32>} : memref<2000xf32, #tpu.memory_space<vmem>>, vector<16xf32>,
              %get3A_228 = vector.shape_cast %get3A_227 : vector<16xf32> to vector<16xf32>
              %get3A_229 = arith.index_cast %mul3A_225 : i32 to index
              %get3A_230 = tpu.vector_load %arg37[%get3A_229] {strides = array<i32>} : memref<2000xf32, #tpu.memory_space<vmem>>, vector<16xf32>,
              %get3A_231 = vector.shape_cast %get3A_230 : vector<16xf32> to vector<16xf32>
              %mul3A_232 = arith.mulf %get3A_228, %get3A_231 : vector<16xf32>
              %swap3A_233 = arith.index_cast %mul3A_225 : i32 to index
              %swap3A_234 = tpu.vector_load %arg41[%swap3A_233] {strides = array<i32>} : memref<2000xf32, #tpu.memory_space<vmem>>, vector<16xf32>,
              %swap3A_235 = vector.shape_cast %swap3A_234 : vector<16xf32> to vector<16xf32>
              %swap3A_236 = vector.shape_cast %mul3A_232 : vector<16xf32> to vector<16xf32>
              tpu.vector_store %arg41[%swap3A_233], %swap3A_236 {strides = array<i32>} : memref<2000xf32, #tpu.memory_space<vmem>>, vector<16xf32>,
              %get3A_237 = arith.index_cast %mul3A_225 : i32 to index
              %get3A_238 = tpu.vector_load %arg35[%get3A_237] {strides = array<i32>} : memref<2000xi32, #tpu.memory_space<vmem>>, vector<16xi32>,
              %get3A_239 = vector.shape_cast %get3A_238 : vector<16xi32> to vector<16xi32>
              %swap3A_240 = arith.index_cast %mul3A_225 : i32 to index
              %swap3A_241 = tpu.vector_load %arg43[%swap3A_240] {strides = array<i32>} : memref<2000xi32, #tpu.memory_space<vmem>>, vector<16xi32>,
              %swap3A_242 = vector.shape_cast %swap3A_241 : vector<16xi32> to vector<16xi32>
              %swap3A_243 = vector.shape_cast %get3A_239 : vector<16xi32> to vector<16xi32>
              tpu.vector_store %arg43[%swap3A_240], %swap3A_243 {strides = array<i32>} : memref<2000xi32, #tpu.memory_space<vmem>>, vector<16xi32>,
              %mul3A_244 = arith.constant 5 : i32
              %mul3A_245 = arith.muli %scan3A_196, %mul3A_244 : i32
              %add3A_246 = arith.constant 2 : i32
              %add3A_247 = arith.addi %mul3A_245, %add3A_246 : i32
              %mul3A_248 = arith.constant 16 : i32
              %mul3A_249 = arith.muli %add3A_247, %mul3A_248 : i32
              %get3A_250 = arith.index_cast %mul3A_249 : i32 to index
              %get3A_251 = tpu.vector_load %arg39[%get3A_250] {strides = array<i32>} : memref<2000xf32, #tpu.memory_space<vmem>>, vector<16xf32>,
              %get3A_252 = vector.shape_cast %get3A_251 : vector<16xf32> to vector<16xf32>
              %get3A_253 = arith.index_cast %mul3A_249 : i32 to index
              %get3A_254 = tpu.vector_load %arg37[%get3A_253] {strides = array<i32>} : memref<2000xf32, #tpu.memory_space<vmem>>, vector<16xf32>,
              %get3A_255 = vector.shape_cast %get3A_254 : vector<16xf32> to vector<16xf32>
              %mul3A_256 = arith.mulf %get3A_252, %get3A_255 : vector<16xf32>
              %swap3A_257 = arith.index_cast %mul3A_249 : i32 to index
              %swap3A_258 = tpu.vector_load %arg41[%swap3A_257] {strides = array<i32>} : memref<2000xf32, #tpu.memory_space<vmem>>, vector<16xf32>,
              %swap3A_259 = vector.shape_cast %swap3A_258 : vector<16xf32> to vector<16xf32>
              %swap3A_260 = vector.shape_cast %mul3A_256 : vector<16xf32> to vector<16xf32>
              tpu.vector_store %arg41[%swap3A_257], %swap3A_260 {strides = array<i32>} : memref<2000xf32, #tpu.memory_space<vmem>>, vector<16xf32>,
              %get3A_261 = arith.index_cast %mul3A_249 : i32 to index
              %get3A_262 = tpu.vector_load %arg35[%get3A_261] {strides = array<i32>} : memref<2000xi32, #tpu.memory_space<vmem>>, vector<16xi32>,
              %get3A_263 = vector.shape_cast %get3A_262 : vector<16xi32> to vector<16xi32>
              %swap3A_264 = arith.index_cast %mul3A_249 : i32 to index
              %swap3A_265 = tpu.vector_load %arg43[%swap3A_264] {strides = array<i32>} : memref<2000xi32, #tpu.memory_space<vmem>>, vector<16xi32>,
              %swap3A_266 = vector.shape_cast %swap3A_265 : vector<16xi32> to vector<16xi32>
              %swap3A_267 = vector.shape_cast %get3A_263 : vector<16xi32> to vector<16xi32>
              tpu.vector_store %arg43[%swap3A_264], %swap3A_267 {strides = array<i32>} : memref<2000xi32, #tpu.memory_space<vmem>>, vector<16xi32>,
              %mul3A_268 = arith.constant 5 : i32
              %mul3A_269 = arith.muli %scan3A_196, %mul3A_268 : i32
              %add3A_270 = arith.constant 3 : i32
              %add3A_271 = arith.addi %mul3A_269, %add3A_270 : i32
              %mul3A_272 = arith.constant 16 : i32
              %mul3A_273 = arith.muli %add3A_271, %mul3A_272 : i32
              %get3A_274 = arith.index_cast %mul3A_273 : i32 to index
              %get3A_275 = tpu.vector_load %arg39[%get3A_274] {strides = array<i32>} : memref<2000xf32, #tpu.memory_space<vmem>>, vector<16xf32>,
              %get3A_276 = vector.shape_cast %get3A_275 : vector<16xf32> to vector<16xf32>
              %get3A_277 = arith.index_cast %mul3A_273 : i32 to index
              %get3A_278 = tpu.vector_load %arg37[%get3A_277] {strides = array<i32>} : memref<2000xf32, #tpu.memory_space<vmem>>, vector<16xf32>,
              %get3A_279 = vector.shape_cast %get3A_278 : vector<16xf32> to vector<16xf32>
              %mul3A_280 = arith.mulf %get3A_276, %get3A_279 : vector<16xf32>
              %swap3A_281 = arith.index_cast %mul3A_273 : i32 to index
              %swap3A_282 = tpu.vector_load %arg41[%swap3A_281] {strides = array<i32>} : memref<2000xf32, #tpu.memory_space<vmem>>, vector<16xf32>,
              %swap3A_283 = vector.shape_cast %swap3A_282 : vector<16xf32> to vector<16xf32>
              %swap3A_284 = vector.shape_cast %mul3A_280 : vector<16xf32> to vector<16xf32>
              tpu.vector_store %arg41[%swap3A_281], %swap3A_284 {strides = array<i32>} : memref<2000xf32, #tpu.memory_space<vmem>>, vector<16xf32>,
              %get3A_285 = arith.index_cast %mul3A_273 : i32 to index
              %get3A_286 = tpu.vector_load %arg35[%get3A_285] {strides = array<i32>} : memref<2000xi32, #tpu.memory_space<vmem>>, vector<16xi32>,
              %get3A_287 = vector.shape_cast %get3A_286 : vector<16xi32> to vector<16xi32>
              %swap3A_288 = arith.index_cast %mul3A_273 : i32 to index
              %swap3A_289 = tpu.vector_load %arg43[%swap3A_288] {strides = array<i32>} : memref<2000xi32, #tpu.memory_space<vmem>>, vector<16xi32>,
              %swap3A_290 = vector.shape_cast %swap3A_289 : vector<16xi32> to vector<16xi32>
              %swap3A_291 = vector.shape_cast %get3A_287 : vector<16xi32> to vector<16xi32>
              tpu.vector_store %arg43[%swap3A_288], %swap3A_291 {strides = array<i32>} : memref<2000xi32, #tpu.memory_space<vmem>>, vector<16xi32>,
              %mul3A_292 = arith.constant 5 : i32
              %mul3A_293 = arith.muli %scan3A_196, %mul3A_292 : i32
              %add3A_294 = arith.constant 4 : i32
              %add3A_295 = arith.addi %mul3A_293, %add3A_294 : i32
              %mul3A_296 = arith.constant 16 : i32
              %mul3A_297 = arith.muli %add3A_295, %mul3A_296 : i32
              %get3A_298 = arith.index_cast %mul3A_297 : i32 to index
              %get3A_299 = tpu.vector_load %arg39[%get3A_298] {strides = array<i32>} : memref<2000xf32, #tpu.memory_space<vmem>>, vector<16xf32>,
              %get3A_300 = vector.shape_cast %get3A_299 : vector<16xf32> to vector<16xf32>
              %get3A_301 = arith.index_cast %mul3A_297 : i32 to index
              %get3A_302 = tpu.vector_load %arg37[%get3A_301] {strides = array<i32>} : memref<2000xf32, #tpu.memory_space<vmem>>, vector<16xf32>,
              %get3A_303 = vector.shape_cast %get3A_302 : vector<16xf32> to vector<16xf32>
              %mul3A_304 = arith.mulf %get3A_300, %get3A_303 : vector<16xf32>
              %swap3A_305 = arith.index_cast %mul3A_297 : i32 to index
              %swap3A_306 = tpu.vector_load %arg41[%swap3A_305] {strides = array<i32>} : memref<2000xf32, #tpu.memory_space<vmem>>, vector<16xf32>,
              %swap3A_307 = vector.shape_cast %swap3A_306 : vector<16xf32> to vector<16xf32>
              %swap3A_308 = vector.shape_cast %mul3A_304 : vector<16xf32> to vector<16xf32>
              tpu.vector_store %arg41[%swap3A_305], %swap3A_308 {strides = array<i32>} : memref<2000xf32, #tpu.memory_space<vmem>>, vector<16xf32>,
              %get3A_309 = arith.index_cast %mul3A_297 : i32 to index
              %get3A_310 = tpu.vector_load %arg35[%get3A_309] {strides = array<i32>} : memref<2000xi32, #tpu.memory_space<vmem>>, vector<16xi32>,
              %get3A_311 = vector.shape_cast %get3A_310 : vector<16xi32> to vector<16xi32>
              %swap3A_312 = arith.index_cast %mul3A_297 : i32 to index
              %swap3A_313 = tpu.vector_load %arg43[%swap3A_312] {strides = array<i32>} : memref<2000xi32, #tpu.memory_space<vmem>>, vector<16xi32>,
              %swap3A_314 = vector.shape_cast %swap3A_313 : vector<16xi32> to vector<16xi32>
              %swap3A_315 = vector.shape_cast %get3A_311 : vector<16xi32> to vector<16xi32>
              tpu.vector_store %arg43[%swap3A_312], %swap3A_315 {strides = array<i32>} : memref<2000xi32, #tpu.memory_space<vmem>>, vector<16xi32>,
            }
            %scan3A_193 = arith.constant 25 : i32
            %dma_start3A_194 = arith.constant 0 : i32
            %dma_start3A_195 = tpu.memref_slice %arg21[%dma_start3A_194] : memref<51200xf32, #tpu.memory_space<vmem_shared>> -> memref<51200xf32, #tpu.memory_space<vmem_shared>>
            tpu.enqueue_indirect_dma source(%arg41 : memref<2000xf32, #tpu.memory_space<vmem>>) target(%dma_start3A_195 : memref<51200xf32, #tpu.memory_space<vmem_shared>>) offsets(%arg43 : memref<2000xi32, #tpu.memory_space<vmem>>) semaphore(%arg52 : memref<!tpu.dma_semaphore, #tpu.memory_space<semaphore_mem>>) {add = true}
          } else {
          }
          %add3A_134 = arith.constant 2000 : i32
          %add3A_135 = arith.addi %add3A_115, %add3A_134 : i32
          %dma_start3A_136 = tpu.memref_slice %arg9[%add3A_135] : memref<896000xi32, #tpu.memory_space<hbm>> -> memref<2000xi32, #tpu.memory_space<hbm>>
          %dma_start3A_137 = tpu.memref_slice %arg9[%add3A_135] : memref<896000xi32, #tpu.memory_space<hbm>> -> memref<2000xi32, #tpu.memory_space<hbm>>
          tpu.enqueue_dma source(%dma_start3A_137 : memref<2000xi32, #tpu.memory_space<hbm>>) target(%arg33 : memref<2000xi32, #tpu.memory_space<vmem>>) target_semaphore(%arg48 : memref<!tpu.dma_semaphore, #tpu.memory_space<semaphore_mem>>)
          %dma_start3A_138 = tpu.memref_slice %arg10[%add3A_135] : memref<896000xi32, #tpu.memory_space<hbm>> -> memref<2000xi32, #tpu.memory_space<hbm>>
          %dma_start3A_139 = tpu.memref_slice %arg10[%add3A_135] : memref<896000xi32, #tpu.memory_space<hbm>> -> memref<2000xi32, #tpu.memory_space<hbm>>
          tpu.enqueue_dma source(%dma_start3A_139 : memref<2000xi32, #tpu.memory_space<hbm>>) target(%arg35 : memref<2000xi32, #tpu.memory_space<vmem>>) target_semaphore(%arg48 : memref<!tpu.dma_semaphore, #tpu.memory_space<semaphore_mem>>)
          %dma_start3A_140 = tpu.memref_slice %arg11[%add3A_135] : memref<896000xf32, #tpu.memory_space<hbm>> -> memref<2000xf32, #tpu.memory_space<hbm>>
          %dma_start3A_141 = tpu.memref_slice %arg11[%add3A_135] : memref<896000xf32, #tpu.memory_space<hbm>> -> memref<2000xf32, #tpu.memory_space<hbm>>
          tpu.enqueue_dma source(%dma_start3A_141 : memref<2000xf32, #tpu.memory_space<hbm>>) target(%arg37 : memref<2000xf32, #tpu.memory_space<vmem>>) target_semaphore(%arg48 : memref<!tpu.dma_semaphore, #tpu.memory_space<semaphore_mem>>)
          %dma_wait3A_142 = arith.constant 0 : i32
          %dma_wait3A_143 = tpu.memref_slice %arg9[%dma_wait3A_142] : memref<896000xi32, #tpu.memory_space<hbm>> -> memref<2000xi32, #tpu.memory_space<hbm>>
          %dma_wait3A_144 = arith.constant 0 : i32
          %dma_wait3A_145 = tpu.memref_slice %arg9[%dma_wait3A_144] : memref<896000xi32, #tpu.memory_space<hbm>> -> memref<2000xi32, #tpu.memory_space<hbm>>
          tpu.wait_dma2 semaphore(%arg48 : memref<!tpu.dma_semaphore, #tpu.memory_space<semaphore_mem>>) src(%dma_wait3A_145 : memref<2000xi32, #tpu.memory_space<hbm>>) dst(%arg33 : memref<2000xi32, #tpu.memory_space<vmem>>)
          %dma_wait3A_146 = arith.constant 0 : i32
          %dma_wait3A_147 = tpu.memref_slice %arg10[%dma_wait3A_146] : memref<896000xi32, #tpu.memory_space<hbm>> -> memref<2000xi32, #tpu.memory_space<hbm>>
          %dma_wait3A_148 = arith.constant 0 : i32
          %dma_wait3A_149 = tpu.memref_slice %arg10[%dma_wait3A_148] : memref<896000xi32, #tpu.memory_space<hbm>> -> memref<2000xi32, #tpu.memory_space<hbm>>
          tpu.wait_dma2 semaphore(%arg48 : memref<!tpu.dma_semaphore, #tpu.memory_space<semaphore_mem>>) src(%dma_wait3A_149 : memref<2000xi32, #tpu.memory_space<hbm>>) dst(%arg35 : memref<2000xi32, #tpu.memory_space<vmem>>)
          %dma_wait3A_150 = arith.constant 0 : i32
          %dma_wait3A_151 = tpu.memref_slice %arg11[%dma_wait3A_150] : memref<896000xf32, #tpu.memory_space<hbm>> -> memref<2000xf32, #tpu.memory_space<hbm>>
          %dma_wait3A_152 = arith.constant 0 : i32
          %dma_wait3A_153 = tpu.memref_slice %arg11[%dma_wait3A_152] : memref<896000xf32, #tpu.memory_space<hbm>> -> memref<2000xf32, #tpu.memory_space<hbm>>
          tpu.wait_dma2 semaphore(%arg48 : memref<!tpu.dma_semaphore, #tpu.memory_space<semaphore_mem>>) src(%dma_wait3A_153 : memref<2000xf32, #tpu.memory_space<hbm>>) dst(%arg37 : memref<2000xf32, #tpu.memory_space<vmem>>)
          %dma_start3A_154 = arith.constant 0 : i32
          %dma_start3A_155 = tpu.memref_slice %arg20[%dma_start3A_154] : memref<51200xf32, #tpu.memory_space<vmem_shared>> -> memref<51200xf32, #tpu.memory_space<vmem_shared>>
          tpu.enqueue_indirect_dma source(%dma_start3A_155 : memref<51200xf32, #tpu.memory_space<vmem_shared>>) target(%arg39 : memref<2000xf32, #tpu.memory_space<vmem>>) offsets(%arg33 : memref<2000xi32, #tpu.memory_space<vmem>>) semaphore(%arg50 : memref<!tpu.dma_semaphore, #tpu.memory_space<semaphore_mem>>)
          %gt3A_156 = arith.constant 0 : i32
          %gt3A_157 = arith.cmpi sgt, %scan3A_110, %gt3A_156 : i32
          %dma_wait3A_158 = arith.constant 0 : i32
          %dma_wait3A_159 = tpu.memref_slice %arg11[%dma_wait3A_158] : memref<896000xf32, #tpu.memory_space<hbm>> -> memref<2000xf32, #tpu.memory_space<hbm>>
          %dma_wait3A_160 = arith.constant 0 : i32
          %dma_wait3A_161 = tpu.memref_slice %arg11[%dma_wait3A_160] : memref<896000xf32, #tpu.memory_space<hbm>> -> memref<2000xf32, #tpu.memory_space<hbm>>
          tpu.wait_dma2 semaphore(%arg49 : memref<!tpu.dma_semaphore, #tpu.memory_space<semaphore_mem>>) src(%dma_wait3A_161 : memref<2000xf32, #tpu.memory_space<hbm>>) dst(%arg38 : memref<2000xf32, #tpu.memory_space<vmem>>)
          %convert_element_type3A_162 = arith.extui %gt3A_157 : i1 to i32
          %cond3A_163 = arith.constant 0 : i32
          %cond3A_164 = arith.cmpi ne, %convert_element_type3A_162, %cond3A_163 : i32
          scf.if %cond3A_164 {
            %dma_wait3A_179 = arith.constant 0 : i32
            %dma_wait3A_180 = tpu.memref_slice %arg11[%dma_wait3A_179] : memref<896000xf32, #tpu.memory_space<hbm>> -> memref<2000xf32, #tpu.memory_space<hbm>>
            %dma_wait3A_181 = arith.constant 0 : i32
            %dma_wait3A_182 = tpu.memref_slice %arg11[%dma_wait3A_181] : memref<896000xf32, #tpu.memory_space<hbm>> -> memref<2000xf32, #tpu.memory_space<hbm>>
            tpu.wait_dma2 semaphore(%arg51 : memref<!tpu.dma_semaphore, #tpu.memory_space<semaphore_mem>>) src(%dma_wait3A_182 : memref<2000xf32, #tpu.memory_space<hbm>>) dst(%arg40 : memref<2000xf32, #tpu.memory_space<vmem>>)
          } else {
          }
          %scan3A_165 = arith.constant 0 : i32
          %scan3A_166 = arith.constant 0 : i32
          %scan3A_167 = arith.constant 25 : i32
          %scan3A_168 = arith.addi %scan3A_166, %scan3A_167 : i32
          %scan3A_169 = arith.constant 1 : i32
          scf.for %scan3A_179 = %scan3A_166 to %scan3A_168 step %scan3A_169  : i32 {
            %mul3A_180 = arith.constant 5 : i32
            %mul3A_181 = arith.muli %scan3A_179, %mul3A_180 : i32
            %add3A_182 = arith.constant 0 : i32
            %add3A_183 = arith.addi %mul3A_181, %add3A_182 : i32
            %mul3A_184 = arith.constant 16 : i32
            %mul3A_185 = arith.muli %add3A_183, %mul3A_184 : i32
            %get3A = arith.index_cast %mul3A_185 : i32 to index
            %get3A_186 = tpu.vector_load %arg38[%get3A] {strides = array<i32>} : memref<2000xf32, #tpu.memory_space<vmem>>, vector<16xf32>,
            %get3A_187 = vector.shape_cast %get3A_186 : vector<16xf32> to vector<16xf32>
            %get3A_188 = arith.index_cast %mul3A_185 : i32 to index
            %get3A_189 = tpu.vector_load %arg36[%get3A_188] {strides = array<i32>} : memref<2000xf32, #tpu.memory_space<vmem>>, vector<16xf32>,
            %get3A_190 = vector.shape_cast %get3A_189 : vector<16xf32> to vector<16xf32>
            %mul3A_191 = arith.mulf %get3A_187, %get3A_190 : vector<16xf32>
            %swap3A_192 = arith.index_cast %mul3A_185 : i32 to index
            %swap3A_193 = tpu.vector_load %arg40[%swap3A_192] {strides = array<i32>} : memref<2000xf32, #tpu.memory_space<vmem>>, vector<16xf32>,
            %swap3A_194 = vector.shape_cast %swap3A_193 : vector<16xf32> to vector<16xf32>
            %swap3A_195 = vector.shape_cast %mul3A_191 : vector<16xf32> to vector<16xf32>
            tpu.vector_store %arg40[%swap3A_192], %swap3A_195 {strides = array<i32>} : memref<2000xf32, #tpu.memory_space<vmem>>, vector<16xf32>,
            %get3A_196 = arith.index_cast %mul3A_185 : i32 to index
            %get3A_197 = tpu.vector_load %arg34[%get3A_196] {strides = array<i32>} : memref<2000xi32, #tpu.memory_space<vmem>>, vector<16xi32>,
            %get3A_198 = vector.shape_cast %get3A_197 : vector<16xi32> to vector<16xi32>
            %swap3A_199 = arith.index_cast %mul3A_185 : i32 to index
            %swap3A_200 = tpu.vector_load %arg42[%swap3A_199] {strides = array<i32>} : memref<2000xi32, #tpu.memory_space<vmem>>, vector<16xi32>,
            %swap3A_201 = vector.shape_cast %swap3A_200 : vector<16xi32> to vector<16xi32>
            %swap3A_202 = vector.shape_cast %get3A_198 : vector<16xi32> to vector<16xi32>
            tpu.vector_store %arg42[%swap3A_199], %swap3A_202 {strides = array<i32>} : memref<2000xi32, #tpu.memory_space<vmem>>, vector<16xi32>,
            %mul3A_203 = arith.constant 5 : i32
            %mul3A_204 = arith.muli %scan3A_179, %mul3A_203 : i32
            %add3A_205 = arith.constant 1 : i32
            %add3A_206 = arith.addi %mul3A_204, %add3A_205 : i32
            %mul3A_207 = arith.constant 16 : i32
            %mul3A_208 = arith.muli %add3A_206, %mul3A_207 : i32
            %get3A_209 = arith.index_cast %mul3A_208 : i32 to index
            %get3A_210 = tpu.vector_load %arg38[%get3A_209] {strides = array<i32>} : memref<2000xf32, #tpu.memory_space<vmem>>, vector<16xf32>,
            %get3A_211 = vector.shape_cast %get3A_210 : vector<16xf32> to vector<16xf32>
            %get3A_212 = arith.index_cast %mul3A_208 : i32 to index
            %get3A_213 = tpu.vector_load %arg36[%get3A_212] {strides = array<i32>} : memref<2000xf32, #tpu.memory_space<vmem>>, vector<16xf32>,
            %get3A_214 = vector.shape_cast %get3A_213 : vector<16xf32> to vector<16xf32>
            %mul3A_215 = arith.mulf %get3A_211, %get3A_214 : vector<16xf32>
            %swap3A_216 = arith.index_cast %mul3A_208 : i32 to index
            %swap3A_217 = tpu.vector_load %arg40[%swap3A_216] {strides = array<i32>} : memref<2000xf32, #tpu.memory_space<vmem>>, vector<16xf32>,
            %swap3A_218 = vector.shape_cast %swap3A_217 : vector<16xf32> to vector<16xf32>
            %swap3A_219 = vector.shape_cast %mul3A_215 : vector<16xf32> to vector<16xf32>
            tpu.vector_store %arg40[%swap3A_216], %swap3A_219 {strides = array<i32>} : memref<2000xf32, #tpu.memory_space<vmem>>, vector<16xf32>,
            %get3A_220 = arith.index_cast %mul3A_208 : i32 to index
            %get3A_221 = tpu.vector_load %arg34[%get3A_220] {strides = array<i32>} : memref<2000xi32, #tpu.memory_space<vmem>>, vector<16xi32>,
            %get3A_222 = vector.shape_cast %get3A_221 : vector<16xi32> to vector<16xi32>
            %swap3A_223 = arith.index_cast %mul3A_208 : i32 to index
            %swap3A_224 = tpu.vector_load %arg42[%swap3A_223] {strides = array<i32>} : memref<2000xi32, #tpu.memory_space<vmem>>, vector<16xi32>,
            %swap3A_225 = vector.shape_cast %swap3A_224 : vector<16xi32> to vector<16xi32>
            %swap3A_226 = vector.shape_cast %get3A_222 : vector<16xi32> to vector<16xi32>
            tpu.vector_store %arg42[%swap3A_223], %swap3A_226 {strides = array<i32>} : memref<2000xi32, #tpu.memory_space<vmem>>, vector<16xi32>,
            %mul3A_227 = arith.constant 5 : i32
            %mul3A_228 = arith.muli %scan3A_179, %mul3A_227 : i32
            %add3A_229 = arith.constant 2 : i32
            %add3A_230 = arith.addi %mul3A_228, %add3A_229 : i32
            %mul3A_231 = arith.constant 16 : i32
            %mul3A_232 = arith.muli %add3A_230, %mul3A_231 : i32
            %get3A_233 = arith.index_cast %mul3A_232 : i32 to index
            %get3A_234 = tpu.vector_load %arg38[%get3A_233] {strides = array<i32>} : memref<2000xf32, #tpu.memory_space<vmem>>, vector<16xf32>,
            %get3A_235 = vector.shape_cast %get3A_234 : vector<16xf32> to vector<16xf32>
            %get3A_236 = arith.index_cast %mul3A_232 : i32 to index
            %get3A_237 = tpu.vector_load %arg36[%get3A_236] {strides = array<i32>} : memref<2000xf32, #tpu.memory_space<vmem>>, vector<16xf32>,
            %get3A_238 = vector.shape_cast %get3A_237 : vector<16xf32> to vector<16xf32>
            %mul3A_239 = arith.mulf %get3A_235, %get3A_238 : vector<16xf32>
            %swap3A_240 = arith.index_cast %mul3A_232 : i32 to index
            %swap3A_241 = tpu.vector_load %arg40[%swap3A_240] {strides = array<i32>} : memref<2000xf32, #tpu.memory_space<vmem>>, vector<16xf32>,
            %swap3A_242 = vector.shape_cast %swap3A_241 : vector<16xf32> to vector<16xf32>
            %swap3A_243 = vector.shape_cast %mul3A_239 : vector<16xf32> to vector<16xf32>
            tpu.vector_store %arg40[%swap3A_240], %swap3A_243 {strides = array<i32>} : memref<2000xf32, #tpu.memory_space<vmem>>, vector<16xf32>,
            %get3A_244 = arith.index_cast %mul3A_232 : i32 to index
            %get3A_245 = tpu.vector_load %arg34[%get3A_244] {strides = array<i32>} : memref<2000xi32, #tpu.memory_space<vmem>>, vector<16xi32>,
            %get3A_246 = vector.shape_cast %get3A_245 : vector<16xi32> to vector<16xi32>
            %swap3A_247 = arith.index_cast %mul3A_232 : i32 to index
            %swap3A_248 = tpu.vector_load %arg42[%swap3A_247] {strides = array<i32>} : memref<2000xi32, #tpu.memory_space<vmem>>, vector<16xi32>,
            %swap3A_249 = vector.shape_cast %swap3A_248 : vector<16xi32> to vector<16xi32>
            %swap3A_250 = vector.shape_cast %get3A_246 : vector<16xi32> to vector<16xi32>
            tpu.vector_store %arg42[%swap3A_247], %swap3A_250 {strides = array<i32>} : memref<2000xi32, #tpu.memory_space<vmem>>, vector<16xi32>,
            %mul3A_251 = arith.constant 5 : i32
            %mul3A_252 = arith.muli %scan3A_179, %mul3A_251 : i32
            %add3A_253 = arith.constant 3 : i32
            %add3A_254 = arith.addi %mul3A_252, %add3A_253 : i32
            %mul3A_255 = arith.constant 16 : i32
            %mul3A_256 = arith.muli %add3A_254, %mul3A_255 : i32
            %get3A_257 = arith.index_cast %mul3A_256 : i32 to index
            %get3A_258 = tpu.vector_load %arg38[%get3A_257] {strides = array<i32>} : memref<2000xf32, #tpu.memory_space<vmem>>, vector<16xf32>,
            %get3A_259 = vector.shape_cast %get3A_258 : vector<16xf32> to vector<16xf32>
            %get3A_260 = arith.index_cast %mul3A_256 : i32 to index
            %get3A_261 = tpu.vector_load %arg36[%get3A_260] {strides = array<i32>} : memref<2000xf32, #tpu.memory_space<vmem>>, vector<16xf32>,
            %get3A_262 = vector.shape_cast %get3A_261 : vector<16xf32> to vector<16xf32>
            %mul3A_263 = arith.mulf %get3A_259, %get3A_262 : vector<16xf32>
            %swap3A_264 = arith.index_cast %mul3A_256 : i32 to index
            %swap3A_265 = tpu.vector_load %arg40[%swap3A_264] {strides = array<i32>} : memref<2000xf32, #tpu.memory_space<vmem>>, vector<16xf32>,
            %swap3A_266 = vector.shape_cast %swap3A_265 : vector<16xf32> to vector<16xf32>
            %swap3A_267 = vector.shape_cast %mul3A_263 : vector<16xf32> to vector<16xf32>
            tpu.vector_store %arg40[%swap3A_264], %swap3A_267 {strides = array<i32>} : memref<2000xf32, #tpu.memory_space<vmem>>, vector<16xf32>,
            %get3A_268 = arith.index_cast %mul3A_256 : i32 to index
            %get3A_269 = tpu.vector_load %arg34[%get3A_268] {strides = array<i32>} : memref<2000xi32, #tpu.memory_space<vmem>>, vector<16xi32>,
            %get3A_270 = vector.shape_cast %get3A_269 : vector<16xi32> to vector<16xi32>
            %swap3A_271 = arith.index_cast %mul3A_256 : i32 to index
            %swap3A_272 = tpu.vector_load %arg42[%swap3A_271] {strides = array<i32>} : memref<2000xi32, #tpu.memory_space<vmem>>, vector<16xi32>,
            %swap3A_273 = vector.shape_cast %swap3A_272 : vector<16xi32> to vector<16xi32>
            %swap3A_274 = vector.shape_cast %get3A_270 : vector<16xi32> to vector<16xi32>
            tpu.vector_store %arg42[%swap3A_271], %swap3A_274 {strides = array<i32>} : memref<2000xi32, #tpu.memory_space<vmem>>, vector<16xi32>,
            %mul3A_275 = arith.constant 5 : i32
            %mul3A_276 = arith.muli %scan3A_179, %mul3A_275 : i32
            %add3A_277 = arith.constant 4 : i32
            %add3A_278 = arith.addi %mul3A_276, %add3A_277 : i32
            %mul3A_279 = arith.constant 16 : i32
            %mul3A_280 = arith.muli %add3A_278, %mul3A_279 : i32
            %get3A_281 = arith.index_cast %mul3A_280 : i32 to index
            %get3A_282 = tpu.vector_load %arg38[%get3A_281] {strides = array<i32>} : memref<2000xf32, #tpu.memory_space<vmem>>, vector<16xf32>,
            %get3A_283 = vector.shape_cast %get3A_282 : vector<16xf32> to vector<16xf32>
            %get3A_284 = arith.index_cast %mul3A_280 : i32 to index
            %get3A_285 = tpu.vector_load %arg36[%get3A_284] {strides = array<i32>} : memref<2000xf32, #tpu.memory_space<vmem>>, vector<16xf32>,
            %get3A_286 = vector.shape_cast %get3A_285 : vector<16xf32> to vector<16xf32>
            %mul3A_287 = arith.mulf %get3A_283, %get3A_286 : vector<16xf32>
            %swap3A_288 = arith.index_cast %mul3A_280 : i32 to index
            %swap3A_289 = tpu.vector_load %arg40[%swap3A_288] {strides = array<i32>} : memref<2000xf32, #tpu.memory_space<vmem>>, vector<16xf32>,
            %swap3A_290 = vector.shape_cast %swap3A_289 : vector<16xf32> to vector<16xf32>
            %swap3A_291 = vector.shape_cast %mul3A_287 : vector<16xf32> to vector<16xf32>
            tpu.vector_store %arg40[%swap3A_288], %swap3A_291 {strides = array<i32>} : memref<2000xf32, #tpu.memory_space<vmem>>, vector<16xf32>,
            %get3A_292 = arith.index_cast %mul3A_280 : i32 to index
            %get3A_293 = tpu.vector_load %arg34[%get3A_292] {strides = array<i32>} : memref<2000xi32, #tpu.memory_space<vmem>>, vector<16xi32>,
            %get3A_294 = vector.shape_cast %get3A_293 : vector<16xi32> to vector<16xi32>
            %swap3A_295 = arith.index_cast %mul3A_280 : i32 to index
            %swap3A_296 = tpu.vector_load %arg42[%swap3A_295] {strides = array<i32>} : memref<2000xi32, #tpu.memory_space<vmem>>, vector<16xi32>,
            %swap3A_297 = vector.shape_cast %swap3A_296 : vector<16xi32> to vector<16xi32>
            %swap3A_298 = vector.shape_cast %get3A_294 : vector<16xi32> to vector<16xi32>
            tpu.vector_store %arg42[%swap3A_295], %swap3A_298 {strides = array<i32>} : memref<2000xi32, #tpu.memory_space<vmem>>, vector<16xi32>,
          }
          %scan3A_170 = arith.constant 25 : i32
          %dma_start3A_171 = arith.constant 0 : i32
          %dma_start3A_172 = tpu.memref_slice %arg21[%dma_start3A_171] : memref<51200xf32, #tpu.memory_space<vmem_shared>> -> memref<51200xf32, #tpu.memory_space<vmem_shared>>
          tpu.enqueue_indirect_dma source(%arg40 : memref<2000xf32, #tpu.memory_space<vmem>>) target(%dma_start3A_172 : memref<51200xf32, #tpu.memory_space<vmem_shared>>) offsets(%arg42 : memref<2000xi32, #tpu.memory_space<vmem>>) semaphore(%arg51 : memref<!tpu.dma_semaphore, #tpu.memory_space<semaphore_mem>>) {add = true}
          %add3A_173 = arith.constant 1 : i32
          %add3A_174 = arith.addi %scan3A_110, %add3A_173 : i32
          %lt3A = arith.constant 14 : i32
          %lt3A_175 = arith.cmpi slt, %add3A_174, %lt3A : i32
          %convert_element_type3A_176 = arith.extui %lt3A_175 : i1 to i32
          %cond3A_177 = arith.constant 0 : i32
          %cond3A_178 = arith.cmpi ne, %convert_element_type3A_176, %cond3A_177 : i32
          scf.if %cond3A_178 {
            %add3A_179 = arith.constant 4000 : i32
            %add3A_180 = arith.addi %add3A_115, %add3A_179 : i32
            %dma_start3A_181 = tpu.memref_slice %arg9[%add3A_180] : memref<896000xi32, #tpu.memory_space<hbm>> -> memref<2000xi32, #tpu.memory_space<hbm>>
            %dma_start3A_182 = tpu.memref_slice %arg9[%add3A_180] : memref<896000xi32, #tpu.memory_space<hbm>> -> memref<2000xi32, #tpu.memory_space<hbm>>
            tpu.enqueue_dma source(%dma_start3A_182 : memref<2000xi32, #tpu.memory_space<hbm>>) target(%arg32 : memref<2000xi32, #tpu.memory_space<vmem>>) target_semaphore(%arg47 : memref<!tpu.dma_semaphore, #tpu.memory_space<semaphore_mem>>)
            %dma_start3A_183 = tpu.memref_slice %arg10[%add3A_180] : memref<896000xi32, #tpu.memory_space<hbm>> -> memref<2000xi32, #tpu.memory_space<hbm>>
            %dma_start3A_184 = tpu.memref_slice %arg10[%add3A_180] : memref<896000xi32, #tpu.memory_space<hbm>> -> memref<2000xi32, #tpu.memory_space<hbm>>
            tpu.enqueue_dma source(%dma_start3A_184 : memref<2000xi32, #tpu.memory_space<hbm>>) target(%arg34 : memref<2000xi32, #tpu.memory_space<vmem>>) target_semaphore(%arg47 : memref<!tpu.dma_semaphore, #tpu.memory_space<semaphore_mem>>)
            %dma_start3A_185 = tpu.memref_slice %arg11[%add3A_180] : memref<896000xf32, #tpu.memory_space<hbm>> -> memref<2000xf32, #tpu.memory_space<hbm>>
            %dma_start3A_186 = tpu.memref_slice %arg11[%add3A_180] : memref<896000xf32, #tpu.memory_space<hbm>> -> memref<2000xf32, #tpu.memory_space<hbm>>
            tpu.enqueue_dma source(%dma_start3A_186 : memref<2000xf32, #tpu.memory_space<hbm>>) target(%arg36 : memref<2000xf32, #tpu.memory_space<vmem>>) target_semaphore(%arg47 : memref<!tpu.dma_semaphore, #tpu.memory_space<semaphore_mem>>)
          } else {
          }
        }
        %scan3A_66 = arith.constant 14 : i32
        %dma_wait3A = arith.constant 0 : i32
        %dma_wait3A_67 = tpu.memref_slice %arg11[%dma_wait3A] : memref<896000xf32, #tpu.memory_space<hbm>> -> memref<2000xf32, #tpu.memory_space<hbm>>
        %dma_wait3A_68 = arith.constant 0 : i32
        %dma_wait3A_69 = tpu.memref_slice %arg11[%dma_wait3A_68] : memref<896000xf32, #tpu.memory_space<hbm>> -> memref<2000xf32, #tpu.memory_space<hbm>>
        tpu.wait_dma2 semaphore(%arg50 : memref<!tpu.dma_semaphore, #tpu.memory_space<semaphore_mem>>) src(%dma_wait3A_69 : memref<2000xf32, #tpu.memory_space<hbm>>) dst(%arg39 : memref<2000xf32, #tpu.memory_space<vmem>>)
        %dma_wait3A_70 = arith.constant 0 : i32
        %dma_wait3A_71 = tpu.memref_slice %arg11[%dma_wait3A_70] : memref<896000xf32, #tpu.memory_space<hbm>> -> memref<2000xf32, #tpu.memory_space<hbm>>
        %dma_wait3A_72 = arith.constant 0 : i32
        %dma_wait3A_73 = tpu.memref_slice %arg11[%dma_wait3A_72] : memref<896000xf32, #tpu.memory_space<hbm>> -> memref<2000xf32, #tpu.memory_space<hbm>>
        tpu.wait_dma2 semaphore(%arg52 : memref<!tpu.dma_semaphore, #tpu.memory_space<semaphore_mem>>) src(%dma_wait3A_73 : memref<2000xf32, #tpu.memory_space<hbm>>) dst(%arg41 : memref<2000xf32, #tpu.memory_space<vmem>>)
        %scan3A_74 = arith.constant 0 : i32
        %scan3A_75 = arith.constant 0 : i32
        %scan3A_76 = arith.constant 25 : i32
        %scan3A_77 = arith.addi %scan3A_75, %scan3A_76 : i32
        %scan3A_78 = arith.constant 1 : i32
        scf.for %scan3A_110 = %scan3A_75 to %scan3A_77 step %scan3A_78  : i32 {
          %mul3A_111 = arith.constant 5 : i32
          %mul3A_112 = arith.muli %scan3A_110, %mul3A_111 : i32
          %add3A_113 = arith.constant 0 : i32
          %add3A_114 = arith.addi %mul3A_112, %add3A_113 : i32
          %mul3A_115 = arith.constant 16 : i32
          %mul3A_116 = arith.muli %add3A_114, %mul3A_115 : i32
          %get3A = arith.index_cast %mul3A_116 : i32 to index
          %get3A_117 = tpu.vector_load %arg39[%get3A] {strides = array<i32>} : memref<2000xf32, #tpu.memory_space<vmem>>, vector<16xf32>,
          %get3A_118 = vector.shape_cast %get3A_117 : vector<16xf32> to vector<16xf32>
          %get3A_119 = arith.index_cast %mul3A_116 : i32 to index
          %get3A_120 = tpu.vector_load %arg37[%get3A_119] {strides = array<i32>} : memref<2000xf32, #tpu.memory_space<vmem>>, vector<16xf32>,
          %get3A_121 = vector.shape_cast %get3A_120 : vector<16xf32> to vector<16xf32>
          %mul3A_122 = arith.mulf %get3A_118, %get3A_121 : vector<16xf32>
          %swap3A_123 = arith.index_cast %mul3A_116 : i32 to index
          %swap3A_124 = tpu.vector_load %arg41[%swap3A_123] {strides = array<i32>} : memref<2000xf32, #tpu.memory_space<vmem>>, vector<16xf32>,
          %swap3A_125 = vector.shape_cast %swap3A_124 : vector<16xf32> to vector<16xf32>
          %swap3A_126 = vector.shape_cast %mul3A_122 : vector<16xf32> to vector<16xf32>
          tpu.vector_store %arg41[%swap3A_123], %swap3A_126 {strides = array<i32>} : memref<2000xf32, #tpu.memory_space<vmem>>, vector<16xf32>,
          %get3A_127 = arith.index_cast %mul3A_116 : i32 to index
          %get3A_128 = tpu.vector_load %arg35[%get3A_127] {strides = array<i32>} : memref<2000xi32, #tpu.memory_space<vmem>>, vector<16xi32>,
          %get3A_129 = vector.shape_cast %get3A_128 : vector<16xi32> to vector<16xi32>
          %swap3A_130 = arith.index_cast %mul3A_116 : i32 to index
          %swap3A_131 = tpu.vector_load %arg43[%swap3A_130] {strides = array<i32>} : memref<2000xi32, #tpu.memory_space<vmem>>, vector<16xi32>,
          %swap3A_132 = vector.shape_cast %swap3A_131 : vector<16xi32> to vector<16xi32>
          %swap3A_133 = vector.shape_cast %get3A_129 : vector<16xi32> to vector<16xi32>
          tpu.vector_store %arg43[%swap3A_130], %swap3A_133 {strides = array<i32>} : memref<2000xi32, #tpu.memory_space<vmem>>, vector<16xi32>,
          %mul3A_134 = arith.constant 5 : i32
          %mul3A_135 = arith.muli %scan3A_110, %mul3A_134 : i32
          %add3A_136 = arith.constant 1 : i32
          %add3A_137 = arith.addi %mul3A_135, %add3A_136 : i32
          %mul3A_138 = arith.constant 16 : i32
          %mul3A_139 = arith.muli %add3A_137, %mul3A_138 : i32
          %get3A_140 = arith.index_cast %mul3A_139 : i32 to index
          %get3A_141 = tpu.vector_load %arg39[%get3A_140] {strides = array<i32>} : memref<2000xf32, #tpu.memory_space<vmem>>, vector<16xf32>,
          %get3A_142 = vector.shape_cast %get3A_141 : vector<16xf32> to vector<16xf32>
          %get3A_143 = arith.index_cast %mul3A_139 : i32 to index
          %get3A_144 = tpu.vector_load %arg37[%get3A_143] {strides = array<i32>} : memref<2000xf32, #tpu.memory_space<vmem>>, vector<16xf32>,
          %get3A_145 = vector.shape_cast %get3A_144 : vector<16xf32> to vector<16xf32>
          %mul3A_146 = arith.mulf %get3A_142, %get3A_145 : vector<16xf32>
          %swap3A_147 = arith.index_cast %mul3A_139 : i32 to index
          %swap3A_148 = tpu.vector_load %arg41[%swap3A_147] {strides = array<i32>} : memref<2000xf32, #tpu.memory_space<vmem>>, vector<16xf32>,
          %swap3A_149 = vector.shape_cast %swap3A_148 : vector<16xf32> to vector<16xf32>
          %swap3A_150 = vector.shape_cast %mul3A_146 : vector<16xf32> to vector<16xf32>
          tpu.vector_store %arg41[%swap3A_147], %swap3A_150 {strides = array<i32>} : memref<2000xf32, #tpu.memory_space<vmem>>, vector<16xf32>,
          %get3A_151 = arith.index_cast %mul3A_139 : i32 to index
          %get3A_152 = tpu.vector_load %arg35[%get3A_151] {strides = array<i32>} : memref<2000xi32, #tpu.memory_space<vmem>>, vector<16xi32>,
          %get3A_153 = vector.shape_cast %get3A_152 : vector<16xi32> to vector<16xi32>
          %swap3A_154 = arith.index_cast %mul3A_139 : i32 to index
          %swap3A_155 = tpu.vector_load %arg43[%swap3A_154] {strides = array<i32>} : memref<2000xi32, #tpu.memory_space<vmem>>, vector<16xi32>,
          %swap3A_156 = vector.shape_cast %swap3A_155 : vector<16xi32> to vector<16xi32>
          %swap3A_157 = vector.shape_cast %get3A_153 : vector<16xi32> to vector<16xi32>
          tpu.vector_store %arg43[%swap3A_154], %swap3A_157 {strides = array<i32>} : memref<2000xi32, #tpu.memory_space<vmem>>, vector<16xi32>,
          %mul3A_158 = arith.constant 5 : i32
          %mul3A_159 = arith.muli %scan3A_110, %mul3A_158 : i32
          %add3A_160 = arith.constant 2 : i32
          %add3A_161 = arith.addi %mul3A_159, %add3A_160 : i32
          %mul3A_162 = arith.constant 16 : i32
          %mul3A_163 = arith.muli %add3A_161, %mul3A_162 : i32
          %get3A_164 = arith.index_cast %mul3A_163 : i32 to index
          %get3A_165 = tpu.vector_load %arg39[%get3A_164] {strides = array<i32>} : memref<2000xf32, #tpu.memory_space<vmem>>, vector<16xf32>,
          %get3A_166 = vector.shape_cast %get3A_165 : vector<16xf32> to vector<16xf32>
          %get3A_167 = arith.index_cast %mul3A_163 : i32 to index
          %get3A_168 = tpu.vector_load %arg37[%get3A_167] {strides = array<i32>} : memref<2000xf32, #tpu.memory_space<vmem>>, vector<16xf32>,
          %get3A_169 = vector.shape_cast %get3A_168 : vector<16xf32> to vector<16xf32>
          %mul3A_170 = arith.mulf %get3A_166, %get3A_169 : vector<16xf32>
          %swap3A_171 = arith.index_cast %mul3A_163 : i32 to index
          %swap3A_172 = tpu.vector_load %arg41[%swap3A_171] {strides = array<i32>} : memref<2000xf32, #tpu.memory_space<vmem>>, vector<16xf32>,
          %swap3A_173 = vector.shape_cast %swap3A_172 : vector<16xf32> to vector<16xf32>
          %swap3A_174 = vector.shape_cast %mul3A_170 : vector<16xf32> to vector<16xf32>
          tpu.vector_store %arg41[%swap3A_171], %swap3A_174 {strides = array<i32>} : memref<2000xf32, #tpu.memory_space<vmem>>, vector<16xf32>,
          %get3A_175 = arith.index_cast %mul3A_163 : i32 to index
          %get3A_176 = tpu.vector_load %arg35[%get3A_175] {strides = array<i32>} : memref<2000xi32, #tpu.memory_space<vmem>>, vector<16xi32>,
          %get3A_177 = vector.shape_cast %get3A_176 : vector<16xi32> to vector<16xi32>
          %swap3A_178 = arith.index_cast %mul3A_163 : i32 to index
          %swap3A_179 = tpu.vector_load %arg43[%swap3A_178] {strides = array<i32>} : memref<2000xi32, #tpu.memory_space<vmem>>, vector<16xi32>,
          %swap3A_180 = vector.shape_cast %swap3A_179 : vector<16xi32> to vector<16xi32>
          %swap3A_181 = vector.shape_cast %get3A_177 : vector<16xi32> to vector<16xi32>
          tpu.vector_store %arg43[%swap3A_178], %swap3A_181 {strides = array<i32>} : memref<2000xi32, #tpu.memory_space<vmem>>, vector<16xi32>,
          %mul3A_182 = arith.constant 5 : i32
          %mul3A_183 = arith.muli %scan3A_110, %mul3A_182 : i32
          %add3A_184 = arith.constant 3 : i32
          %add3A_185 = arith.addi %mul3A_183, %add3A_184 : i32
          %mul3A_186 = arith.constant 16 : i32
          %mul3A_187 = arith.muli %add3A_185, %mul3A_186 : i32
          %get3A_188 = arith.index_cast %mul3A_187 : i32 to index
          %get3A_189 = tpu.vector_load %arg39[%get3A_188] {strides = array<i32>} : memref<2000xf32, #tpu.memory_space<vmem>>, vector<16xf32>,
          %get3A_190 = vector.shape_cast %get3A_189 : vector<16xf32> to vector<16xf32>
          %get3A_191 = arith.index_cast %mul3A_187 : i32 to index
          %get3A_192 = tpu.vector_load %arg37[%get3A_191] {strides = array<i32>} : memref<2000xf32, #tpu.memory_space<vmem>>, vector<16xf32>,
          %get3A_193 = vector.shape_cast %get3A_192 : vector<16xf32> to vector<16xf32>
          %mul3A_194 = arith.mulf %get3A_190, %get3A_193 : vector<16xf32>
          %swap3A_195 = arith.index_cast %mul3A_187 : i32 to index
          %swap3A_196 = tpu.vector_load %arg41[%swap3A_195] {strides = array<i32>} : memref<2000xf32, #tpu.memory_space<vmem>>, vector<16xf32>,
          %swap3A_197 = vector.shape_cast %swap3A_196 : vector<16xf32> to vector<16xf32>
          %swap3A_198 = vector.shape_cast %mul3A_194 : vector<16xf32> to vector<16xf32>
          tpu.vector_store %arg41[%swap3A_195], %swap3A_198 {strides = array<i32>} : memref<2000xf32, #tpu.memory_space<vmem>>, vector<16xf32>,
          %get3A_199 = arith.index_cast %mul3A_187 : i32 to index
          %get3A_200 = tpu.vector_load %arg35[%get3A_199] {strides = array<i32>} : memref<2000xi32, #tpu.memory_space<vmem>>, vector<16xi32>,
          %get3A_201 = vector.shape_cast %get3A_200 : vector<16xi32> to vector<16xi32>
          %swap3A_202 = arith.index_cast %mul3A_187 : i32 to index
          %swap3A_203 = tpu.vector_load %arg43[%swap3A_202] {strides = array<i32>} : memref<2000xi32, #tpu.memory_space<vmem>>, vector<16xi32>,
          %swap3A_204 = vector.shape_cast %swap3A_203 : vector<16xi32> to vector<16xi32>
          %swap3A_205 = vector.shape_cast %get3A_201 : vector<16xi32> to vector<16xi32>
          tpu.vector_store %arg43[%swap3A_202], %swap3A_205 {strides = array<i32>} : memref<2000xi32, #tpu.memory_space<vmem>>, vector<16xi32>,
          %mul3A_206 = arith.constant 5 : i32
          %mul3A_207 = arith.muli %scan3A_110, %mul3A_206 : i32
          %add3A_208 = arith.constant 4 : i32
          %add3A_209 = arith.addi %mul3A_207, %add3A_208 : i32
          %mul3A_210 = arith.constant 16 : i32
          %mul3A_211 = arith.muli %add3A_209, %mul3A_210 : i32
          %get3A_212 = arith.index_cast %mul3A_211 : i32 to index
          %get3A_213 = tpu.vector_load %arg39[%get3A_212] {strides = array<i32>} : memref<2000xf32, #tpu.memory_space<vmem>>, vector<16xf32>,
          %get3A_214 = vector.shape_cast %get3A_213 : vector<16xf32> to vector<16xf32>
          %get3A_215 = arith.index_cast %mul3A_211 : i32 to index
          %get3A_216 = tpu.vector_load %arg37[%get3A_215] {strides = array<i32>} : memref<2000xf32, #tpu.memory_space<vmem>>, vector<16xf32>,
          %get3A_217 = vector.shape_cast %get3A_216 : vector<16xf32> to vector<16xf32>
          %mul3A_218 = arith.mulf %get3A_214, %get3A_217 : vector<16xf32>
          %swap3A_219 = arith.index_cast %mul3A_211 : i32 to index
          %swap3A_220 = tpu.vector_load %arg41[%swap3A_219] {strides = array<i32>} : memref<2000xf32, #tpu.memory_space<vmem>>, vector<16xf32>,
          %swap3A_221 = vector.shape_cast %swap3A_220 : vector<16xf32> to vector<16xf32>
          %swap3A_222 = vector.shape_cast %mul3A_218 : vector<16xf32> to vector<16xf32>
          tpu.vector_store %arg41[%swap3A_219], %swap3A_222 {strides = array<i32>} : memref<2000xf32, #tpu.memory_space<vmem>>, vector<16xf32>,
          %get3A_223 = arith.index_cast %mul3A_211 : i32 to index
          %get3A_224 = tpu.vector_load %arg35[%get3A_223] {strides = array<i32>} : memref<2000xi32, #tpu.memory_space<vmem>>, vector<16xi32>,
          %get3A_225 = vector.shape_cast %get3A_224 : vector<16xi32> to vector<16xi32>
          %swap3A_226 = arith.index_cast %mul3A_211 : i32 to index
          %swap3A_227 = tpu.vector_load %arg43[%swap3A_226] {strides = array<i32>} : memref<2000xi32, #tpu.memory_space<vmem>>, vector<16xi32>,
          %swap3A_228 = vector.shape_cast %swap3A_227 : vector<16xi32> to vector<16xi32>
          %swap3A_229 = vector.shape_cast %get3A_225 : vector<16xi32> to vector<16xi32>
          tpu.vector_store %arg43[%swap3A_226], %swap3A_229 {strides = array<i32>} : memref<2000xi32, #tpu.memory_space<vmem>>, vector<16xi32>,
        }
        %scan3A_79 = arith.constant 25 : i32
        %dma_start3A_80 = arith.constant 0 : i32
        %dma_start3A_81 = tpu.memref_slice %arg21[%dma_start3A_80] : memref<51200xf32, #tpu.memory_space<vmem_shared>> -> memref<51200xf32, #tpu.memory_space<vmem_shared>>
        tpu.enqueue_indirect_dma source(%arg41 : memref<2000xf32, #tpu.memory_space<vmem>>) target(%dma_start3A_81 : memref<51200xf32, #tpu.memory_space<vmem_shared>>) offsets(%arg43 : memref<2000xi32, #tpu.memory_space<vmem>>) semaphore(%arg52 : memref<!tpu.dma_semaphore, #tpu.memory_space<semaphore_mem>>) {add = true}
        %dma_wait3A_82 = arith.constant 0 : i32
        %dma_wait3A_83 = tpu.memref_slice %arg11[%dma_wait3A_82] : memref<896000xf32, #tpu.memory_space<hbm>> -> memref<2000xf32, #tpu.memory_space<hbm>>
        %dma_wait3A_84 = arith.constant 0 : i32
        %dma_wait3A_85 = tpu.memref_slice %arg11[%dma_wait3A_84] : memref<896000xf32, #tpu.memory_space<hbm>> -> memref<2000xf32, #tpu.memory_space<hbm>>
        tpu.wait_dma2 semaphore(%arg51 : memref<!tpu.dma_semaphore, #tpu.memory_space<semaphore_mem>>) src(%dma_wait3A_85 : memref<2000xf32, #tpu.memory_space<hbm>>) dst(%arg40 : memref<2000xf32, #tpu.memory_space<vmem>>)
        %dma_wait3A_86 = arith.constant 0 : i32
        %dma_wait3A_87 = tpu.memref_slice %arg11[%dma_wait3A_86] : memref<896000xf32, #tpu.memory_space<hbm>> -> memref<2000xf32, #tpu.memory_space<hbm>>
        %dma_wait3A_88 = arith.constant 0 : i32
        %dma_wait3A_89 = tpu.memref_slice %arg11[%dma_wait3A_88] : memref<896000xf32, #tpu.memory_space<hbm>> -> memref<2000xf32, #tpu.memory_space<hbm>>
        tpu.wait_dma2 semaphore(%arg52 : memref<!tpu.dma_semaphore, #tpu.memory_space<semaphore_mem>>) src(%dma_wait3A_89 : memref<2000xf32, #tpu.memory_space<hbm>>) dst(%arg41 : memref<2000xf32, #tpu.memory_space<vmem>>)
        %barrier3A_90 = arith.constant 0 : index
        tpu.barrier barrier_id(%barrier3A_90)
        "tpu.region"() ({
          %run_scoped3A = tpu.sem_alloc : memref<!tpu.dma_semaphore, #tpu.memory_space<semaphore_mem>>
          %dma_start3A_110 = tpu.memref_slice %arg21[%mul3A_0] : memref<51200xf32, #tpu.memory_space<vmem_shared>> -> memref<3200xf32, #tpu.memory_space<vmem_shared>>
          %dma_start3A_111 = tpu.memref_slice %arg21[%mul3A_0] : memref<51200xf32, #tpu.memory_space<vmem_shared>> -> memref<3200xf32, #tpu.memory_space<vmem_shared>>
          tpu.enqueue_dma source(%dma_start3A_111 : memref<3200xf32, #tpu.memory_space<vmem_shared>>) target(%arg28 : memref<3200xf32, #tpu.memory_space<vmem>>) target_semaphore(%run_scoped3A : memref<!tpu.dma_semaphore, #tpu.memory_space<semaphore_mem>>)
          %dma_wait3A_112 = tpu.memref_slice %arg21[%mul3A_0] : memref<51200xf32, #tpu.memory_space<vmem_shared>> -> memref<3200xf32, #tpu.memory_space<vmem_shared>>
          %dma_wait3A_113 = tpu.memref_slice %arg21[%mul3A_0] : memref<51200xf32, #tpu.memory_space<vmem_shared>> -> memref<3200xf32, #tpu.memory_space<vmem_shared>>
          tpu.wait_dma2 semaphore(%run_scoped3A : memref<!tpu.dma_semaphore, #tpu.memory_space<semaphore_mem>>) src(%dma_wait3A_113 : memref<3200xf32, #tpu.memory_space<vmem_shared>>) dst(%arg28 : memref<3200xf32, #tpu.memory_space<vmem>>)
          tpu.yield
        }) : () -> ()
        %iota3A = tpu.iota {dimensions = array<i32: 0>} : vector<16xi32>
        %broadcast_in_dim3A = arith.constant 0.000000e+00 : f32
        %broadcast_in_dim3A_91 = vector.broadcast %broadcast_in_dim3A : f32 to vector<16xf32>
        %scan3A_92 = arith.constant 0 : i32
        %scan3A_93 = arith.constant 200 : i32
        %scan3A_94 = arith.addi %scan3A_92, %scan3A_93 : i32
        %scan3A_95 = arith.constant 1 : i32
        %scan3A_96 = scf.for %scan3A_110 = %scan3A_92 to %scan3A_94 step %scan3A_95 iter_args(%scan3A_111 = %broadcast_in_dim3A_91) -> (vector<16xf32>)  : i32 {
          %mul3A_112 = arith.constant 16 : i32
          %mul3A_113 = arith.muli %scan3A_110, %mul3A_112 : i32
          %mul3A_114 = arith.constant 16 : i32
          %mul3A_115 = arith.muli %scan3A_110, %mul3A_114 : i32
          %add3A_116 = arith.addi %mul3A_0, %mul3A_115 : i32
          %add3A_117 = vector.broadcast %add3A_116 : i32 to vector<16xi32>
          %add3A_118 = arith.addi %add3A_117, %iota3A : vector<16xi32>
          %get3A = arith.index_cast %mul3A_113 : i32 to index
          %get3A_119 = tpu.vector_load %arg23[%get3A] {strides = array<i32>} : memref<3200xf32, #tpu.memory_space<vmem>>, vector<16xf32>,
          %get3A_120 = vector.shape_cast %get3A_119 : vector<16xf32> to vector<16xf32>
          %get3A_121 = arith.index_cast %mul3A_113 : i32 to index
          %get3A_122 = tpu.vector_load %arg28[%get3A_121] {strides = array<i32>} : memref<3200xf32, #tpu.memory_space<vmem>>, vector<16xf32>,
          %get3A_123 = vector.shape_cast %get3A_122 : vector<16xf32> to vector<16xf32>
          %sub3A = arith.subf %get3A_120, %get3A_123 : vector<16xf32>
          %abs3A = math.absf %sub3A : vector<16xf32>
          %lt3A = arith.constant 50000 : i32
          %lt3A_124 = vector.broadcast %lt3A : i32 to vector<16xi32>
          %lt3A_125 = arith.cmpi slt, %add3A_118, %lt3A_124 : vector<16xi32>
          %jit3A = arith.constant 0.000000e+00 : f32
          %broadcast_in_dim3A_126 = vector.broadcast %jit3A : f32 to vector<16xf32>
          %select_n3A = arith.select %lt3A_125, %abs3A, %broadcast_in_dim3A_126 : vector<16xi1>, vector<16xf32>
          %add3A_127 = arith.addf %scan3A_111, %select_n3A : vector<16xf32>
          scf.yield %add3A_127 : vector<16xf32>
        }
        %scan3A_97 = arith.constant 200 : i32
        %swap3A = arith.constant 0 : index
        %swap3A_98 = tpu.vector_load %arg30[%swap3A] {strides = array<i32>} : memref<3200xf32, #tpu.memory_space<vmem>>, vector<16xf32>,
        %swap3A_99 = vector.shape_cast %swap3A_98 : vector<16xf32> to vector<16xf32>
        %swap3A_100 = vector.shape_cast %scan3A_96 : vector<16xf32> to vector<16xf32>
        tpu.vector_store %arg30[%swap3A], %swap3A_100 {strides = array<i32>} : memref<3200xf32, #tpu.memory_space<vmem>>, vector<16xf32>,
        %mul3A_101 = arith.constant 16 : i32
        %mul3A_102 = arith.muli %arg1, %mul3A_101 : i32
        "tpu.region"() ({
          %run_scoped3A = tpu.sem_alloc : memref<!tpu.dma_semaphore, #tpu.memory_space<semaphore_mem>>
          %dma_start3A_110 = arith.constant 0 : i32
          %dma_start3A_111 = tpu.memref_slice %arg30[%dma_start3A_110] : memref<3200xf32, #tpu.memory_space<vmem>> -> memref<16xf32, #tpu.memory_space<vmem>>
          %dma_start3A_112 = tpu.memref_slice %arg22[%mul3A_102] : memref<256xf32, #tpu.memory_space<vmem_shared>> -> memref<16xf32, #tpu.memory_space<vmem_shared>>
          %dma_start3A_113 = tpu.memref_slice %arg22[%mul3A_102] : memref<256xf32, #tpu.memory_space<vmem_shared>> -> memref<16xf32, #tpu.memory_space<vmem_shared>>
          %dma_start3A_114 = arith.constant 0 : i32
          %dma_start3A_115 = tpu.memref_slice %arg30[%dma_start3A_114] : memref<3200xf32, #tpu.memory_space<vmem>> -> memref<16xf32, #tpu.memory_space<vmem>>
          tpu.enqueue_dma source(%dma_start3A_115 : memref<16xf32, #tpu.memory_space<vmem>>) target(%dma_start3A_113 : memref<16xf32, #tpu.memory_space<vmem_shared>>) target_semaphore(%run_scoped3A : memref<!tpu.dma_semaphore, #tpu.memory_space<semaphore_mem>>)
          %dma_wait3A_116 = arith.constant 0 : i32
          %dma_wait3A_117 = tpu.memref_slice %arg30[%dma_wait3A_116] : memref<3200xf32, #tpu.memory_space<vmem>> -> memref<16xf32, #tpu.memory_space<vmem>>
          %dma_wait3A_118 = tpu.memref_slice %arg22[%mul3A_102] : memref<256xf32, #tpu.memory_space<vmem_shared>> -> memref<16xf32, #tpu.memory_space<vmem_shared>>
          %dma_wait3A_119 = tpu.memref_slice %arg22[%mul3A_102] : memref<256xf32, #tpu.memory_space<vmem_shared>> -> memref<16xf32, #tpu.memory_space<vmem_shared>>
          %dma_wait3A_120 = arith.constant 0 : i32
          %dma_wait3A_121 = tpu.memref_slice %arg30[%dma_wait3A_120] : memref<3200xf32, #tpu.memory_space<vmem>> -> memref<16xf32, #tpu.memory_space<vmem>>
          tpu.wait_dma2 semaphore(%run_scoped3A : memref<!tpu.dma_semaphore, #tpu.memory_space<semaphore_mem>>) src(%dma_wait3A_121 : memref<16xf32, #tpu.memory_space<vmem>>) dst(%dma_wait3A_119 : memref<16xf32, #tpu.memory_space<vmem_shared>>)
          tpu.yield
        }) : () -> ()
        %barrier3A_103 = arith.constant 0 : index
        tpu.barrier barrier_id(%barrier3A_103)
        %eq3A_104 = arith.constant 0 : i32
        %eq3A_105 = arith.cmpi eq, %arg1, %eq3A_104 : i32
        %convert_element_type3A_106 = arith.extui %eq3A_105 : i1 to i32
        %cond3A_107 = arith.constant 0 : i32
        %cond3A_108 = arith.cmpi ne, %convert_element_type3A_106, %cond3A_107 : i32
        scf.if %cond3A_108 {
          "tpu.region"() ({
            %run_scoped3A = tpu.sem_alloc : memref<!tpu.dma_semaphore, #tpu.memory_space<semaphore_mem>>
            tpu.enqueue_dma source(%arg22 : memref<256xf32, #tpu.memory_space<vmem_shared>>) target(%arg44 : memref<256xf32, #tpu.memory_space<vmem>>) target_semaphore(%run_scoped3A : memref<!tpu.dma_semaphore, #tpu.memory_space<semaphore_mem>>)
            tpu.wait_dma2 semaphore(%run_scoped3A : memref<!tpu.dma_semaphore, #tpu.memory_space<semaphore_mem>>) src(%arg22 : memref<256xf32, #tpu.memory_space<vmem_shared>>) dst(%arg44 : memref<256xf32, #tpu.memory_space<vmem>>)
            tpu.yield
          }) : () -> ()
          %broadcast_in_dim3A_110 = arith.constant 0.000000e+00 : f32
          %broadcast_in_dim3A_111 = vector.broadcast %broadcast_in_dim3A_110 : f32 to vector<16xf32>
          %scan3A_112 = arith.constant 0 : i32
          %scan3A_113 = arith.constant 16 : i32
          %scan3A_114 = arith.addi %scan3A_112, %scan3A_113 : i32
          %scan3A_115 = arith.constant 1 : i32
          %scan3A_116 = scf.for %scan3A_124 = %scan3A_112 to %scan3A_114 step %scan3A_115 iter_args(%scan3A_125 = %broadcast_in_dim3A_111) -> (vector<16xf32>)  : i32 {
            %mul3A_126 = arith.constant 16 : i32
            %mul3A_127 = arith.muli %scan3A_124, %mul3A_126 : i32
            %get3A = arith.index_cast %mul3A_127 : i32 to index
            %get3A_128 = tpu.vector_load %arg44[%get3A] {strides = array<i32>} : memref<256xf32, #tpu.memory_space<vmem>>, vector<16xf32>,
            %get3A_129 = vector.shape_cast %get3A_128 : vector<16xf32> to vector<16xf32>
            %add3A_130 = arith.addf %scan3A_125, %get3A_129 : vector<16xf32>
            scf.yield %add3A_130 : vector<16xf32>
          }
          %scan3A_117 = arith.constant 16 : i32
          %swap3A_118 = arith.constant 0 : index
          %swap3A_119 = tpu.vector_load %arg30[%swap3A_118] {strides = array<i32>} : memref<3200xf32, #tpu.memory_space<vmem>>, vector<16xf32>,
          %swap3A_120 = vector.shape_cast %swap3A_119 : vector<16xf32> to vector<16xf32>
          %swap3A_121 = vector.shape_cast %scan3A_116 : vector<16xf32> to vector<16xf32>
          tpu.vector_store %arg30[%swap3A_118], %swap3A_121 {strides = array<i32>} : memref<3200xf32, #tpu.memory_space<vmem>>, vector<16xf32>,
          %mul3A_122 = arith.constant 16 : i32
          %mul3A_123 = arith.muli %scan3A_24, %mul3A_122 : i32
          "tpu.region"() ({
            %run_scoped3A = tpu.sem_alloc : memref<!tpu.dma_semaphore, #tpu.memory_space<semaphore_mem>>
            %dma_start3A_124 = arith.constant 0 : i32
            %dma_start3A_125 = tpu.memref_slice %arg30[%dma_start3A_124] : memref<3200xf32, #tpu.memory_space<vmem>> -> memref<16xf32, #tpu.memory_space<vmem>>
            %dma_start3A_126 = tpu.memref_slice %arg14[%mul3A_123] : memref<176xf32, #tpu.memory_space<hbm>> -> memref<16xf32, #tpu.memory_space<hbm>>
            %dma_start3A_127 = tpu.memref_slice %arg14[%mul3A_123] : memref<176xf32, #tpu.memory_space<hbm>> -> memref<16xf32, #tpu.memory_space<hbm>>
            %dma_start3A_128 = arith.constant 0 : i32
            %dma_start3A_129 = tpu.memref_slice %arg30[%dma_start3A_128] : memref<3200xf32, #tpu.memory_space<vmem>> -> memref<16xf32, #tpu.memory_space<vmem>>
            tpu.enqueue_dma source(%dma_start3A_129 : memref<16xf32, #tpu.memory_space<vmem>>) target(%dma_start3A_127 : memref<16xf32, #tpu.memory_space<hbm>>) target_semaphore(%run_scoped3A : memref<!tpu.dma_semaphore, #tpu.memory_space<semaphore_mem>>)
            %dma_wait3A_130 = arith.constant 0 : i32
            %dma_wait3A_131 = tpu.memref_slice %arg30[%dma_wait3A_130] : memref<3200xf32, #tpu.memory_space<vmem>> -> memref<16xf32, #tpu.memory_space<vmem>>
            %dma_wait3A_132 = tpu.memref_slice %arg14[%mul3A_123] : memref<176xf32, #tpu.memory_space<hbm>> -> memref<16xf32, #tpu.memory_space<hbm>>
            %dma_wait3A_133 = tpu.memref_slice %arg14[%mul3A_123] : memref<176xf32, #tpu.memory_space<hbm>> -> memref<16xf32, #tpu.memory_space<hbm>>
            %dma_wait3A_134 = arith.constant 0 : i32
            %dma_wait3A_135 = tpu.memref_slice %arg30[%dma_wait3A_134] : memref<3200xf32, #tpu.memory_space<vmem>> -> memref<16xf32, #tpu.memory_space<vmem>>
            tpu.wait_dma2 semaphore(%run_scoped3A : memref<!tpu.dma_semaphore, #tpu.memory_space<semaphore_mem>>) src(%dma_wait3A_135 : memref<16xf32, #tpu.memory_space<vmem>>) dst(%dma_wait3A_133 : memref<16xf32, #tpu.memory_space<hbm>>)
            tpu.yield
          }) : () -> ()
        } else {
        }
        %barrier3A_109 = arith.constant 0 : index
        tpu.barrier barrier_id(%barrier3A_109)
      }
      %scan3A_23 = arith.constant 11 : i32
    } else {
    }
    return
  }
}

module attributes {stable_mosaic.version = 14 : i64} {
  func.func @_diag_body(%arg0: i32, %arg1: memref<1x500x500xf32, #tpu.memory_space<vmem>>, %arg2: memref<1x1x500xf32, #tpu.memory_space<vmem>>) attributes {dimension_semantics = [#tpu.dimension_semantics<arbitrary>], iteration_bounds = array<i64: 100>, scalar_prefetch = 0 : i64, scratch_operands = 0 : i64, tpu.core_type = #tpu.core_type<tc>, window_params = [{transform_indices = @transform_0, window_bounds = array<i64: 1, 500, 500>}, {transform_indices = @transform_1, window_bounds = array<i64: 1, 1, 500>}]} {
    %get3A = arith.constant 0 : index
    %get3A_0 = arith.constant 0 : index
    %get3A_1 = arith.constant 0 : index
    %get3A_2 = vector.load %arg1[%get3A, %get3A_0, %get3A_1] : memref<1x500x500xf32, #tpu.memory_space<vmem>>, vector<1x500x500xf32>
    %get3A_3 = vector.shape_cast %get3A_2 : vector<1x500x500xf32> to vector<500x500xf32>
    %iota3A = tpu.iota {dimensions = array<i32: 0>} : vector<500x500xi32>
    %iota3A_4 = tpu.iota {dimensions = array<i32: 1>} : vector<500x500xi32>
    %eq3A = arith.cmpi eq, %iota3A, %iota3A_4 : vector<500x500xi32>
    %jit3A = arith.constant 0.000000e+00 : f32
    %broadcast_in_dim3A = vector.broadcast %jit3A : f32 to vector<500x500xf32>
    %select_n3A = arith.select %eq3A, %get3A_3, %broadcast_in_dim3A : vector<500x500xi1>, vector<500x500xf32>
    %reduce_sum3A = arith.constant dense<0.000000e+00> : vector<500xf32>
    %reduce_sum3A_5 = vector.multi_reduction <add>, %select_n3A, %reduce_sum3A [0] : vector<500x500xf32> to vector<500xf32>
    %swap3A = arith.constant 0 : index
    %swap3A_6 = arith.constant 0 : index
    %swap3A_7 = arith.constant 0 : index
    %swap3A_8 = vector.load %arg2[%swap3A, %swap3A_6, %swap3A_7] : memref<1x1x500xf32, #tpu.memory_space<vmem>>, vector<1x1x500xf32>
    %swap3A_9 = vector.shape_cast %swap3A_8 : vector<1x1x500xf32> to vector<500xf32>
    %swap3A_10 = vector.shape_cast %reduce_sum3A_5 : vector<500xf32> to vector<1x1x500xf32>
    tpu.vector_store %arg2[%swap3A, %swap3A_6, %swap3A_7], %swap3A_10 {strides = array<i32>} : memref<1x1x500xf32, #tpu.memory_space<vmem>>, vector<1x1x500xf32>,
    return
  }
  func.func @transform_0(%arg0: i32) -> (i32, i32, i32) {
    %c0_i32 = arith.constant 0 : i32
    %c0_i32_0 = arith.constant 0 : i32
    %c0_i32_1 = arith.constant 0 : i32
    return %arg0, %c0_i32, %c0_i32_0 : i32, i32, i32
  }
  func.func @transform_1(%arg0: i32) -> (i32, i32, i32) {
    %c0_i32 = arith.constant 0 : i32
    %c0_i32_0 = arith.constant 0 : i32
    %c0_i32_1 = arith.constant 0 : i32
    return %arg0, %c0_i32, %c0_i32_0 : i32, i32, i32
  }
}

</mosaic_0001>

<sc_bundles>
// kernel: kernel.4.cloned.1.call-start
scs
__scs_entry_jumppad:
0x0: {  	(pc) =	sbr.rel $0x88, $3  }
0x1: {  	(tag) =	ssettag $0x0;
	lr =	simm.s32 $0x1  }
0x2: {  	[smem:$0x3F9B] =	sst lr;
	_ =	strace $0xD0000000  }
0x3: {  	_ = 	snop  }
0x4: {  	_ = 	snop  }
0x5: {  	_ = 	snop  }
0x6: {  	_ = 	snop  }
0x7: {  	_ = 	snop  }
__scs_overlays_trampoline_lowered:
0x8: {  	[smem:$0x3FAA] =	sst s0  }
0x9: {  	[smem:$0x3FAB] =	sst s1  }
0xa: {  	[smem:$0x3FAC] =	sst s2  }
0xb: {  	[smem:$0x3FAD] =	sst s3  }
0xc: {  	[smem:$0x3FAE] =	sst s4  }
0xd: {  	[smem:$0x3FAF] =	sst s5  }
0xe: {  	[smem:$0x3FB0] =	sst s6  }
0xf: {  	[smem:$0x3FB1] =	sst s7  }
0x10: {  	[smem:$0x3FB2] =	sst s8  }
0x11: {  	[smem:$0x3FB3] =	sst s9;
	s0 =	simm.s32 @!p0 $0x0  }
0x12: {  	s1 =	sld [smem:$0x3F99];
	s0 =	simm.s32 @p0 $0x1  }
0x13: {  	[smem:$0x3FB4] =	sst s0;
	s0 =	simm.s32 @!p1 $0x0  }
0x14: {  	s2 =	sld [smem:$0x3F98];
	s0 =	simm.s32 @p1 $0x1  }
0x15: {  	[smem:$0x3FB5] =	sst s0;
	s0 =	simm.s32 @!p2 $0x0  }
0x16: {  	s3 =	sld [smem:$0x3FDB];
	s0 =	simm.s32 @p2 $0x1  }
0x17: {  	s4 =	simm.s32 $0x1BF5;
	[smem:$0x3FB7] =	sst s0  }
0x18: {  	s0 =	sld [smem:$0x3F9A];
	_ =	swait.ge [sflag:s4], $0x0  }
0x19: {  	s7 =	sld [smem:$0x3F9B]  }
0x1a: {  	s8 =	sadd.s32 $0xFFFFE003, lr  }
0x1b: {  	s9 =	sadd.s32 $0xFFFFFEF7, lr;
	s5 =	simm.s32 $0xFFFFFFFF;
	p2 =	slt.u32 s8, $0xFFFFF086  }
0x1c: {  	p1 =	slt.u32 s9, $0xF7A;
	s5 =	simm.s32 @!p2 $0x0  }
0x1d: {  	s5 =	simm.s32 @p1 $0x1;
	p0 =	seq.s32 s7, s2  }
0x1e: {  	s7 =	smul.u32 @!p0 $0xF7A, s2;
	p2 =	seq.s32 @!p0 s5, $0x0  }
0x1f: {  	s9 =	smul.u32 $0xF7A, s1;
	s8 =	simm.s32 @!p0 $0x1BF5;
	p2 =	por !p2, p0  }
0x20: {  	[sflag:s8] =	ssyncset.s32 @!p0 $0xFFFFF086;
	s6 =	sadd.s32 @!p0 s3, s7;
	s7 =	simm.s32 @!p0 $0x108  }
0x21: {  	s3 =	sadd.s32 s3, s9;
	s6 =	sadd.s32 @!p0 $0x88, s6;
	s7 =	simm.s32 @p2 $0x1082  }
0x22: {  	[simem:s7], [sflag:s8] =	dma.local @!p0 [hbm:s6], $0xF7A  }
0x23: {  	s9 =	sor.u32 $0xD0000000, s2;
	s6 =	simm.s32 $0x108;
	_ =	swait.ge @!p0 [sflag:s8], $0x0  }
0x24: {  	s3 =	sadd.s32 $0x88, s3;
	s6 =	simm.s32 @!p1 $0x1082;
	[sflag:s4] =	ssyncset.s32 $0xFFFFF086  }
0x25: {  	[simem:s6], [sflag:s4] =	dma.local [hbm:s3], $0xF7A  }
0x26: {  	[smem:$0x3F9B] =	sst s1;
	(tag) =	ssettag s2;
	_ =	strace s9  }
0x27: {  	s1 =	sld [smem:$0x3FAB]  }
0x28: {  	s2 =	sld [smem:$0x3FAC]  }
0x29: {  	s4 =	sld [smem:$0x3FAE]  }
0x2a: {  	p0 =	seq.s32 s5, $0x0;
	s5 =	sld [smem:$0x3FAF]  }
0x2b: {  	s6 =	sld [smem:$0x3FB0]  }
0x2c: {  	s7 =	sld [smem:$0x3FB1]  }
0x2d: {  	s3 =	simm.s32 $0x108;
	s8 =	sld [smem:$0x3FB2]  }
0x2e: {  	s3 =	simm.s32 @!p0 $0x1082;
	s9 =	sld [smem:$0x3FB3]  }
0x2f: {  	lr =	sadd.s32 s0, s3;
	s0 =	sld [smem:$0x3FAA]  }
0x30: {  	s3 =	sld [smem:$0x3FAD]  }
0x31: {  	[smem:$0x3FB6] =	sst s10  }
0x32: {  	s10 =	sld [smem:$0x3FB4];
	_ =	sdelay $0x3  }
0x33: {  	p0 =	seq.s32 s10, $0x1;
	s10 =	sld [smem:$0x3FB6];
	_ =	sdelay $0x3  }
0x34: {  	[smem:$0x3FB6] =	sst s10  }
0x35: {  	s10 =	sld [smem:$0x3FB5];
	_ =	sdelay $0x3  }
0x36: {  	p1 =	seq.s32 s10, $0x1;
	s10 =	sld [smem:$0x3FB6];
	_ =	sdelay $0x3  }
0x37: {  	[smem:$0x3FB6] =	sst s10  }
0x38: {  	s10 =	sld [smem:$0x3FB7]  }
0x39: {  	_ = 	snop;
	(pc) =	sbr.ind lr, $3  }
0x3a: {  	_ = 	snop  }
0x3b: {  	_ = 	snop  }
0x3c: {  	p2 =	seq.s32 s10, $0x1;
	s10 =	sld [smem:$0x3FB6]  }
0x3d: {  	_ =	shalt  }
0x3e: {  	_ =	shalt  }
0x3f: {  	_ =	shalt  }
0x40: {  	_ =	shalt  }
0x41: {  	_ =	shalt  }
0x42: {  	_ =	shalt  }
0x43: {  	_ =	shalt  }
0x44: {  	_ =	shalt  }
0x45: {  	_ =	shalt  }
0x46: {  	_ =	shalt  }
0x47: {  	_ =	shalt  }
0x48: {  	_ =	shalt  }
0x49: {  	_ =	shalt  }
0x4a: {  	_ =	shalt  }
0x4b: {  	_ =	shalt  }
0x4c: {  	_ =	shalt  }
0x4d: {  	_ =	shalt  }
0x4e: {  	_ =	shalt  }
0x4f: {  	_ =	shalt  }
0x50: {  	_ =	shalt  }
0x51: {  	_ =	shalt  }
0x52: {  	_ =	shalt  }
0x53: {  	_ =	shalt  }
0x54: {  	_ =	shalt  }
0x55: {  	_ =	shalt  }
0x56: {  	_ =	shalt  }
0x57: {  	_ =	shalt  }
0x58: {  	_ =	shalt  }
0x59: {  	_ =	shalt  }
0x5a: {  	_ =	shalt  }
0x5b: {  	_ =	shalt  }
0x5c: {  	_ =	shalt  }
0x5d: {  	_ =	shalt  }
0x5e: {  	_ =	shalt  }
0x5f: {  	_ =	shalt  }
0x60: {  	_ =	shalt  }
0x61: {  	_ =	shalt  }
0x62: {  	_ =	shalt  }
0x63: {  	_ =	shalt  }
0x64: {  	_ =	shalt  }
0x65: {  	_ =	shalt  }
0x66: {  	_ =	shalt  }
0x67: {  	_ =	shalt  }
0x68: {  	_ =	shalt  }
0x69: {  	_ =	shalt  }
0x6a: {  	_ =	shalt  }
0x6b: {  	_ =	shalt  }
0x6c: {  	_ =	shalt  }
0x6d: {  	_ =	shalt  }
0x6e: {  	_ =	shalt  }
0x6f: {  	_ =	shalt  }
0x70: {  	_ =	shalt  }
0x71: {  	_ =	shalt  }
0x72: {  	_ =	shalt  }
0x73: {  	_ =	shalt  }
0x74: {  	_ =	shalt  }
0x75: {  	_ =	shalt  }
0x76: {  	_ =	shalt  }
0x77: {  	_ =	shalt  }
0x78: {  	_ =	shalt  }
0x79: {  	_ =	shalt  }
0x7a: {  	_ =	shalt  }
0x7b: {  	_ =	shalt  }
0x7c: {  	_ =	shalt  }
0x7d: {  	_ =	shalt  }
0x7e: {  	_ =	shalt  }
0x7f: {  	_ =	shalt  }
0x80: {  	_ =	shalt  }
0x81: {  	_ =	shalt  }
0x82: {  	_ =	shalt  }
0x83: {  	_ =	shalt  }
0x84: {  	_ =	shalt  }
0x85: {  	_ =	shalt  }
0x86: {  	_ =	shalt  }
0x87: {  	_ =	shalt  }
.Lfunc_end0:
.L_simem_size_0:
called_computation_lowered:
.L_overlay_start_0:
0x88: {  	s2 =	sld [smem:$0x3FD9]  }
0x89: {  	s3 =	sld [smem:$0x3FFE];
	_ =	sdelay $0x1  }
0x8a: {  	s1 =	srdreg.scid  }
0x8b: {  	s0 =	sand.u32 $0x1, s1  }
0x8c: {  	s14 =	sshll.u32 s0, $0xA;
	s2 =	sadd.s32 s3, s2  }
0x8d: {  	s2 =	sadd.s32 s2, s14  }
0x8e: {  	[smem:$0x3FC2] =	sst s2  }
0x8f: {  	_ = 	snop  }
0x90: {  	s2 =	sld [smem:$0x3FD0];
	_ =	sdelay $0x2  }
0x91: {  	s15 =	simm.s32 $0xA;
	s4 =	simm.s32 $0x10  }
0x92: {  	[smem:s4], [sflag:s15] =	dma.local [hbm:s2], $0x1  }
0x93: {  	_ =	swait.eq [sflag:s15], $0x1  }
0x94: {  	[sflag:s15] =	ssyncset.done $0x0  }
0x95: {  	s16 =	sld [smem:$0x10];
	[sflag:s15] =	ssyncadd.s32 $0xFFFFFFFF  }
0x96: {  	s17 =	sld [smem:$0x11];
	(tm) =	ssettm $0x1  }
0x97: {  	s18 =	sld [smem:$0x3FFB];
	_ =	sdelay $0x3  }
0x98: {  	_ =	strace s18  }
0x99: {  	s4 =	sld [smem:$0x3FFC];
	_ =	sdelay $0x3  }
0x9a: {  	_ =	strace s4  }
0x9b: {  	s4 =	sld [smem:$0x3FFD];
	_ =	sdelay $0x3  }
0x9c: {  	_ =	strace s4  }
0x9d: {  	_ =	strace $0x8FFFFFFF  }
0x9e: {  	s19 =	sld [smem:$0x3FDB];
	_ =	sdelay $0x1  }
0x9f: {  	s5 =	simm.s32 $_scs_section_size  }
0xa0: {  	s6 =	simm.s32 $_size__tile_overlayer_lowered;
	s7 =	simm.s32 $_tile_overlayer_lowered  }
0xa1: {  	s22 =	simm.s32 $0x1BFF;
	s21 =	sshll.u32 s7, $0x1;
	s4 =	sadd.s32 s5, s19  }
0xa2: {  	s8 =	simm.s32 $0x0;
	s20 =	sshll.u32 s6, $0x1;
	s6 =	sadd.s32 s21, s4  }
0xa3: {  	[timem:s8], [sflag:s22] =	dma.local [hbm:s6], s20  }
0xa4: {  	_ =	swait.ge [sflag:s22], s20  }
0xa5: {  	s5 =	ssub.s32 $0x0, s20;
	[sflag:s22] =	ssyncset.done $0x0  }
0xa6: {  	[sflag:s22] =	ssyncadd.s32 s5;
	_ =	sdelay $0x1  }
0xa7: {  	s23 =	simm.s32 $0x1B8B  }
0xa8: {  	_ =	swait.ge [sflag:s23], $0x1  }
0xa9: {  	[sflag:s23] =	ssyncset.done $0x0  }
0xaa: {  	s25 =	simm.s32 $0x1B8E;
	s24 =	sld [smem:$0x3FFE];
	[sflag:s23] =	ssyncadd.s32 $0xFFFFFFFF  }
0xab: {  	s26 =	simm.s32 $execute0_lowered;
	[smem:$0x3FD2] =	sst s25  }
0xac: {  	s6 =	sshll.u32 s26, $0x1;
	_ =	strace $0x80000046;
	[dreg:$0x1] =	wrdreg $0xFFFFFFFF  }
0xad: {  	s28 =	simm.s32 $_size_execute0_lowered;
	s4 =	sadd.s32 s4, s6;
	[dreg:$0x0] =	wrdreg $0x0  }
0xae: {  	s6 =	sshll.u32 s28, $0x1;
	[dreg:$0x2] =	wrdreg s4  }
0xaf: {  	[dreg:$0x3] =	wrdreg s6  }
0xb0: {  	[dreg:$0x4] =	wrdreg $0xC0  }
0xb1: {  	_ =	task [dreg:s8], $0x5FFFF  }
0xb2: {  	[dreg:$0x1] =	wrdreg $0xFFFFFFFF  }
0xb3: {  	[dreg:$0x0] =	wrdreg $0x60  }
0xb4: {  	[dreg:$0x2] =	wrdreg s24  }
0xb5: {  	[dreg:$0x3] =	wrdreg s17  }
0xb6: {  	[dreg:$0x4] =	wrdreg s16  }
0xb7: {  	[dreg:$0x5] =	wrdreg $0x19000  }
0xb8: {  	[dreg:$0x6] =	wrdreg $0x0  }
0xb9: {  	[dreg:$0x7] =	wrdreg $0xC800  }
0xba: {  	[dreg:$0x8] =	wrdreg $0x32000  }
0xbb: {  	[dreg:$0x9] =	wrdreg $0x25800  }
0xbc: {  	[dreg:$0xa] =	wrdreg $0x3E800  }
0xbd: {  	[dreg:$0xb] =	wrdreg $0x9  }
0xbe: {  	_ =	task.clear_ibuf [dreg:s8], $0xCFFFF;
	_ =	strace $0x90000046  }
0xbf: {  	s29 =	simm.s32 $0x9;
	_ =	strace $0x80000048  }
0xc0: {  	_ =	swait.ge [sflag:s29], $0x1  }
0xc1: {  	[sflag:s29] =	ssyncadd.s32 $0xFFFFFFFF  }
0xc2: {  	_ =	strace $0x90000048  }
0xc3: {  	_ =	sfence  }
0xc4: {  	s30 =	sld [smem:$0x0];
	_ =	sdelay $0x2  }
0xc5: {  	s31 =	sshll.u32 s1, $0xD;
	s1 =	sshrl.u32 s1, $0x2  }
0xc6: {  	s3 =	sand.u32 $0x4000, s31;
	s1 =	sadd.s32 s1, s30  }
0xc7: {  	s0 =	sor.u32 s3, s0;
	s1 =	sshll.u32 s1, $0x11  }
0xc8: {  	s0 =	sor.u32 s1, s0  }
0xc9: {  	s0 =	sadd.s32 $0x8F2B, s0  }
0xca: {  	[sflag:s0] =	ssyncadd.remote.s32 $0x1  }
0xcb: {  	_ =	sfence.sel $0xFFFF  }
0xcc: {  	[dreg:$0x0] =	wrdreg $0xFFFFFFFF;
	(pc) =	sbr.abs _section_cstart, $3  }
0xcd: {  	[dreg:$0x1] =	wrdreg $0xFFFFFFFF  }
0xce: {  	_ =	task.clear_ibuf [dreg:s8], $0x2FFFF;
	_ =	strace $0x9FFFFFFF  }
0xcf: {  	(tm) =	ssettm $0x7FFFFFFF  }
tec
execute0_lowered:
.L_overlay_start_1:
0x0: {  	(tag) =	ssettag $0x1  }
0x1: {  	s0 =	rddreg [dreg:$0x0]  }
0x2: {  	s20 =	rddreg [dreg:$0x1]  }
0x3: {  	s9 =	rddreg [dreg:$0x3]  }
0x4: {  	s5 =	rddreg [dreg:$0x4]  }
0x5: {  	s12 =	rddreg [dreg:$0x5]  }
0x6: {  	s7 =	rddreg [dreg:$0x6]  }
0x7: {  	s8 =	rddreg [dreg:$0x7]  }
0x8: {  	s16 =	rddreg [dreg:$0x8]  }
0x9: {  	s10 =	simm.s32 $0x0;
	s1 =	stileid.u32;
	s2 =	srdreg.scid  }
0xa: {  	[smem:$0x7FF] =	sst s10;
	s11 =	sadd.s32 $0x1B600, s0;
	s17 =	smul.u32 $0xC80, s1  }
0xb: {  	s2 =	sand.u32 $0x1, s2;
	s13 =	sadd.s32 $0x50400, s0;
	s15 =	smul.u32 $0xCB20, s1  }
0xc: {  	s23 =	smul.u32 $0xDAC0, s1;
	p1 =	sne.s32 s1, $0x0;
	s1 =	sshll.u32 s1, $0x4  }
0xd: {  	s14 =	sadd.s32 $0x88600, s0;
	_ =	strace $0x80000047;
	s1 =	sadd.s32 s1, s16  }
0xe: {  	s3 =	ssub.s32 $0x2, s2;
	s26 =	sshrl.u32 s15, $0x3;
	[dreg:$0x17] =	wrdreg s1  }
0xf: {  	p0 =	seq.s32 s2, $0x1;
	[dreg:$0xa] =	wrdreg s17;
	s19 =	sadd.s32 s11, s26  }
0x10: {  	s4 =	sshrl.u32 s17, $0x3;
	s21 =	sadd.s32 s13, s26;
	[dreg:$0xf] =	wrdreg s19  }
0x11: {  	s4 =	sadd.s32 s4, s0;
	s2 =	sadd.s32 s14, s26;
	[dreg:$0x10] =	wrdreg s21  }
0x12: {  	s30 =	simm.s32 $0xAF10;
	s24 =	sadd.s32 $0x69C00, s4;
	[dreg:$0x11] =	wrdreg s2  }
0x13: {  	s31 =	simm.s32 $0x2;
	s25 =	sadd.s32 $0x6B600, s4;
	[dreg:$0xb] =	wrdreg s24  }
0x14: {  	s28 =	sadd.s32 $0x6D000, s0;
	s29 =	sadd.s32 $0xA1E00, s4;
	[dreg:$0xc] =	wrdreg s25  }
0x15: {  	s16 =	simm.s32 $0xFF10;
	s18 =	sadd.s32 $0xA3800, s4;
	[dreg:$0xd] =	wrdreg s29  }
0x16: {  	s6 =	sshrl.u32 s3, $0x1;
	s22 =	sadd.s32 $0xA5200, s4;
	[dreg:$0xe] =	wrdreg s18  }
0x17: {  	s3 =	ssub.s32 s3, s6;
	s19 =	sadd.s32 $0xA8600, s0;
	[dreg:$0x12] =	wrdreg s22  }
0x18: {  	s26 =	sadd.s32 $0x34E00, s0;
	s21 =	sadd.s32 s17, s9;
	[dreg:$0x19] =	wrdreg s19  }
0x19: {  	s9 =	simm.s32 $0xD710;
	s24 =	sadd.s32 $0xA6C00, s4;
	[dreg:$0x1a] =	wrdreg s21  }
0x1a: {  	s25 =	sshrl.u32 s23, $0x3;
	s18 =	smax.u32 s3, $0x1;
	[dreg:$0x13] =	wrdreg s24  }
0x1b: {  	s22 =	sadd.s32 s17, s12;
	s4 =	simm.s32 $0x7D0;
	[dreg:$0x18] =	wrdreg s18  }
0x1c: {  	s19 =	simm.s32 $0xDF10;
	s29 =	sadd.s32 s0, s25;
	[dreg:$0x1b] =	wrdreg s22  }
0x1d: {  	s12 =	simm.s32 $0x4;
	s6 =	sadd.s32 s26, s25;
	[dreg:$0x14] =	wrdreg s29  }
0x1e: {  	s21 =	simm.s32 $0x9;
	s2 =	sadd.s32 s28, s25;
	[dreg:$0x15] =	wrdreg s6  }
.Ltmp0:
0x1f: {  	s24 =	sadd.s32 s17, s5;
	[dreg:$0x16] =	wrdreg s2;
	(pc) =	sbr.rel .LBB2_1-.Ltmp0, $4  }
0x20: {  	s25 =	sadd.s32 s17, s7;
	s18 =	simm.s32 $0xC710;
	[dreg:$0x1c] =	wrdreg s24  }
0x21: {  	s22 =	simm.s32 $0x3;
	[dreg:$0x1d] =	wrdreg s25;
	s29 =	sadd.s32 s17, s8  }
0x22: {  	s17 =	simm.s32 $0xB710;
	s25 =	simm.s32 $0xE710;
	s24 =	simm.s32 $0xEF10  }
0x23: {  	v0 =	vimm.f32 $0.0e+00;
	s6 =	simm.s32 $0x5;
	s2 =	simm.s32 $0x0;
	[dreg:$0x1e] =	wrdreg s29  }
.LBB2_46:
0x24: {  	s2 =	rddreg [dreg:$0x1f]  }
0x25: {  	s1 =	rddreg [dreg:$0x18];
	s2 =	sadd.s32 $0x1, s2  }
0x26: {  	p2 =	sne.s32 s2, s1  }
.Ltmp1:
0x27: {  	_ = 	snop;
	(pc) =	sbr.rel @!p2 .LBB2_47-.Ltmp1, $1  }
0x28: {  	_ =	sdelay $0x3  }
.LBB2_1:
.Ltmp2:
0x29: {  	(pc) =	sbr.rel @!p0 .LBB2_2-.Ltmp2, $2  }
0x2a: {  	_ =	sdelay $0x2  }
0x2b: {  	[dreg:$0x1f] =	wrdreg s2  }
0x2c: {  	v1 =	vimm.s32 @!p1 $0x0  }
0x2d: {  	s1 =	simm.s32 @!p1 $0x0;
	s2 =	simm.s32 @!p1 $0x11010;
	[tilespmem:$0x11010] =	vst @!p1 v1  }
0x2e: {  	[hbm4b:s20+s1] =	stream.linear.scatter @!p1 [tilespmem:s2], [sflag:$0x8], $0x80, $0x38;
	[tilespmem:$0x11090] =	vst v63  }
0x2f: {  	s1 =	simm.s32 @!p1 $0x8  }
0x30: {  	_ =	swait.ge @!p1 [sflag:s1], $0x80  }
0x31: {  	s3 =	simm.s32 $0x3E90;
	[sflag:s1] =	ssyncset.done @!p1 $0x0  }
0x32: {  	s29 =	rddreg [dreg:$0xb];
	[sflag:s1] =	ssyncadd.s32 @!p1 $0xFFFFFF80;
	s1 =	simm.s32 $0x0  }
0x33: {  	[tilespmem:s3], [sflag:$0x8] =	stream.linear.gather [hbm4b:s29+s1], $0xC80, $0x38;
	[tilespmem:$0x11090] =	vst v63  }
0x34: {  	s3 =	simm.s32 $0x8  }
0x35: {  	_ =	swait.ge [sflag:s3], $0xC80  }
0x36: {  	[sflag:s3] =	ssyncset.done $0x0  }
0x37: {  	s29 =	simm.s32 $0xA290;
	s2 =	rddreg [dreg:$0xc];
	[sflag:s3] =	ssyncadd.s32 $0xFFFFF380  }
0x38: {  	[tilespmem:s29], [sflag:$0x8] =	stream.linear.gather [hbm4b:s2+s1], $0xC80, $0x38;
	[tilespmem:$0x11090] =	vst v63  }
0x39: {  	_ =	swait.ge [sflag:s3], $0xC80  }
0x3a: {  	[sflag:s3] =	ssyncset.done $0x0  }
0x3b: {  	s1 =	simm.s32 $0x0;
	[sflag:s3] =	ssyncadd.s32 $0xFFFFF380  }
0x3c: {  	s2 =	simm.s32 $0x40;
	v1 =	vld [tilespmem:s1+$0xA290]  }
.LBB2_28:
0x3d: {  	p2 =	sne.s32 s2, $0x31C0;
	v2 =	vld [tilespmem:s1+$0x3E90];
	[tilespmem:s1+$0x7090] =	vst v0;
	_ =	sdelay $0x2  }
.Ltmp3:
0x3e: {  	(pc) =	sbr.rel @p2 .LBB2_28-.Ltmp3, $4  }
0x3f: {  	_ = 	snop  }
0x40: {  	v2 =	vsub.f32 v2, v1  }
0x41: {  	s3 =	sshra.s32 s2, $0x2  }
0x42: {  	s2 =	sadd.s32 $0x40, s2;
	v1 =	vld [tilespmem:s3+$0xA290];
	[tilespmem:s1+$0x3E90] =	vst v2;
	s1 =	smov.u32 s3  }
0x43: {  	v2 =	vld [tilespmem:s1+$0x3E90];
	_ =	sdelay $0x4  }
0x44: {  	v1 =	vsub.f32 v2, v1  }
0x45: {  	[tilespmem:s1+$0x7090] =	vst v0  }
0x46: {  	[tilespmem:s1+$0x3E90] =	vst v1  }
0x47: {  	s29 =	simm.s32 $0x0;
	[bflag:$0x0] =	sbarrier.arrive $0xFFFF  }
0x48: {  	[smem:$0x7FC] =	sst s29  }
.LBB2_30:
0x49: {  	s1 =	rddreg [dreg:$0x1d];
	s2 =	simm.s32 $0x7090;
	s29 =	simm.s32 $0x8  }
0x4a: {  	[spmem:s1] =	stream.linear.scatter [tilespmem:s2], [sflag:$0x8], $0xC80, $0x38;
	[tilespmem:$0x11090] =	vst v63  }
.Ltmp4:
0x4b: {  	_ =	swait.ge [sflag:s29], $0xC80;
	(pc) =	sbr.rel @p1 .LBB2_33-.Ltmp4, $3  }
0x4c: {  	[sflag:s29] =	ssyncset.done $0x0  }
0x4d: {  	[sflag:s29] =	ssyncadd.s32 $0xFFFFF380  }
0x4e: {  	[bflag:$0x0] =	sbarrier.arrive $0xFFFF;
	_ =	sdelay $0x1  }
0x4f: {  	s1 =	sld [smem:$0x7FC];
	_ =	sdelay $0x2  }
0x50: {  	s3 =	simm.s32 $0x0;
	s2 =	simm.s32 $0x400;
	s1 =	sadd.s32 $0x4190AB02, s1  }
.LBB2_32:
0x51: {  	p2 =	slt.s32 s3, s1  }
0x52: {  	p3 =	slt.s32 @!p2 s3, $0x4190AB0D  }
0x53: {  	p2 =	por p2, !p3  }
0x54: {  	s3 =	simm.s32 @p2 $0x11010  }
0x55: {  	[tilespmem:s3], [sflag:$0x8] =	stream.linear.gather @p2 [hbm4b:s20+s10], $0x80, $0x38;
	[tilespmem:$0x11090] =	vst v63  }
0x56: {  	s3 =	simm.s32 @p2 $0x8  }
0x57: {  	_ =	swait.ge @p2 [sflag:s3], $0x80  }
0x58: {  	[sflag:s3] =	ssyncset.done @p2 $0x0  }
0x59: {  	[sflag:s3] =	ssyncadd.s32 @p2 $0xFFFFFF80  }
0x5a: {  	v1 =	vld [tilespmem:$0x11010];
	_ =	sdelay $0x4  }
0x5b: {  	(v2sf) =	vpush v1, $0x0;
	_ =	sdelay $0x8  }
0x5c: {  	s2 =	sadd.s32 $0xFFFFFFFF, s2  }
0x5d: {  	p2 =	sne.s32 s2, $0x0  }
.Ltmp5:
0x5e: {  	_ = 	snop;
	(pc) =	sbr.rel @p2 .LBB2_32-.Ltmp5, $2  }
0x5f: {  	_ =	sdelay $0x2  }
0x60: {  	s3 =	spop (v2sf)  }
.LBB2_33:
0x61: {  	s20 =	sld [smem:$0x7FC];
	_ =	sdelay $0x2  }
0x62: {  	s1 =	sadd.s32 $0x1, s20  }
0x63: {  	[smem:$0x7FB] =	sst s1;
	s1 =	sand.u32 $0x1, s1  }
0x64: {  	p2 =	seq.s32 s1, $0x1;
	s1 =	rddreg [dreg:$0x12];
	[bflag:$0x0] =	sbarrier.arrive $0xFFFF  }
0x65: {  	s2 =	rddreg [dreg:$0x13]  }
0x66: {  	s3 =	simm.s32 $0xA290;
	s1 =	smov.u32 @p2 s2;
	s2 =	simm.s32 $0x8  }
0x67: {  	[tilespmem:s3], [sflag:$0x8] =	stream.linear.gather [hbm4b:s1+s10], $0xC80, $0x38;
	[tilespmem:$0x11090] =	vst v63  }
0x68: {  	_ =	swait.ge [sflag:s2], $0xC80  }
0x69: {  	[sflag:s2] =	ssyncset.done $0x0  }
0x6a: {  	s29 =	rddreg [dreg:$0x1e];
	[sflag:s2] =	ssyncadd.s32 $0xFFFFF380  }
0x6b: {  	[spmem:s29] =	stream.linear.scatter [tilespmem:s3], [sflag:$0x8], $0xC80, $0x38;
	[tilespmem:$0x11090] =	vst v63  }
0x6c: {  	_ =	swait.ge [sflag:s2], $0xC80  }
0x6d: {  	[sflag:s2] =	ssyncset.done $0x0  }
0x6e: {  	s1 =	sadd.s32 @!p1 $0x47868C02, s20;
	[sflag:s2] =	ssyncadd.s32 $0xFFFFF380  }
0x6f: {  	v1 =	vmov @!p1 s1;
	[bflag:$0x0] =	sbarrier.arrive $0xFFFF  }
0x70: {  	s1 =	simm.s32 @!p1 $0x0;
	s2 =	simm.s32 @!p1 $0x11010;
	[tilespmem:$0x11010] =	vst @!p1 v1;
	s3 =	rddreg [dreg:$0x2]  }
0x71: {  	[hbm4b:s3+s1] =	stream.linear.scatter @!p1 [tilespmem:s2], [sflag:$0x8], $0x80, $0x38;
	[tilespmem:$0x11090] =	vst v63  }
0x72: {  	s1 =	simm.s32 @!p1 $0x8  }
0x73: {  	_ =	swait.ge @!p1 [sflag:s1], $0x80  }
0x74: {  	[sflag:s1] =	ssyncset.done @!p1 $0x0  }
0x75: {  	s20 =	simm.s32 $0x0;
	s2 =	rddreg [dreg:$0x14];
	[sflag:s1] =	ssyncadd.s32 @!p1 $0xFFFFFF80  }
0x76: {  	[tilespmem:s30], [sflag:$0x2] =	stream.linear.gather [hbm4b:s2+s20], $0x7D0, $0x38;
	[tilespmem:$0x11090] =	vst v63  }
0x77: {  	s29 =	simm.s32 $0xBF10;
	s3 =	rddreg [dreg:$0x15]  }
0x78: {  	[tilespmem:s29], [sflag:$0x2] =	stream.linear.gather [hbm4b:s3+s20], $0x7D0, $0x38;
	[tilespmem:$0x11090] =	vst v63  }
0x79: {  	s3 =	rddreg [dreg:$0x16];
	s29 =	simm.s32 $0xCF10  }
0x7a: {  	[tilespmem:s29], [sflag:$0x2] =	stream.linear.gather [hbm4b:s3+s20], $0x7D0, $0x38;
	[tilespmem:$0x11090] =	vst v63  }
.LBB2_34:
0x7b: {  	_ =	swait.ge [sflag:s31], $0x7D0  }
0x7c: {  	[sflag:s31] =	ssyncset.done $0x0  }
0x7d: {  	[sflag:s31] =	ssyncadd.s32 $0xFFFFF830  }
0x7e: {  	_ =	swait.ge [sflag:s31], $0x7D0  }
0x7f: {  	p2 =	seq.s32 s20, $0x0;
	[sflag:s31] =	ssyncset.done $0x0  }
.Ltmp6:
0x80: {  	[sflag:s31] =	ssyncadd.s32 $0xFFFFF830;
	(pc) =	sbr.rel @p2 .LBB2_38-.Ltmp6, $4  }
0x81: {  	_ =	swait.ge [sflag:s31], $0x7D0  }
0x82: {  	[sflag:s31] =	ssyncset.done $0x0  }
0x83: {  	[sflag:s31] =	ssyncadd.s32 $0xFFFFF830  }
0x84: {  	[tilespmem:s19], [sflag:$0x4] =	stream.indirect.gather [spmem:s8], $0x1, s30, s4, $0xb8;
	[tilespmem:$0x11090] =	vst v63  }
0x85: {  	_ =	swait.ge [sflag:s6], $0x7D0  }
0x86: {  	p3 =	seq.s32 s20, $0x1;
	[sflag:s6] =	ssyncset.done $0x0  }
0x87: {  	s1 =	simm.s32 @!p3 $0x7;
	[sflag:s6] =	ssyncadd.s32 $0xFFFFF830  }
0x88: {  	_ =	swait.ge @!p3 [sflag:s1], $0x7D0  }
0x89: {  	[sflag:s1] =	ssyncset.done @!p3 $0x0  }
0x8a: {  	[sflag:s1] =	ssyncadd.s32 @!p3 $0xFFFFF830;
	s1 =	simm.s32 $0x0  }
0x8b: {  	v1 =	vld [tilespmem:s1+$0xE750]  }
0x8c: {  	v2 =	vld [tilespmem:s1+$0xD750]  }
0x8d: {  	v3 =	vld [tilespmem:s1+$0xE710]  }
0x8e: {  	v4 =	vld [tilespmem:s1+$0xD710]  }
0x8f: {  	v5 =	vld [tilespmem:s1+$0xE720]  }
0x90: {  	v6 =	vld [tilespmem:s1+$0xD720]  }
0x91: {  	v7 =	vld [tilespmem:s1+$0xE730]  }
0x92: {  	v1 =	vmul.f32 v2, v1;
	v2 =	vld [tilespmem:s1+$0xD730]  }
0x93: {  	v8 =	vld [tilespmem:s1+$0xE740];
	v3 =	vmul.f32 v4, v3  }
0x94: {  	v9 =	vld [tilespmem:s1+$0xD740]  }
0x95: {  	v10 =	vld [tilespmem:s1+$0xC710];
	[tilespmem:s1+$0xF710] =	vst v3;
	v3 =	vmul.f32 v6, v5  }
0x96: {  	v4 =	vld [tilespmem:s1+$0xC730];
	[tilespmem:s1+$0xF750] =	vst v1  }
0x97: {  	v1 =	vld [tilespmem:s1+$0xC720];
	[tilespmem:s1+$0xF720] =	vst v3;
	v3 =	vmul.f32 v2, v7  }
0x98: {  	v5 =	vld [tilespmem:s1+$0xC750]  }
0x99: {  	s2 =	simm.s32 $0x50;
	v6 =	vmul.f32 v9, v8;
	v2 =	vld [tilespmem:s1+$0xC740];
	[tilespmem:s1+$0xF730] =	vst v3  }
0x9a: {  	s3 =	simm.s32 $0x280;
	v3 =	vld [tilespmem:s2+$0xE750];
	[tilespmem:s1+$0x10710] =	vst v10  }
.LBB2_36:
0x9b: {  	p3 =	sne.s32 s3, $0x1E00;
	v7 =	vld [tilespmem:s2+$0xD750];
	[tilespmem:s1+$0xF740] =	vst v6  }
0x9c: {  	v6 =	vld [tilespmem:s2+$0xE710];
	[tilespmem:s1+$0x10720] =	vst v1  }
0x9d: {  	v1 =	vld [tilespmem:s2+$0xD710];
	[tilespmem:s1+$0x10730] =	vst v4  }
0x9e: {  	v4 =	vld [tilespmem:s2+$0xE720];
	[tilespmem:s1+$0x10740] =	vst v2  }
0x9f: {  	v2 =	vld [tilespmem:s2+$0xD720];
	[tilespmem:s1+$0x10750] =	vst v5;
	s1 =	smov.u32 s2  }
0xa0: {  	v5 =	vld [tilespmem:s1+$0xE730];
	v3 =	vmul.f32 v7, v3  }
0xa1: {  	v7 =	vld [tilespmem:s1+$0xD730]  }
0xa2: {  	v1 =	vmul.f32 v1, v6;
	v6 =	vld [tilespmem:s1+$0xE740];
	[tilespmem:s1+$0xF750] =	vst v3  }
0xa3: {  	v3 =	vld [tilespmem:s1+$0xD740]  }
0xa4: {  	[tilespmem:s1+$0xF710] =	vst v1;
	v8 =	vld [tilespmem:s1+$0xC710];
	v2 =	vmul.f32 v2, v4  }
.Ltmp7:
0xa5: {  	v1 =	vld [tilespmem:s1+$0xC720];
	(pc) =	sbr.rel @p3 .LBB2_36-.Ltmp7, $4  }
0xa6: {  	[tilespmem:s1+$0xF720] =	vst v2;
	v5 =	vmul.f32 v7, v5;
	v4 =	vld [tilespmem:s1+$0xC730]  }
0xa7: {  	v2 =	vld [tilespmem:s1+$0xC740]  }
0xa8: {  	s2 =	sshra.s32 s3, $0x2;
	[tilespmem:s1+$0xF730] =	vst v5;
	v6 =	vmul.f32 v3, v6;
	v5 =	vld [tilespmem:s1+$0xC750]  }
0xa9: {  	s3 =	sadd.s32 $0x140, s3;
	v3 =	vld [tilespmem:s2+$0xE750];
	[tilespmem:s1+$0x10710] =	vst v8  }
0xaa: {  	v7 =	vld [tilespmem:s2+$0xD750];
	[tilespmem:s1+$0xF740] =	vst v6  }
0xab: {  	v6 =	vld [tilespmem:s2+$0xE710];
	[tilespmem:s1+$0x10720] =	vst v1  }
0xac: {  	v1 =	vld [tilespmem:s2+$0xD710];
	[tilespmem:s1+$0x10730] =	vst v4  }
0xad: {  	v4 =	vld [tilespmem:s2+$0xE720];
	[tilespmem:s1+$0x10740] =	vst v2  }
0xae: {  	v2 =	vld [tilespmem:s2+$0xD720];
	[tilespmem:s1+$0x10750] =	vst v5  }
0xaf: {  	v5 =	vld [tilespmem:s2+$0xE730]  }
0xb0: {  	v60 =	vld [tilespmem:s2+$0xD730]  }
0xb1: {  	v3 =	vmul.f32 v7, v3;
	v8 =	vld [tilespmem:s2+$0xE740]  }
0xb2: {  	v61 =	vld [tilespmem:s2+$0xC720]  }
0xb3: {  	v1 =	vmul.f32 v1, v6;
	[tilespmem:s2+$0xF750] =	vst v3;
	v3 =	vld [tilespmem:s2+$0xD740]  }
0xb4: {  	v62 =	vld [tilespmem:s2+$0xC730];
	v2 =	vmul.f32 v2, v4  }
0xb5: {  	v63 =	vld [tilespmem:s2+$0xC740];
	[tilespmem:s2+$0xF710] =	vst v1  }
0xb6: {  	v1 =	vld [tilespmem:s2+$0xC710];
	[tilespmem:s2+$0xF720] =	vst v2;
	v2 =	vmul.f32 v60, v5  }
0xb7: {  	[tilespmem:s2+$0x10720] =	vst v61  }
0xb8: {  	[tilespmem:s2+$0xF730] =	vst v2;
	v2 =	vmul.f32 v3, v8;
	v3 =	vld [tilespmem:s2+$0xC750]  }
0xb9: {  	[tilespmem:s2+$0x10730] =	vst v62  }
0xba: {  	[tilespmem:s2+$0x10740] =	vst v63  }
0xbb: {  	[tilespmem:s2+$0x10710] =	vst v1  }
0xbc: {  	[tilespmem:s2+$0xF740] =	vst v2  }
0xbd: {  	s3 =	simm.s32 $0x10710;
	s29 =	simm.s32 $0xF710;
	[tilespmem:s2+$0x10750] =	vst v3  }
0xbe: {  	[spmem:s7] =	stream.indirect.scatter.add.f32 [tilespmem:s29], [sflag:$0x7], $0x1, s3, s4, $0xb8;
	[tilespmem:$0x11090] =	vst v63  }
.LBB2_38:
0xbf: {  	s1 =	smul.u32 $0xFA0, s20;
	_ =	sdelay $0x1  }
0xc0: {  	s3 =	sadd.s32 s23, s1  }
0xc1: {  	s1 =	sshrl.u32 s3, $0x3  }
0xc2: {  	s1 =	sadd.s32 $0xFA, s1  }
0xc3: {  	s2 =	sadd.s32 s0, s1  }
0xc4: {  	[tilespmem:s17], [sflag:$0x3] =	stream.linear.gather [hbm4b:s2+s10], $0x7D0, $0x38;
	[tilespmem:$0x11090] =	vst v63  }
0xc5: {  	s2 =	sadd.s32 s26, s1  }
0xc6: {  	[tilespmem:s18], [sflag:$0x3] =	stream.linear.gather [hbm4b:s2+s10], $0x7D0, $0x38;
	[tilespmem:$0x11090] =	vst v63  }
0xc7: {  	s1 =	sadd.s32 s28, s1  }
0xc8: {  	[tilespmem:s9], [sflag:$0x3] =	stream.linear.gather [hbm4b:s1+s10], $0x7D0, $0x38;
	[tilespmem:$0x11090] =	vst v63  }
0xc9: {  	_ =	swait.ge [sflag:s22], $0x7D0  }
0xca: {  	[sflag:s22] =	ssyncset.done $0x0  }
0xcb: {  	[sflag:s22] =	ssyncadd.s32 $0xFFFFF830  }
0xcc: {  	_ =	swait.ge [sflag:s22], $0x7D0  }
0xcd: {  	[sflag:s22] =	ssyncset.done $0x0  }
0xce: {  	[sflag:s22] =	ssyncadd.s32 $0xFFFFF830  }
0xcf: {  	_ =	swait.ge [sflag:s22], $0x7D0  }
0xd0: {  	[sflag:s22] =	ssyncset.done $0x0  }
0xd1: {  	[sflag:s22] =	ssyncadd.s32 $0xFFFFF830  }
0xd2: {  	[tilespmem:s25], [sflag:$0x5] =	stream.indirect.gather [spmem:s8], $0x1, s17, s4, $0xb8;
	[tilespmem:$0x11090] =	vst v63  }
0xd3: {  	_ =	swait.ge [sflag:s12], $0x7D0  }
0xd4: {  	[sflag:s12] =	ssyncset.done $0x0  }
0xd5: {  	s1 =	simm.s32 @!p2 $0x6;
	[sflag:s12] =	ssyncadd.s32 $0xFFFFF830  }
0xd6: {  	_ =	swait.ge @!p2 [sflag:s1], $0x7D0  }
0xd7: {  	[sflag:s1] =	ssyncset.done @!p2 $0x0  }
0xd8: {  	[sflag:s1] =	ssyncadd.s32 @!p2 $0xFFFFF830;
	s1 =	simm.s32 $0x0  }
0xd9: {  	v1 =	vld [tilespmem:s1+$0xDF50]  }
0xda: {  	v2 =	vld [tilespmem:s1+$0xCF50]  }
0xdb: {  	v3 =	vld [tilespmem:s1+$0xDF10]  }
0xdc: {  	v4 =	vld [tilespmem:s1+$0xCF10]  }
0xdd: {  	v5 =	vld [tilespmem:s1+$0xDF20]  }
0xde: {  	v6 =	vld [tilespmem:s1+$0xCF20]  }
0xdf: {  	v7 =	vld [tilespmem:s1+$0xDF30]  }
0xe0: {  	v1 =	vmul.f32 v2, v1;
	v2 =	vld [tilespmem:s1+$0xCF30]  }
0xe1: {  	v8 =	vld [tilespmem:s1+$0xDF40];
	v3 =	vmul.f32 v4, v3  }
0xe2: {  	v9 =	vld [tilespmem:s1+$0xCF40]  }
0xe3: {  	v10 =	vld [tilespmem:s1+$0xBF10];
	[tilespmem:s1+$0xEF10] =	vst v3;
	v3 =	vmul.f32 v6, v5  }
0xe4: {  	v4 =	vld [tilespmem:s1+$0xBF30];
	[tilespmem:s1+$0xEF50] =	vst v1  }
0xe5: {  	v1 =	vld [tilespmem:s1+$0xBF20];
	[tilespmem:s1+$0xEF20] =	vst v3;
	v3 =	vmul.f32 v2, v7  }
0xe6: {  	v5 =	vld [tilespmem:s1+$0xBF50]  }
0xe7: {  	s2 =	simm.s32 $0x50;
	v6 =	vmul.f32 v9, v8;
	v2 =	vld [tilespmem:s1+$0xBF40];
	[tilespmem:s1+$0xEF30] =	vst v3  }
0xe8: {  	s29 =	simm.s32 $0x280;
	v3 =	vld [tilespmem:s2+$0xDF50];
	[tilespmem:s1+$0xFF10] =	vst v10  }
.LBB2_39:
0xe9: {  	p2 =	sne.s32 s29, $0x1E00;
	v7 =	vld [tilespmem:s2+$0xCF50];
	[tilespmem:s1+$0xEF40] =	vst v6  }
0xea: {  	v6 =	vld [tilespmem:s2+$0xDF10];
	[tilespmem:s1+$0xFF20] =	vst v1  }
0xeb: {  	v1 =	vld [tilespmem:s2+$0xCF10];
	[tilespmem:s1+$0xFF30] =	vst v4  }
0xec: {  	v4 =	vld [tilespmem:s2+$0xDF20];
	[tilespmem:s1+$0xFF40] =	vst v2  }
0xed: {  	v2 =	vld [tilespmem:s2+$0xCF20];
	[tilespmem:s1+$0xFF50] =	vst v5;
	s1 =	smov.u32 s2  }
0xee: {  	v5 =	vld [tilespmem:s1+$0xDF30];
	v3 =	vmul.f32 v7, v3  }
0xef: {  	v7 =	vld [tilespmem:s1+$0xCF30]  }
0xf0: {  	v1 =	vmul.f32 v1, v6;
	v6 =	vld [tilespmem:s1+$0xDF40];
	[tilespmem:s1+$0xEF50] =	vst v3  }
0xf1: {  	v3 =	vld [tilespmem:s1+$0xCF40]  }
0xf2: {  	[tilespmem:s1+$0xEF10] =	vst v1;
	v8 =	vld [tilespmem:s1+$0xBF10];
	v2 =	vmul.f32 v2, v4  }
.Ltmp8:
0xf3: {  	v1 =	vld [tilespmem:s1+$0xBF20];
	(pc) =	sbr.rel @p2 .LBB2_39-.Ltmp8, $4  }
0xf4: {  	[tilespmem:s1+$0xEF20] =	vst v2;
	v5 =	vmul.f32 v7, v5;
	v4 =	vld [tilespmem:s1+$0xBF30]  }
0xf5: {  	v2 =	vld [tilespmem:s1+$0xBF40]  }
0xf6: {  	s2 =	sshra.s32 s29, $0x2;
	[tilespmem:s1+$0xEF30] =	vst v5;
	v6 =	vmul.f32 v3, v6;
	v5 =	vld [tilespmem:s1+$0xBF50]  }
0xf7: {  	s29 =	sadd.s32 $0x140, s29;
	v3 =	vld [tilespmem:s2+$0xDF50];
	[tilespmem:s1+$0xFF10] =	vst v8  }
0xf8: {  	v7 =	vld [tilespmem:s2+$0xCF50];
	[tilespmem:s1+$0xEF40] =	vst v6  }
0xf9: {  	v6 =	vld [tilespmem:s2+$0xDF10];
	[tilespmem:s1+$0xFF20] =	vst v1  }
0xfa: {  	v1 =	vld [tilespmem:s2+$0xCF10];
	[tilespmem:s1+$0xFF30] =	vst v4  }
0xfb: {  	v4 =	vld [tilespmem:s2+$0xDF20];
	[tilespmem:s1+$0xFF40] =	vst v2  }
0xfc: {  	v2 =	vld [tilespmem:s2+$0xCF20];
	[tilespmem:s1+$0xFF50] =	vst v5  }
0xfd: {  	v5 =	vld [tilespmem:s2+$0xDF30]  }
0xfe: {  	v60 =	vld [tilespmem:s2+$0xCF30]  }
0xff: {  	v3 =	vmul.f32 v7, v3;
	v8 =	vld [tilespmem:s2+$0xDF40]  }
0x100: {  	v61 =	vld [tilespmem:s2+$0xBF20]  }
0x101: {  	v1 =	vmul.f32 v1, v6;
	[tilespmem:s2+$0xEF50] =	vst v3;
	v3 =	vld [tilespmem:s2+$0xCF40]  }
0x102: {  	v62 =	vld [tilespmem:s2+$0xBF30];
	v2 =	vmul.f32 v2, v4  }
0x103: {  	v63 =	vld [tilespmem:s2+$0xBF40];
	[tilespmem:s2+$0xEF10] =	vst v1  }
0x104: {  	v1 =	vld [tilespmem:s2+$0xBF10];
	[tilespmem:s2+$0xEF20] =	vst v2;
	v2 =	vmul.f32 v60, v5  }
0x105: {  	[tilespmem:s2+$0xFF20] =	vst v61  }
0x106: {  	[tilespmem:s2+$0xEF30] =	vst v2;
	v2 =	vmul.f32 v3, v8;
	v3 =	vld [tilespmem:s2+$0xBF50]  }
0x107: {  	[tilespmem:s2+$0xFF30] =	vst v62  }
0x108: {  	[tilespmem:s2+$0xFF40] =	vst v63  }
0x109: {  	p2 =	seq.s32 s20, $0xD;
	[tilespmem:s2+$0xFF10] =	vst v1  }
0x10a: {  	s1 =	sshrl.u32 @!p2 s3, $0x3;
	[tilespmem:s2+$0xEF40] =	vst v2  }
0x10b: {  	s1 =	sadd.s32 @!p2 $0x1F4, s1;
	[tilespmem:s2+$0xFF50] =	vst v3  }
0x10c: {  	[spmem:s7] =	stream.indirect.scatter.add.f32 [tilespmem:s24], [sflag:$0x6], $0x1, s16, s4, $0xb8;
	[tilespmem:$0x11090] =	vst v63  }
0x10d: {  	s29 =	simm.s32 @!p2 $0xAF10;
	s3 =	simm.s32 @!p2 $0x0;
	s2 =	sadd.s32 @!p2 s0, s1  }
0x10e: {  	[tilespmem:s29], [sflag:$0x2] =	stream.linear.gather @!p2 [hbm4b:s2+s3], $0x7D0, $0x38;
	[tilespmem:$0x11090] =	vst v63  }
0x10f: {  	s20 =	sadd.s32 @!p2 $0x1, s20;
	s2 =	sadd.s32 @!p2 s26, s1;
	s29 =	simm.s32 @!p2 $0xBF10  }
0x110: {  	[tilespmem:s29], [sflag:$0x2] =	stream.linear.gather @!p2 [hbm4b:s2+s3], $0x7D0, $0x38;
	[tilespmem:$0x11090] =	vst v63  }
0x111: {  	p3 =	sne.s32 @!p2 s20, $0xE;
	s1 =	sadd.s32 @!p2 s28, s1;
	s2 =	simm.s32 @!p2 $0xCF10  }
0x112: {  	[tilespmem:s2], [sflag:$0x2] =	stream.linear.gather @!p2 [hbm4b:s1+s3], $0x7D0, $0x38;
	[tilespmem:$0x11090] =	vst v63  }
0x113: {  	p2 =	por p2, !p3  }
.Ltmp9:
0x114: {  	_ = 	snop;
	(pc) =	sbr.rel @!p2 .LBB2_34-.Ltmp9, $1  }
0x115: {  	_ =	sdelay $0x3  }
0x116: {  	_ =	swait.ge [sflag:s6], $0x7D0  }
0x117: {  	[sflag:s6] =	ssyncset.done $0x0  }
0x118: {  	s1 =	simm.s32 $0x7;
	[sflag:s6] =	ssyncadd.s32 $0xFFFFF830  }
0x119: {  	_ =	swait.ge [sflag:s1], $0x7D0  }
0x11a: {  	[sflag:s1] =	ssyncset.done $0x0  }
0x11b: {  	[sflag:s1] =	ssyncadd.s32 $0xFFFFF830;
	s1 =	simm.s32 $0x0  }
0x11c: {  	v1 =	vld [tilespmem:s1+$0xE750]  }
0x11d: {  	v2 =	vld [tilespmem:s1+$0xD750]  }
0x11e: {  	v3 =	vld [tilespmem:s1+$0xE710]  }
0x11f: {  	v4 =	vld [tilespmem:s1+$0xD710]  }
0x120: {  	v5 =	vld [tilespmem:s1+$0xE720]  }
0x121: {  	v6 =	vld [tilespmem:s1+$0xD720]  }
0x122: {  	v7 =	vld [tilespmem:s1+$0xE730]  }
0x123: {  	v1 =	vmul.f32 v2, v1;
	v2 =	vld [tilespmem:s1+$0xD730]  }
0x124: {  	v8 =	vld [tilespmem:s1+$0xE740];
	v3 =	vmul.f32 v4, v3  }
0x125: {  	v9 =	vld [tilespmem:s1+$0xD740]  }
0x126: {  	v10 =	vld [tilespmem:s1+$0xC710];
	[tilespmem:s1+$0xF710] =	vst v3;
	v3 =	vmul.f32 v6, v5  }
0x127: {  	v4 =	vld [tilespmem:s1+$0xC730];
	[tilespmem:s1+$0xF750] =	vst v1  }
0x128: {  	v1 =	vld [tilespmem:s1+$0xC720];
	[tilespmem:s1+$0xF720] =	vst v3;
	v3 =	vmul.f32 v2, v7  }
0x129: {  	v5 =	vld [tilespmem:s1+$0xC750]  }
0x12a: {  	s2 =	simm.s32 $0x50;
	v6 =	vmul.f32 v9, v8;
	v2 =	vld [tilespmem:s1+$0xC740];
	[tilespmem:s1+$0xF730] =	vst v3  }
0x12b: {  	s3 =	simm.s32 $0x280;
	v3 =	vld [tilespmem:s2+$0xE750];
	[tilespmem:s1+$0x10710] =	vst v10  }
.LBB2_42:
0x12c: {  	p2 =	sne.s32 s3, $0x1E00;
	v7 =	vld [tilespmem:s2+$0xD750];
	[tilespmem:s1+$0xF740] =	vst v6  }
0x12d: {  	v6 =	vld [tilespmem:s2+$0xE710];
	[tilespmem:s1+$0x10720] =	vst v1  }
0x12e: {  	v1 =	vld [tilespmem:s2+$0xD710];
	[tilespmem:s1+$0x10730] =	vst v4  }
0x12f: {  	v4 =	vld [tilespmem:s2+$0xE720];
	[tilespmem:s1+$0x10740] =	vst v2  }
0x130: {  	v2 =	vld [tilespmem:s2+$0xD720];
	[tilespmem:s1+$0x10750] =	vst v5;
	s1 =	smov.u32 s2  }
0x131: {  	v5 =	vld [tilespmem:s1+$0xE730];
	v3 =	vmul.f32 v7, v3  }
0x132: {  	v7 =	vld [tilespmem:s1+$0xD730]  }
0x133: {  	v1 =	vmul.f32 v1, v6;
	v6 =	vld [tilespmem:s1+$0xE740];
	[tilespmem:s1+$0xF750] =	vst v3  }
0x134: {  	v3 =	vld [tilespmem:s1+$0xD740]  }
0x135: {  	[tilespmem:s1+$0xF710] =	vst v1;
	v8 =	vld [tilespmem:s1+$0xC710];
	v2 =	vmul.f32 v2, v4  }
.Ltmp10:
0x136: {  	v1 =	vld [tilespmem:s1+$0xC720];
	(pc) =	sbr.rel @p2 .LBB2_42-.Ltmp10, $4  }
0x137: {  	[tilespmem:s1+$0xF720] =	vst v2;
	v5 =	vmul.f32 v7, v5;
	v4 =	vld [tilespmem:s1+$0xC730]  }
0x138: {  	v2 =	vld [tilespmem:s1+$0xC740]  }
0x139: {  	s2 =	sshra.s32 s3, $0x2;
	[tilespmem:s1+$0xF730] =	vst v5;
	v6 =	vmul.f32 v3, v6;
	v5 =	vld [tilespmem:s1+$0xC750]  }
0x13a: {  	s3 =	sadd.s32 $0x140, s3;
	v3 =	vld [tilespmem:s2+$0xE750];
	[tilespmem:s1+$0x10710] =	vst v8  }
0x13b: {  	v7 =	vld [tilespmem:s2+$0xD750];
	[tilespmem:s1+$0xF740] =	vst v6  }
0x13c: {  	v6 =	vld [tilespmem:s2+$0xE710];
	[tilespmem:s1+$0x10720] =	vst v1  }
0x13d: {  	v1 =	vld [tilespmem:s2+$0xD710];
	[tilespmem:s1+$0x10730] =	vst v4  }
0x13e: {  	v4 =	vld [tilespmem:s2+$0xE720];
	[tilespmem:s1+$0x10740] =	vst v2  }
0x13f: {  	v2 =	vld [tilespmem:s2+$0xD720];
	[tilespmem:s1+$0x10750] =	vst v5  }
0x140: {  	v5 =	vld [tilespmem:s2+$0xE730]  }
0x141: {  	v62 =	vld [tilespmem:s2+$0xD730]  }
0x142: {  	v3 =	vmul.f32 v7, v3;
	v8 =	vld [tilespmem:s2+$0xE740]  }
0x143: {  	v63 =	vld [tilespmem:s2+$0xC740];
	v1 =	vmul.f32 v1, v6  }
0x144: {  	[tilespmem:s2+$0xF750] =	vst v3;
	v3 =	vld [tilespmem:s2+$0xD740]  }
0x145: {  	[tilespmem:s2+$0xF710] =	vst v1;
	v1 =	vld [tilespmem:s2+$0xC710];
	v2 =	vmul.f32 v2, v4  }
0x146: {  	v4 =	vld [tilespmem:s2+$0xC720]  }
0x147: {  	[tilespmem:s2+$0xF720] =	vst v2;
	v2 =	vmul.f32 v62, v5  }
0x148: {  	[tilespmem:s2+$0x10740] =	vst v63;
	v5 =	vld [tilespmem:s2+$0xC730]  }
0x149: {  	[tilespmem:s2+$0xF730] =	vst v2;
	v2 =	vmul.f32 v3, v8;
	v3 =	vld [tilespmem:s2+$0xC750]  }
0x14a: {  	[tilespmem:s2+$0x10710] =	vst v1  }
0x14b: {  	[tilespmem:s2+$0x10720] =	vst v4  }
0x14c: {  	[tilespmem:s2+$0xF740] =	vst v2  }
0x14d: {  	[tilespmem:s2+$0x10730] =	vst v5  }
0x14e: {  	s20 =	simm.s32 $0x10710;
	s29 =	simm.s32 $0xF710;
	[tilespmem:s2+$0x10750] =	vst v3;
	s2 =	simm.s32 $0x6  }
0x14f: {  	[spmem:s7] =	stream.indirect.scatter.add.f32 [tilespmem:s29], [sflag:$0x7], $0x1, s20, s4, $0xb8;
	[tilespmem:$0x11090] =	vst v63  }
0x150: {  	_ =	swait.ge [sflag:s2], $0x7D0  }
0x151: {  	[sflag:s2] =	ssyncset.done $0x0  }
0x152: {  	s3 =	simm.s32 $0x7;
	[sflag:s2] =	ssyncadd.s32 $0xFFFFF830  }
0x153: {  	_ =	swait.ge [sflag:s3], $0x7D0  }
0x154: {  	[sflag:s3] =	ssyncset.done $0x0  }
0x155: {  	[sflag:s3] =	ssyncadd.s32 $0xFFFFF830  }
0x156: {  	[bflag:$0x0] =	sbarrier.arrive $0xFFFF  }
0x157: {  	s29 =	simm.s32 $0x7D10;
	s3 =	simm.s32 $0x8;
	s20 =	rddreg [dreg:$0x1d]  }
0x158: {  	[tilespmem:s29], [sflag:$0x8] =	stream.linear.gather [spmem:s20], $0xC80, $0x38;
	[tilespmem:$0x11090] =	vst v63  }
0x159: {  	_ =	swait.ge [sflag:s3], $0xC80  }
0x15a: {  	[sflag:s3] =	ssyncset.done $0x0  }
0x15b: {  	s20 =	simm.s32 $0x0;
	[sflag:s3] =	ssyncadd.s32 $0xFFFFF380  }
0x15c: {  	v1 =	vld [tilespmem:s20+$0x3E90]  }
0x15d: {  	v2 =	vld [tilespmem:s20+$0x7D10];
	_ =	sdelay $0x3  }
0x15e: {  	s29 =	simm.s32 $0x10  }
0x15f: {  	v3 =	vld [tilespmem:s29+$0x7D10];
	v1 =	vsub.f32 v1, v2  }
0x160: {  	s3 =	rddreg [dreg:$0xa];
	v2 =	vld [tilespmem:s29+$0x3E90]  }
0x161: {  	p2 =	slt.u32 s3, $0xC350;
	v1 =	vand.u32 $0x7FFFFFFF, v1  }
0x162: {  	v4 =	vimm.f32 $0.0e+00;
	v1 =	vpsel !p2, $0x0, v1  }
0x163: {  	s1 =	simm.s32 $0x80;
	s2 =	smov.u32 s3;
	v1 =	vadd.f32 v1, v4  }
.LBB2_44:
0x164: {  	s3 =	sshra.s32 s1, $0x2;
	p2 =	sne.s32 s1, $0x31C0  }
.Ltmp11:
0x165: {  	s1 =	sadd.s32 $0x40, s1;
	v4 =	vsub.f32 v2, v3;
	v2 =	vld [tilespmem:s3+$0x3E90];
	(pc) =	sbr.rel @p2 .LBB2_44-.Ltmp11, $4  }
0x166: {  	s2 =	sadd.s32 $0x10, s2;
	v3 =	vld [tilespmem:s3+$0x7D10]  }
0x167: {  	p3 =	slt.u32 s2, $0xC350;
	v4 =	vand.u32 $0x7FFFFFFF, v4  }
0x168: {  	v4 =	vpsel !p3, $0x0, v4  }
0x169: {  	v1 =	vadd.f32 v4, v1  }
0x16a: {  	_ = 	snop  }
0x16b: {  	v2 =	vsub.f32 v2, v3  }
0x16c: {  	s1 =	sadd.s32 $0x10, s2  }
0x16d: {  	p2 =	slt.u32 s1, $0xC350;
	v2 =	vand.u32 $0x7FFFFFFF, v2  }
0x16e: {  	v2 =	vpsel !p2, $0x0, v2  }
0x16f: {  	v1 =	vadd.f32 v2, v1;
	_ =	sdelay $0x1  }
0x170: {  	s2 =	rddreg [dreg:$0x17];
	s3 =	simm.s32 $0x9610;
	s20 =	simm.s32 $0x8;
	[tilespmem:$0x9610] =	vst v1  }
0x171: {  	[spmem:s2] =	stream.linear.scatter [tilespmem:s3], [sflag:$0x8], $0x10, $0x38;
	[tilespmem:$0x11090] =	vst v63  }
0x172: {  	_ =	swait.ge [sflag:s20], $0x10  }
0x173: {  	[sflag:s20] =	ssyncset.done $0x0  }
0x174: {  	[sflag:s20] =	ssyncadd.s32 $0xFFFFFFF0  }
0x175: {  	[bflag:$0x0] =	sbarrier.arrive $0xFFFF  }
0x176: {  	s1 =	simm.s32 @!p1 $0x10F10;
	s2 =	rddreg [dreg:$0x8]  }
0x177: {  	[tilespmem:s1], [sflag:$0x8] =	stream.linear.gather @!p1 [spmem:s2], $0x100, $0x38;
	[tilespmem:$0x11090] =	vst v63  }
0x178: {  	s1 =	simm.s32 @!p1 $0x8  }
0x179: {  	_ =	swait.ge @!p1 [sflag:s1], $0x100  }
0x17a: {  	[sflag:s1] =	ssyncset.done @!p1 $0x0  }
0x17b: {  	[sflag:s1] =	ssyncadd.s32 @!p1 $0xFFFFFF00  }
0x17c: {  	v1 =	vld @!p1 [tilespmem:$0x10F10];
	_ =	sdelay $0x1  }
0x17d: {  	v2 =	vld @!p1 [tilespmem:$0x10F20];
	_ =	sdelay $0x1  }
0x17e: {  	v3 =	vld @!p1 [tilespmem:$0x10F30]  }
0x17f: {  	v1 =	vadd.f32 @!p1 $0.0e+00, v1  }
0x180: {  	v4 =	vld @!p1 [tilespmem:$0x10F40]  }
0x181: {  	v1 =	vadd.f32 @!p1 v2, v1  }
0x182: {  	v2 =	vld @!p1 [tilespmem:$0x10F50]  }
0x183: {  	v1 =	vadd.f32 @!p1 v3, v1  }
0x184: {  	v3 =	vld @!p1 [tilespmem:$0x10F60]  }
0x185: {  	v1 =	vadd.f32 @!p1 v4, v1  }
0x186: {  	v4 =	vld @!p1 [tilespmem:$0x10F70]  }
0x187: {  	v1 =	vadd.f32 @!p1 v2, v1  }
0x188: {  	v2 =	vld @!p1 [tilespmem:$0x10F80]  }
0x189: {  	v1 =	vadd.f32 @!p1 v3, v1  }
0x18a: {  	v3 =	vld @!p1 [tilespmem:$0x10F90]  }
0x18b: {  	v1 =	vadd.f32 @!p1 v4, v1  }
0x18c: {  	v4 =	vld @!p1 [tilespmem:$0x10FA0]  }
0x18d: {  	v1 =	vadd.f32 @!p1 v2, v1  }
0x18e: {  	v2 =	vld @!p1 [tilespmem:$0x10FB0]  }
0x18f: {  	v1 =	vadd.f32 @!p1 v3, v1  }
0x190: {  	v3 =	vld @!p1 [tilespmem:$0x10FC0]  }
0x191: {  	v1 =	vadd.f32 @!p1 v4, v1  }
0x192: {  	v4 =	vld @!p1 [tilespmem:$0x10FD0]  }
0x193: {  	v1 =	vadd.f32 @!p1 v2, v1  }
0x194: {  	v2 =	vld @!p1 [tilespmem:$0x10FE0]  }
0x195: {  	v1 =	vadd.f32 @!p1 v3, v1  }
0x196: {  	v3 =	vld @!p1 [tilespmem:$0x10FF0]  }
0x197: {  	v1 =	vadd.f32 @!p1 v4, v1  }
0x198: {  	v4 =	vld @!p1 [tilespmem:$0x11000]  }
0x199: {  	v1 =	vadd.f32 @!p1 v2, v1;
	_ =	sdelay $0x1  }
0x19a: {  	s2 =	sld [smem:$0x7FC];
	v1 =	vadd.f32 @!p1 v3, v1;
	_ =	sdelay $0x1  }
0x19b: {  	v1 =	vadd.f32 @!p1 v4, v1  }
0x19c: {  	s3 =	rddreg [dreg:$0x19];
	s2 =	sshll.u32 @!p1 s2, $0x1  }
0x19d: {  	s20 =	simm.s32 @!p1 $0x9610;
	s2 =	sadd.s32 @!p1 s3, s2;
	s3 =	simm.s32 @!p1 $0x0;
	[tilespmem:$0x9610] =	vst @!p1 v1  }
0x19e: {  	[hbm4b:s2+s3] =	stream.linear.scatter @!p1 [tilespmem:s20], [sflag:$0x8], $0x10, $0x38;
	[tilespmem:$0x11090] =	vst v63  }
0x19f: {  	_ =	swait.ge @!p1 [sflag:s1], $0x10  }
0x1a0: {  	s29 =	sld [smem:$0x7FB];
	_ =	sdelay $0x2  }
0x1a1: {  	p2 =	sne.s32 s29, $0xB  }
.Ltmp12:
0x1a2: {  	[sflag:s1] =	ssyncset.done @!p1 $0x0;
	(pc) =	sbr.rel @p2 .LBB2_30-.Ltmp12, $4  }
.Ltmp13:
0x1a3: {  	[sflag:s1] =	ssyncadd.s32 @!p1 $0xFFFFFFF0;
	(pc) =	sbr.rel @!p2 .LBB2_46-.Ltmp13, $4  }
0x1a4: {  	[bflag:$0x0] =	sbarrier.arrive $0xFFFF  }
0x1a5: {  	[smem:$0x7FC] =	sst s29  }
0x1a6: {  	s20 =	rddreg [dreg:$0x1]  }
0x1a7: {  	_ = 	snop  }
.LBB2_2:
0x1a8: {  	v1 =	vimm.s32 @!p1 $0x0  }
0x1a9: {  	s1 =	simm.s32 @!p1 $0x0;
	s2 =	simm.s32 @!p1 $0x11010;
	s3 =	rddreg [dreg:$0x2];
	[tilespmem:$0x11010] =	vst @!p1 v1  }
0x1aa: {  	[hbm4b:s3+s1] =	stream.linear.scatter @!p1 [tilespmem:s2], [sflag:$0x8], $0x80, $0x38;
	[tilespmem:$0x11090] =	vst v63  }
0x1ab: {  	s1 =	simm.s32 @!p1 $0x8  }
0x1ac: {  	_ =	swait.ge @!p1 [sflag:s1], $0x80  }
0x1ad: {  	s20 =	simm.s32 $0x3E90;
	[sflag:s1] =	ssyncset.done @!p1 $0x0  }
0x1ae: {  	s3 =	rddreg [dreg:$0xb];
	[sflag:s1] =	ssyncadd.s32 @!p1 $0xFFFFFF80;
	s1 =	simm.s32 $0x0  }
0x1af: {  	[tilespmem:s20], [sflag:$0x8] =	stream.linear.gather [hbm4b:s3+s1], $0xC80, $0x38;
	[tilespmem:$0x11090] =	vst v63  }
0x1b0: {  	s3 =	simm.s32 $0x8  }
0x1b1: {  	_ =	swait.ge [sflag:s3], $0xC80  }
0x1b2: {  	[sflag:s3] =	ssyncset.done $0x0  }
0x1b3: {  	s20 =	simm.s32 $0xA290;
	s29 =	rddreg [dreg:$0xc];
	[sflag:s3] =	ssyncadd.s32 $0xFFFFF380  }
0x1b4: {  	[tilespmem:s20], [sflag:$0x8] =	stream.linear.gather [hbm4b:s29+s1], $0xC80, $0x38;
	[tilespmem:$0x11090] =	vst v63  }
0x1b5: {  	_ =	swait.ge [sflag:s3], $0xC80  }
0x1b6: {  	[sflag:s3] =	ssyncset.done $0x0  }
0x1b7: {  	s1 =	simm.s32 $0x0;
	[sflag:s3] =	ssyncadd.s32 $0xFFFFF380  }
0x1b8: {  	s2 =	simm.s32 $0x40;
	v1 =	vld [tilespmem:s1+$0xA290]  }
.LBB2_3:
0x1b9: {  	p2 =	sne.s32 s2, $0x31C0;
	v2 =	vld [tilespmem:s1+$0x3E90];
	[tilespmem:s1+$0x7090] =	vst v0;
	_ =	sdelay $0x2  }
.Ltmp14:
0x1ba: {  	(pc) =	sbr.rel @p2 .LBB2_3-.Ltmp14, $4  }
0x1bb: {  	_ = 	snop  }
0x1bc: {  	v2 =	vsub.f32 v2, v1  }
0x1bd: {  	s3 =	sshra.s32 s2, $0x2  }
0x1be: {  	s2 =	sadd.s32 $0x40, s2;
	v1 =	vld [tilespmem:s3+$0xA290];
	[tilespmem:s1+$0x3E90] =	vst v2;
	s1 =	smov.u32 s3  }
0x1bf: {  	v2 =	vld [tilespmem:s1+$0x3E90];
	_ =	sdelay $0x4  }
0x1c0: {  	v1 =	vsub.f32 v2, v1  }
0x1c1: {  	[tilespmem:s1+$0x7090] =	vst v0  }
0x1c2: {  	s2 =	rddreg [dreg:$0xd];
	s3 =	simm.s32 $0x4B10;
	[tilespmem:s1+$0x3E90] =	vst v1;
	s1 =	simm.s32 $0x0  }
0x1c3: {  	[tilespmem:s3], [sflag:$0x8] =	stream.linear.gather [hbm4b:s2+s1], $0xC80, $0x38;
	[tilespmem:$0x11090] =	vst v63  }
0x1c4: {  	s3 =	simm.s32 $0x8  }
0x1c5: {  	_ =	swait.ge [sflag:s3], $0xC80  }
0x1c6: {  	[sflag:s3] =	ssyncset.done $0x0  }
0x1c7: {  	s20 =	simm.s32 $0x6410;
	s29 =	rddreg [dreg:$0xe];
	[sflag:s3] =	ssyncadd.s32 $0xFFFFF380  }
0x1c8: {  	[tilespmem:s20], [sflag:$0x8] =	stream.linear.gather [hbm4b:s29+s1], $0xC80, $0x38;
	[tilespmem:$0x11090] =	vst v63  }
0x1c9: {  	_ =	swait.ge [sflag:s3], $0xC80  }
0x1ca: {  	[sflag:s3] =	ssyncset.done $0x0  }
0x1cb: {  	s1 =	simm.s32 $0x0;
	[sflag:s3] =	ssyncadd.s32 $0xFFFFF380  }
0x1cc: {  	s2 =	simm.s32 $0x40;
	v1 =	vld [tilespmem:s1+$0x4B10]  }
.LBB2_5:
0x1cd: {  	_ =	sdelay $0x1  }
0x1ce: {  	p2 =	sne.s32 s2, $0x31C0  }
.Ltmp15:
0x1cf: {  	_ = 	snop;
	(pc) =	sbr.rel @p2 .LBB2_5-.Ltmp15, $4  }
0x1d0: {  	vm0 =	vlt.f32 v1, $0.0e+00;
	vm1 =	vgt.f32 v1, $0.0e+00  }
0x1d1: {  	v2 =	vmov v1;
	vm0 =	vmor vm1, vm0  }
0x1d2: {  	s3 =	sshra.s32 s2, $0x2;
	v2 =	vnsel vm0, $0x3F800000, v2  }
0x1d3: {  	s2 =	sadd.s32 $0x40, s2;
	v1 =	vld [tilespmem:s3+$0x4B10];
	[tilespmem:s1+$0x5790] =	vst v2;
	s1 =	smov.u32 s3  }
0x1d4: {  	_ =	sdelay $0x3  }
0x1d5: {  	vm0 =	vlt.f32 v1, $0.0e+00;
	vm1 =	vgt.f32 v1, $0.0e+00  }
.Ltmp16:
0x1d6: {  	vm0 =	vmor vm1, vm0;
	(pc) =	sbr.rel .LBB2_7-.Ltmp16, $4  }
0x1d7: {  	v1 =	vnsel vm0, $0x3F800000, v1  }
0x1d8: {  	[tilespmem:s1+$0x5790] =	vst v1  }
0x1d9: {  	[bflag:$0x0] =	sbarrier.arrive $0xFFFF  }
0x1da: {  	s3 =	simm.s32 $0x0  }
.LBB2_26:
0x1db: {  	s29 =	sld [smem:$0x7FD];
	_ =	sdelay $0x2  }
0x1dc: {  	s1 =	sadd.s32 $0x1, s29  }
0x1dd: {  	s2 =	sand.u32 $0x1, s1  }
0x1de: {  	p2 =	seq.s32 s2, $0x1;
	s2 =	rddreg [dreg:$0x12];
	[bflag:$0x0] =	sbarrier.arrive $0xFFFF  }
0x1df: {  	s3 =	rddreg [dreg:$0x13]  }
0x1e0: {  	s2 =	smov.u32 @p2 s3;
	s3 =	simm.s32 $0xA290  }
0x1e1: {  	[hbm4b:s2+s10] =	stream.linear.scatter [tilespmem:s3], [sflag:$0x9], $0xC80, $0x38;
	[tilespmem:$0x11090] =	vst v63  }
0x1e2: {  	_ =	swait.ge [sflag:s21], $0xC80  }
0x1e3: {  	[sflag:s21] =	ssyncset.done $0x0  }
0x1e4: {  	s2 =	sadd.s32 @!p1 $0x4190AB02, s29;
	[sflag:s21] =	ssyncadd.s32 $0xFFFFF380  }
0x1e5: {  	v1 =	vmov @!p1 s2;
	[bflag:$0x0] =	sbarrier.arrive $0xFFFF  }
0x1e6: {  	p2 =	seq.s32 s1, $0xB;
	s3 =	simm.s32 @!p1 $0x11010;
	s2 =	simm.s32 @!p1 $0x0;
	[tilespmem:$0x11010] =	vst @!p1 v1  }
0x1e7: {  	[hbm4b:s20+s2] =	stream.linear.scatter @!p1 [tilespmem:s3], [sflag:$0x8], $0x80, $0x38;
	[tilespmem:$0x11090] =	vst v63  }
.Ltmp17:
0x1e8: {  	_ = 	snop;
	(pc) =	sbr.rel @p2 .LBB2_46-.Ltmp17, $4  }
0x1e9: {  	s2 =	simm.s32 @!p1 $0x8  }
0x1ea: {  	_ =	swait.ge @!p1 [sflag:s2], $0x80  }
0x1eb: {  	[sflag:s2] =	ssyncset.done @!p1 $0x0  }
0x1ec: {  	s3 =	smov.u32 s1;
	[sflag:s2] =	ssyncadd.s32 @!p1 $0xFFFFFF80  }
.LBB2_7:
0x1ed: {  	s1 =	rddreg [dreg:$0x1a];
	s2 =	simm.s32 $0x7090;
	p2 =	seq.s32 s3, $0x0  }
0x1ee: {  	[spmem:s1] =	stream.linear.scatter [tilespmem:s2], [sflag:$0x9], $0xC80, $0x38;
	[tilespmem:$0x11090] =	vst v63  }
.Ltmp18:
0x1ef: {  	_ =	swait.ge [sflag:s21], $0xC80;
	(pc) =	sbr.rel @p2 .LBB2_19-.Ltmp18, $3  }
0x1f0: {  	[sflag:s21] =	ssyncset.done $0x0  }
0x1f1: {  	[smem:$0x7FD] =	sst s3;
	[sflag:s21] =	ssyncadd.s32 $0xFFFFF380  }
0x1f2: {  	[bflag:$0x0] =	sbarrier.arrive $0xFFFF;
	_ =	sdelay $0x1  }
0x1f3: {  	s20 =	simm.s32 $0x0;
	s1 =	rddreg [dreg:$0xf]  }
0x1f4: {  	[tilespmem:s30], [sflag:$0x2] =	stream.linear.gather [hbm4b:s1+s20], $0x7D0, $0x38;
	[tilespmem:$0x11090] =	vst v63  }
0x1f5: {  	s29 =	rddreg [dreg:$0x10];
	s2 =	simm.s32 $0xBF10  }
0x1f6: {  	[tilespmem:s2], [sflag:$0x2] =	stream.linear.gather [hbm4b:s29+s20], $0x7D0, $0x38;
	[tilespmem:$0x11090] =	vst v63  }
0x1f7: {  	s3 =	rddreg [dreg:$0x11];
	s29 =	simm.s32 $0xCF10  }
0x1f8: {  	[tilespmem:s29], [sflag:$0x2] =	stream.linear.gather [hbm4b:s3+s20], $0x7D0, $0x38;
	[tilespmem:$0x11090] =	vst v63  }
.LBB2_9:
0x1f9: {  	_ =	swait.ge [sflag:s31], $0x7D0  }
0x1fa: {  	[sflag:s31] =	ssyncset.done $0x0  }
0x1fb: {  	[sflag:s31] =	ssyncadd.s32 $0xFFFFF830  }
0x1fc: {  	_ =	swait.ge [sflag:s31], $0x7D0  }
0x1fd: {  	p2 =	seq.s32 s20, $0x0;
	[sflag:s31] =	ssyncset.done $0x0  }
.Ltmp19:
0x1fe: {  	[sflag:s31] =	ssyncadd.s32 $0xFFFFF830;
	(pc) =	sbr.rel @p2 .LBB2_13-.Ltmp19, $4  }
0x1ff: {  	_ =	swait.ge [sflag:s31], $0x7D0  }
0x200: {  	[sflag:s31] =	ssyncset.done $0x0  }
0x201: {  	[sflag:s31] =	ssyncadd.s32 $0xFFFFF830  }
0x202: {  	[tilespmem:s19], [sflag:$0x4] =	stream.indirect.gather [spmem:s5], $0x1, s30, s4, $0xb8;
	[tilespmem:$0x11090] =	vst v63  }
0x203: {  	_ =	swait.ge [sflag:s6], $0x7D0  }
0x204: {  	p3 =	seq.s32 s20, $0x1;
	[sflag:s6] =	ssyncset.done $0x0  }
0x205: {  	s1 =	simm.s32 @!p3 $0x7;
	[sflag:s6] =	ssyncadd.s32 $0xFFFFF830  }
0x206: {  	_ =	swait.ge @!p3 [sflag:s1], $0x7D0  }
0x207: {  	[sflag:s1] =	ssyncset.done @!p3 $0x0  }
0x208: {  	s3 =	simm.s32 $0x0;
	[sflag:s1] =	ssyncadd.s32 @!p3 $0xFFFFF830  }
0x209: {  	v1 =	vld [tilespmem:s3+$0xE750]  }
0x20a: {  	v2 =	vld [tilespmem:s3+$0xD750]  }
0x20b: {  	v3 =	vld [tilespmem:s3+$0xE710]  }
0x20c: {  	v4 =	vld [tilespmem:s3+$0xD710]  }
0x20d: {  	v5 =	vld [tilespmem:s3+$0xE720]  }
0x20e: {  	v6 =	vld [tilespmem:s3+$0xD720]  }
0x20f: {  	v7 =	vld [tilespmem:s3+$0xE730]  }
0x210: {  	v1 =	vmul.f32 v2, v1;
	v2 =	vld [tilespmem:s3+$0xD730]  }
0x211: {  	v8 =	vld [tilespmem:s3+$0xE740];
	v3 =	vmul.f32 v4, v3  }
0x212: {  	v9 =	vld [tilespmem:s3+$0xD740]  }
0x213: {  	v10 =	vld [tilespmem:s3+$0xC710];
	[tilespmem:s3+$0xF710] =	vst v3;
	v3 =	vmul.f32 v6, v5  }
0x214: {  	v4 =	vld [tilespmem:s3+$0xC730];
	[tilespmem:s3+$0xF750] =	vst v1  }
0x215: {  	v1 =	vld [tilespmem:s3+$0xC720];
	[tilespmem:s3+$0xF720] =	vst v3;
	v3 =	vmul.f32 v2, v7  }
0x216: {  	v5 =	vld [tilespmem:s3+$0xC750]  }
0x217: {  	s1 =	simm.s32 $0x50;
	v6 =	vmul.f32 v9, v8;
	v2 =	vld [tilespmem:s3+$0xC740];
	[tilespmem:s3+$0xF730] =	vst v3  }
0x218: {  	s2 =	simm.s32 $0x280;
	v3 =	vld [tilespmem:s1+$0xE750];
	[tilespmem:s3+$0x10710] =	vst v10  }
.LBB2_11:
0x219: {  	p3 =	sne.s32 s2, $0x1E00;
	v7 =	vld [tilespmem:s1+$0xD750];
	[tilespmem:s3+$0xF740] =	vst v6  }
0x21a: {  	v6 =	vld [tilespmem:s1+$0xE710];
	[tilespmem:s3+$0x10720] =	vst v1  }
0x21b: {  	v1 =	vld [tilespmem:s1+$0xD710];
	[tilespmem:s3+$0x10730] =	vst v4  }
0x21c: {  	v4 =	vld [tilespmem:s1+$0xE720];
	[tilespmem:s3+$0x10740] =	vst v2  }
0x21d: {  	v2 =	vld [tilespmem:s1+$0xD720];
	[tilespmem:s3+$0x10750] =	vst v5;
	s3 =	smov.u32 s1  }
0x21e: {  	v5 =	vld [tilespmem:s3+$0xE730];
	v3 =	vmul.f32 v7, v3  }
0x21f: {  	v7 =	vld [tilespmem:s3+$0xD730]  }
0x220: {  	v1 =	vmul.f32 v1, v6;
	v6 =	vld [tilespmem:s3+$0xE740];
	[tilespmem:s3+$0xF750] =	vst v3  }
0x221: {  	v3 =	vld [tilespmem:s3+$0xD740]  }
0x222: {  	[tilespmem:s3+$0xF710] =	vst v1;
	v8 =	vld [tilespmem:s3+$0xC710];
	v2 =	vmul.f32 v2, v4  }
.Ltmp20:
0x223: {  	v1 =	vld [tilespmem:s3+$0xC720];
	(pc) =	sbr.rel @p3 .LBB2_11-.Ltmp20, $4  }
0x224: {  	[tilespmem:s3+$0xF720] =	vst v2;
	v5 =	vmul.f32 v7, v5;
	v4 =	vld [tilespmem:s3+$0xC730]  }
0x225: {  	v2 =	vld [tilespmem:s3+$0xC740]  }
0x226: {  	s1 =	sshra.s32 s2, $0x2;
	[tilespmem:s3+$0xF730] =	vst v5;
	v6 =	vmul.f32 v3, v6;
	v5 =	vld [tilespmem:s3+$0xC750]  }
0x227: {  	s2 =	sadd.s32 $0x140, s2;
	v3 =	vld [tilespmem:s1+$0xE750];
	[tilespmem:s3+$0x10710] =	vst v8  }
0x228: {  	v7 =	vld [tilespmem:s1+$0xD750];
	[tilespmem:s3+$0xF740] =	vst v6  }
0x229: {  	v6 =	vld [tilespmem:s1+$0xE710];
	[tilespmem:s3+$0x10720] =	vst v1  }
0x22a: {  	v1 =	vld [tilespmem:s1+$0xD710];
	[tilespmem:s3+$0x10730] =	vst v4  }
0x22b: {  	v4 =	vld [tilespmem:s1+$0xE720];
	[tilespmem:s3+$0x10740] =	vst v2  }
0x22c: {  	v2 =	vld [tilespmem:s1+$0xD720];
	[tilespmem:s3+$0x10750] =	vst v5  }
0x22d: {  	v5 =	vld [tilespmem:s1+$0xE730]  }
0x22e: {  	v60 =	vld [tilespmem:s1+$0xD730]  }
0x22f: {  	v3 =	vmul.f32 v7, v3;
	v8 =	vld [tilespmem:s1+$0xE740]  }
0x230: {  	v61 =	vld [tilespmem:s1+$0xC720]  }
0x231: {  	v1 =	vmul.f32 v1, v6;
	[tilespmem:s1+$0xF750] =	vst v3;
	v3 =	vld [tilespmem:s1+$0xD740]  }
0x232: {  	v62 =	vld [tilespmem:s1+$0xC730];
	v2 =	vmul.f32 v2, v4  }
0x233: {  	v63 =	vld [tilespmem:s1+$0xC740];
	[tilespmem:s1+$0xF710] =	vst v1  }
0x234: {  	v1 =	vld [tilespmem:s1+$0xC710];
	[tilespmem:s1+$0xF720] =	vst v2;
	v2 =	vmul.f32 v60, v5  }
0x235: {  	[tilespmem:s1+$0x10720] =	vst v61  }
0x236: {  	[tilespmem:s1+$0xF730] =	vst v2;
	v2 =	vmul.f32 v3, v8;
	v3 =	vld [tilespmem:s1+$0xC750]  }
0x237: {  	[tilespmem:s1+$0x10730] =	vst v62  }
0x238: {  	[tilespmem:s1+$0x10740] =	vst v63  }
0x239: {  	[tilespmem:s1+$0x10710] =	vst v1  }
0x23a: {  	[tilespmem:s1+$0xF740] =	vst v2  }
0x23b: {  	s2 =	simm.s32 $0x10710;
	s29 =	simm.s32 $0xF710;
	s3 =	rddreg [dreg:$0x3];
	[tilespmem:s1+$0x10750] =	vst v3  }
0x23c: {  	[spmem:s3] =	stream.indirect.scatter.add.f32 [tilespmem:s29], [sflag:$0x7], $0x1, s2, s4, $0xb8;
	[tilespmem:$0x11090] =	vst v63  }
.LBB2_13:
0x23d: {  	s1 =	smul.u32 $0xFA0, s20;
	_ =	sdelay $0x1  }
0x23e: {  	s3 =	sadd.s32 s15, s1  }
0x23f: {  	s1 =	sshrl.u32 s3, $0x3  }
0x240: {  	s1 =	sadd.s32 $0xFA, s1  }
0x241: {  	s2 =	sadd.s32 s11, s1  }
0x242: {  	[tilespmem:s17], [sflag:$0x3] =	stream.linear.gather [hbm4b:s2+s10], $0x7D0, $0x38;
	[tilespmem:$0x11090] =	vst v63  }
0x243: {  	s2 =	sadd.s32 s13, s1  }
0x244: {  	[tilespmem:s18], [sflag:$0x3] =	stream.linear.gather [hbm4b:s2+s10], $0x7D0, $0x38;
	[tilespmem:$0x11090] =	vst v63  }
0x245: {  	s1 =	sadd.s32 s14, s1  }
0x246: {  	[tilespmem:s9], [sflag:$0x3] =	stream.linear.gather [hbm4b:s1+s10], $0x7D0, $0x38;
	[tilespmem:$0x11090] =	vst v63  }
0x247: {  	_ =	swait.ge [sflag:s22], $0x7D0  }
0x248: {  	[sflag:s22] =	ssyncset.done $0x0  }
0x249: {  	[sflag:s22] =	ssyncadd.s32 $0xFFFFF830  }
0x24a: {  	_ =	swait.ge [sflag:s22], $0x7D0  }
0x24b: {  	[sflag:s22] =	ssyncset.done $0x0  }
0x24c: {  	[sflag:s22] =	ssyncadd.s32 $0xFFFFF830  }
0x24d: {  	_ =	swait.ge [sflag:s22], $0x7D0  }
0x24e: {  	[sflag:s22] =	ssyncset.done $0x0  }
0x24f: {  	[sflag:s22] =	ssyncadd.s32 $0xFFFFF830  }
0x250: {  	[tilespmem:s25], [sflag:$0x5] =	stream.indirect.gather [spmem:s5], $0x1, s17, s4, $0xb8;
	[tilespmem:$0x11090] =	vst v63  }
0x251: {  	_ =	swait.ge [sflag:s12], $0x7D0  }
0x252: {  	[sflag:s12] =	ssyncset.done $0x0  }
0x253: {  	s1 =	simm.s32 @!p2 $0x6;
	[sflag:s12] =	ssyncadd.s32 $0xFFFFF830  }
0x254: {  	_ =	swait.ge @!p2 [sflag:s1], $0x7D0  }
0x255: {  	[sflag:s1] =	ssyncset.done @!p2 $0x0  }
0x256: {  	[sflag:s1] =	ssyncadd.s32 @!p2 $0xFFFFF830;
	s1 =	simm.s32 $0x0  }
0x257: {  	v1 =	vld [tilespmem:s1+$0xDF50]  }
0x258: {  	v2 =	vld [tilespmem:s1+$0xCF50]  }
0x259: {  	v3 =	vld [tilespmem:s1+$0xDF10]  }
0x25a: {  	v4 =	vld [tilespmem:s1+$0xCF10]  }
0x25b: {  	v5 =	vld [tilespmem:s1+$0xDF20]  }
0x25c: {  	v6 =	vld [tilespmem:s1+$0xCF20]  }
0x25d: {  	v7 =	vld [tilespmem:s1+$0xDF30]  }
0x25e: {  	v1 =	vmul.f32 v2, v1;
	v2 =	vld [tilespmem:s1+$0xCF30]  }
0x25f: {  	v8 =	vld [tilespmem:s1+$0xDF40];
	v3 =	vmul.f32 v4, v3  }
0x260: {  	v9 =	vld [tilespmem:s1+$0xCF40]  }
0x261: {  	v10 =	vld [tilespmem:s1+$0xBF10];
	[tilespmem:s1+$0xEF10] =	vst v3;
	v3 =	vmul.f32 v6, v5  }
0x262: {  	v4 =	vld [tilespmem:s1+$0xBF30];
	[tilespmem:s1+$0xEF50] =	vst v1  }
0x263: {  	v1 =	vld [tilespmem:s1+$0xBF20];
	[tilespmem:s1+$0xEF20] =	vst v3;
	v3 =	vmul.f32 v2, v7  }
0x264: {  	v5 =	vld [tilespmem:s1+$0xBF50]  }
0x265: {  	s2 =	simm.s32 $0x50;
	v6 =	vmul.f32 v9, v8;
	v2 =	vld [tilespmem:s1+$0xBF40];
	[tilespmem:s1+$0xEF30] =	vst v3  }
0x266: {  	s29 =	simm.s32 $0x280;
	v3 =	vld [tilespmem:s2+$0xDF50];
	[tilespmem:s1+$0xFF10] =	vst v10  }
.LBB2_14:
0x267: {  	p2 =	sne.s32 s29, $0x1E00;
	v7 =	vld [tilespmem:s2+$0xCF50];
	[tilespmem:s1+$0xEF40] =	vst v6  }
0x268: {  	v6 =	vld [tilespmem:s2+$0xDF10];
	[tilespmem:s1+$0xFF20] =	vst v1  }
0x269: {  	v1 =	vld [tilespmem:s2+$0xCF10];
	[tilespmem:s1+$0xFF30] =	vst v4  }
0x26a: {  	v4 =	vld [tilespmem:s2+$0xDF20];
	[tilespmem:s1+$0xFF40] =	vst v2  }
0x26b: {  	v2 =	vld [tilespmem:s2+$0xCF20];
	[tilespmem:s1+$0xFF50] =	vst v5;
	s1 =	smov.u32 s2  }
0x26c: {  	v5 =	vld [tilespmem:s1+$0xDF30];
	v3 =	vmul.f32 v7, v3  }
0x26d: {  	v7 =	vld [tilespmem:s1+$0xCF30]  }
0x26e: {  	v1 =	vmul.f32 v1, v6;
	v6 =	vld [tilespmem:s1+$0xDF40];
	[tilespmem:s1+$0xEF50] =	vst v3  }
0x26f: {  	v3 =	vld [tilespmem:s1+$0xCF40]  }
0x270: {  	[tilespmem:s1+$0xEF10] =	vst v1;
	v8 =	vld [tilespmem:s1+$0xBF10];
	v2 =	vmul.f32 v2, v4  }
.Ltmp21:
0x271: {  	v1 =	vld [tilespmem:s1+$0xBF20];
	(pc) =	sbr.rel @p2 .LBB2_14-.Ltmp21, $4  }
0x272: {  	[tilespmem:s1+$0xEF20] =	vst v2;
	v5 =	vmul.f32 v7, v5;
	v4 =	vld [tilespmem:s1+$0xBF30]  }
0x273: {  	v2 =	vld [tilespmem:s1+$0xBF40]  }
0x274: {  	s2 =	sshra.s32 s29, $0x2;
	[tilespmem:s1+$0xEF30] =	vst v5;
	v6 =	vmul.f32 v3, v6;
	v5 =	vld [tilespmem:s1+$0xBF50]  }
0x275: {  	s29 =	sadd.s32 $0x140, s29;
	v3 =	vld [tilespmem:s2+$0xDF50];
	[tilespmem:s1+$0xFF10] =	vst v8  }
0x276: {  	v7 =	vld [tilespmem:s2+$0xCF50];
	[tilespmem:s1+$0xEF40] =	vst v6  }
0x277: {  	v6 =	vld [tilespmem:s2+$0xDF10];
	[tilespmem:s1+$0xFF20] =	vst v1  }
0x278: {  	v1 =	vld [tilespmem:s2+$0xCF10];
	[tilespmem:s1+$0xFF30] =	vst v4  }
0x279: {  	v4 =	vld [tilespmem:s2+$0xDF20];
	[tilespmem:s1+$0xFF40] =	vst v2  }
0x27a: {  	v2 =	vld [tilespmem:s2+$0xCF20];
	[tilespmem:s1+$0xFF50] =	vst v5  }
0x27b: {  	v5 =	vld [tilespmem:s2+$0xDF30]  }
0x27c: {  	v60 =	vld [tilespmem:s2+$0xCF30]  }
0x27d: {  	v3 =	vmul.f32 v7, v3;
	v8 =	vld [tilespmem:s2+$0xDF40]  }
0x27e: {  	v61 =	vld [tilespmem:s2+$0xBF20]  }
0x27f: {  	v1 =	vmul.f32 v1, v6;
	[tilespmem:s2+$0xEF50] =	vst v3;
	v3 =	vld [tilespmem:s2+$0xCF40]  }
0x280: {  	v62 =	vld [tilespmem:s2+$0xBF30];
	v2 =	vmul.f32 v2, v4  }
0x281: {  	v63 =	vld [tilespmem:s2+$0xBF40];
	[tilespmem:s2+$0xEF10] =	vst v1  }
0x282: {  	v1 =	vld [tilespmem:s2+$0xBF10];
	[tilespmem:s2+$0xEF20] =	vst v2;
	v2 =	vmul.f32 v60, v5  }
0x283: {  	[tilespmem:s2+$0xFF20] =	vst v61  }
0x284: {  	[tilespmem:s2+$0xEF30] =	vst v2;
	v2 =	vmul.f32 v3, v8;
	v3 =	vld [tilespmem:s2+$0xBF50]  }
0x285: {  	[tilespmem:s2+$0xFF30] =	vst v62  }
0x286: {  	[tilespmem:s2+$0xFF40] =	vst v63  }
0x287: {  	p2 =	seq.s32 s20, $0xC;
	[tilespmem:s2+$0xFF10] =	vst v1  }
0x288: {  	s1 =	sshrl.u32 @!p2 s3, $0x3;
	[tilespmem:s2+$0xEF40] =	vst v2  }
0x289: {  	s29 =	rddreg [dreg:$0x3];
	s1 =	sadd.s32 @!p2 $0x1F4, s1;
	[tilespmem:s2+$0xFF50] =	vst v3  }
0x28a: {  	[spmem:s29] =	stream.indirect.scatter.add.f32 [tilespmem:s24], [sflag:$0x6], $0x1, s16, s4, $0xb8;
	[tilespmem:$0x11090] =	vst v63  }
0x28b: {  	s3 =	simm.s32 @!p2 $0x0;
	s2 =	sadd.s32 @!p2 s11, s1;
	s29 =	simm.s32 @!p2 $0xAF10  }
0x28c: {  	[tilespmem:s29], [sflag:$0x2] =	stream.linear.gather @!p2 [hbm4b:s2+s3], $0x7D0, $0x38;
	[tilespmem:$0x11090] =	vst v63  }
0x28d: {  	s20 =	sadd.s32 @!p2 $0x1, s20;
	s2 =	sadd.s32 @!p2 s13, s1;
	s29 =	simm.s32 @!p2 $0xBF10  }
0x28e: {  	[tilespmem:s29], [sflag:$0x2] =	stream.linear.gather @!p2 [hbm4b:s2+s3], $0x7D0, $0x38;
	[tilespmem:$0x11090] =	vst v63  }
0x28f: {  	p3 =	sne.s32 @!p2 s20, $0xD;
	s1 =	sadd.s32 @!p2 s14, s1;
	s2 =	simm.s32 @!p2 $0xCF10  }
0x290: {  	[tilespmem:s2], [sflag:$0x2] =	stream.linear.gather @!p2 [hbm4b:s1+s3], $0x7D0, $0x38;
	[tilespmem:$0x11090] =	vst v63  }
0x291: {  	p2 =	por p2, !p3  }
.Ltmp22:
0x292: {  	_ = 	snop;
	(pc) =	sbr.rel @!p2 .LBB2_9-.Ltmp22, $1  }
0x293: {  	_ =	sdelay $0x3  }
0x294: {  	_ =	swait.ge [sflag:s6], $0x7D0  }
0x295: {  	[sflag:s6] =	ssyncset.done $0x0  }
0x296: {  	s1 =	simm.s32 $0x7;
	[sflag:s6] =	ssyncadd.s32 $0xFFFFF830  }
0x297: {  	_ =	swait.ge [sflag:s1], $0x7D0  }
0x298: {  	[sflag:s1] =	ssyncset.done $0x0  }
0x299: {  	[sflag:s1] =	ssyncadd.s32 $0xFFFFF830;
	s1 =	simm.s32 $0x0  }
0x29a: {  	v1 =	vld [tilespmem:s1+$0xE750]  }
0x29b: {  	v2 =	vld [tilespmem:s1+$0xD750]  }
0x29c: {  	v3 =	vld [tilespmem:s1+$0xE710]  }
0x29d: {  	v4 =	vld [tilespmem:s1+$0xD710]  }
0x29e: {  	v5 =	vld [tilespmem:s1+$0xE720]  }
0x29f: {  	v6 =	vld [tilespmem:s1+$0xD720]  }
0x2a0: {  	v7 =	vld [tilespmem:s1+$0xE730]  }
0x2a1: {  	v1 =	vmul.f32 v2, v1;
	v2 =	vld [tilespmem:s1+$0xD730]  }
0x2a2: {  	v8 =	vld [tilespmem:s1+$0xE740];
	v3 =	vmul.f32 v4, v3  }
0x2a3: {  	v9 =	vld [tilespmem:s1+$0xD740]  }
0x2a4: {  	v10 =	vld [tilespmem:s1+$0xC710];
	[tilespmem:s1+$0xF710] =	vst v3;
	v3 =	vmul.f32 v6, v5  }
0x2a5: {  	v4 =	vld [tilespmem:s1+$0xC730];
	[tilespmem:s1+$0xF750] =	vst v1  }
0x2a6: {  	v1 =	vld [tilespmem:s1+$0xC720];
	[tilespmem:s1+$0xF720] =	vst v3;
	v3 =	vmul.f32 v2, v7  }
0x2a7: {  	v5 =	vld [tilespmem:s1+$0xC750]  }
0x2a8: {  	s2 =	simm.s32 $0x50;
	v6 =	vmul.f32 v9, v8;
	v2 =	vld [tilespmem:s1+$0xC740];
	[tilespmem:s1+$0xF730] =	vst v3  }
0x2a9: {  	s3 =	simm.s32 $0x280;
	v3 =	vld [tilespmem:s2+$0xE750];
	[tilespmem:s1+$0x10710] =	vst v10  }
.LBB2_17:
0x2aa: {  	p2 =	sne.s32 s3, $0x1E00;
	v7 =	vld [tilespmem:s2+$0xD750];
	[tilespmem:s1+$0xF740] =	vst v6  }
0x2ab: {  	v6 =	vld [tilespmem:s2+$0xE710];
	[tilespmem:s1+$0x10720] =	vst v1  }
0x2ac: {  	v1 =	vld [tilespmem:s2+$0xD710];
	[tilespmem:s1+$0x10730] =	vst v4  }
0x2ad: {  	v4 =	vld [tilespmem:s2+$0xE720];
	[tilespmem:s1+$0x10740] =	vst v2  }
0x2ae: {  	v2 =	vld [tilespmem:s2+$0xD720];
	[tilespmem:s1+$0x10750] =	vst v5;
	s1 =	smov.u32 s2  }
0x2af: {  	v5 =	vld [tilespmem:s1+$0xE730];
	v3 =	vmul.f32 v7, v3  }
0x2b0: {  	v7 =	vld [tilespmem:s1+$0xD730]  }
0x2b1: {  	v1 =	vmul.f32 v1, v6;
	v6 =	vld [tilespmem:s1+$0xE740];
	[tilespmem:s1+$0xF750] =	vst v3  }
0x2b2: {  	v3 =	vld [tilespmem:s1+$0xD740]  }
0x2b3: {  	[tilespmem:s1+$0xF710] =	vst v1;
	v8 =	vld [tilespmem:s1+$0xC710];
	v2 =	vmul.f32 v2, v4  }
.Ltmp23:
0x2b4: {  	v1 =	vld [tilespmem:s1+$0xC720];
	(pc) =	sbr.rel @p2 .LBB2_17-.Ltmp23, $4  }
0x2b5: {  	[tilespmem:s1+$0xF720] =	vst v2;
	v5 =	vmul.f32 v7, v5;
	v4 =	vld [tilespmem:s1+$0xC730]  }
0x2b6: {  	v2 =	vld [tilespmem:s1+$0xC740]  }
0x2b7: {  	s2 =	sshra.s32 s3, $0x2;
	[tilespmem:s1+$0xF730] =	vst v5;
	v6 =	vmul.f32 v3, v6;
	v5 =	vld [tilespmem:s1+$0xC750]  }
0x2b8: {  	s3 =	sadd.s32 $0x140, s3;
	v3 =	vld [tilespmem:s2+$0xE750];
	[tilespmem:s1+$0x10710] =	vst v8  }
0x2b9: {  	v7 =	vld [tilespmem:s2+$0xD750];
	[tilespmem:s1+$0xF740] =	vst v6  }
0x2ba: {  	v6 =	vld [tilespmem:s2+$0xE710];
	[tilespmem:s1+$0x10720] =	vst v1  }
0x2bb: {  	v1 =	vld [tilespmem:s2+$0xD710];
	[tilespmem:s1+$0x10730] =	vst v4  }
0x2bc: {  	v4 =	vld [tilespmem:s2+$0xE720];
	[tilespmem:s1+$0x10740] =	vst v2  }
0x2bd: {  	v2 =	vld [tilespmem:s2+$0xD720];
	[tilespmem:s1+$0x10750] =	vst v5  }
0x2be: {  	v5 =	vld [tilespmem:s2+$0xE730]  }
0x2bf: {  	v60 =	vld [tilespmem:s2+$0xD730]  }
0x2c0: {  	v3 =	vmul.f32 v7, v3;
	v8 =	vld [tilespmem:s2+$0xE740]  }
0x2c1: {  	v61 =	vld [tilespmem:s2+$0xC720]  }
0x2c2: {  	v1 =	vmul.f32 v1, v6;
	[tilespmem:s2+$0xF750] =	vst v3;
	v3 =	vld [tilespmem:s2+$0xD740]  }
0x2c3: {  	v62 =	vld [tilespmem:s2+$0xC730];
	v2 =	vmul.f32 v2, v4  }
0x2c4: {  	v63 =	vld [tilespmem:s2+$0xC740];
	[tilespmem:s2+$0xF710] =	vst v1  }
0x2c5: {  	v1 =	vld [tilespmem:s2+$0xC710];
	[tilespmem:s2+$0xF720] =	vst v2;
	v2 =	vmul.f32 v60, v5  }
0x2c6: {  	[tilespmem:s2+$0x10720] =	vst v61  }
0x2c7: {  	[tilespmem:s2+$0xF730] =	vst v2;
	v2 =	vmul.f32 v3, v8;
	v3 =	vld [tilespmem:s2+$0xC750]  }
0x2c8: {  	[tilespmem:s2+$0x10730] =	vst v62  }
0x2c9: {  	[tilespmem:s2+$0x10740] =	vst v63  }
0x2ca: {  	[tilespmem:s2+$0x10710] =	vst v1  }
0x2cb: {  	[tilespmem:s2+$0xF740] =	vst v2  }
0x2cc: {  	s20 =	rddreg [dreg:$0x3];
	s29 =	simm.s32 $0x10710;
	s3 =	simm.s32 $0xF710;
	[tilespmem:s2+$0x10750] =	vst v3  }
0x2cd: {  	[spmem:s20] =	stream.indirect.scatter.add.f32 [tilespmem:s3], [sflag:$0x7], $0x1, s29, s4, $0xb8;
	[tilespmem:$0x11090] =	vst v63  }
0x2ce: {  	s20 =	simm.s32 $0x6  }
0x2cf: {  	_ =	swait.ge [sflag:s20], $0x7D0  }
0x2d0: {  	[sflag:s20] =	ssyncset.done $0x0  }
0x2d1: {  	s29 =	simm.s32 $0x7;
	[sflag:s20] =	ssyncadd.s32 $0xFFFFF830  }
0x2d2: {  	_ =	swait.ge [sflag:s29], $0x7D0  }
0x2d3: {  	[sflag:s29] =	ssyncset.done $0x0  }
0x2d4: {  	[sflag:s29] =	ssyncadd.s32 $0xFFFFF830  }
.LBB2_19:
0x2d5: {  	[bflag:$0x0] =	sbarrier.arrive $0xFFFF  }
0x2d6: {  	s2 =	simm.s32 $0x7D10;
	s1 =	rddreg [dreg:$0x1a]  }
0x2d7: {  	[tilespmem:s2], [sflag:$0x9] =	stream.linear.gather [spmem:s1], $0xC80, $0x38;
	[tilespmem:$0x11090] =	vst v63  }
0x2d8: {  	_ =	swait.ge [sflag:s21], $0xC80  }
0x2d9: {  	[sflag:s21] =	ssyncset.done $0x0  }
0x2da: {  	s3 =	simm.s32 $0x0;
	[sflag:s21] =	ssyncadd.s32 $0xFFFFF380  }
0x2db: {  	v1 =	vld [tilespmem:s3+$0x5790];
	_ =	sdelay $0x4  }
0x2dc: {  	(erf) = vrcp.f32 v1;
	_ =	sdelay $0x2  }
0x2dd: {  	s1 =	simm.s32 $0x10;
	v5 =	vld [tilespmem:s3+$0x4B10]  }
0x2de: {  	v6 =	vld [tilespmem:s1+$0x5790]  }
0x2df: {  	v2 =	vld [tilespmem:s3+$0x3E90]  }
0x2e0: {  	v4 =	vld [tilespmem:s3+$0x7D10];
	_ =	sdelay $0x2  }
0x2e1: {  	s2 =	simm.s32 $0x20;
	vm0 =	vlt.f32 v5, $0.0e+00;
	vm1 =	vgt.f32 v5, $0.0e+00;
	v5 =	vpop (erf);
	(erf) = vrcp.f32 v6  }
0x2e2: {  	v3 =	vld [tilespmem:s2+$0x5790]  }
0x2e3: {  	v1 =	vld [tilespmem:s1+$0x3E90];
	v4 =	vsub.f32 v2, v4  }
0x2e4: {  	v2 =	vld [tilespmem:s1+$0x7D10]  }
0x2e5: {  	v5 =	vmul.f32 v5, v4  }
0x2e6: {  	s20 =	simm.s32 $0xC0;
	vm0 =	vmor vm1, vm0;
	v4 =	vld [tilespmem:s1+$0x4B10]  }
.LBB2_20:
0x2e7: {  	s29 =	sshra.s32 s20, $0x2;
	p2 =	sne.s32 s20, $0x31C0;
	s20 =	sadd.s32 $0x40, s20;
	(erf) = vrcp.f32 v3;
	v5 =	vnsel vm0, $0x0, v5  }
.Ltmp24:
0x2e8: {  	v3 =	vld [tilespmem:s29+$0x5790];
	[tilespmem:s3+$0x8990] =	vst v5;
	s3 =	smov.u32 s1;
	s1 =	smov.u32 s2;
	(pc) =	sbr.rel @p2 .LBB2_20-.Ltmp24, $4  }
0x2e9: {  	s2 =	smov.u32 s29;
	v5 =	vsub.f32 v1, v2;
	v1 =	vld [tilespmem:s1+$0x3E90]  }
0x2ea: {  	v2 =	vld [tilespmem:s1+$0x7D10];
	v6 =	vpop (erf)  }
0x2eb: {  	vm0 =	vlt.f32 v4, $0.0e+00;
	vm1 =	vgt.f32 v4, $0.0e+00;
	v5 =	vmul.f32 v6, v5  }
0x2ec: {  	v4 =	vld [tilespmem:s1+$0x4B10];
	vm0 =	vmor vm1, vm0  }
0x2ed: {  	(erf) = vrcp.f32 v3;
	v3 =	vnsel vm0, $0x0, v5  }
0x2ee: {  	[tilespmem:s3+$0x8990] =	vst v3  }
0x2ef: {  	v3 =	vld [tilespmem:s2+$0x3E90]  }
0x2f0: {  	v5 =	vld [tilespmem:s2+$0x7D10];
	_ =	sdelay $0x1  }
0x2f1: {  	v6 =	vld [tilespmem:s2+$0x4B10];
	_ =	sdelay $0x1  }
0x2f2: {  	v1 =	vsub.f32 v1, v2  }
0x2f3: {  	vm13 =	vlt.f32 v4, $0.0e+00;
	vm1 =	vgt.f32 v4, $0.0e+00;
	v2 =	vsub.f32 v3, v5;
	v3 =	vpop (erf)  }
0x2f4: {  	vm0 =	vmor vm1, vm13;
	v1 =	vmul.f32 v3, v1;
	v3 =	vpop (erf)  }
0x2f5: {  	vm14 =	vlt.f32 v6, $0.0e+00;
	vm2 =	vgt.f32 v6, $0.0e+00;
	v2 =	vmul.f32 v3, v2  }
0x2f6: {  	vm15 =	vmor vm2, vm14;
	v1 =	vnsel vm0, $0x0, v1  }
0x2f7: {  	[tilespmem:s1+$0x8990] =	vst v1;
	v1 =	vnsel vm15, $0x0, v2  }
0x2f8: {  	s20 =	rddreg [dreg:$0x1b];
	s29 =	simm.s32 $0x8990;
	[tilespmem:s2+$0x8990] =	vst v1  }
0x2f9: {  	[spmem:s20] =	stream.linear.scatter [tilespmem:s29], [sflag:$0x9], $0xC80, $0x38;
	[tilespmem:$0x11090] =	vst v63  }
0x2fa: {  	_ =	swait.ge [sflag:s21], $0xC80  }
0x2fb: {  	[sflag:s21] =	ssyncset.done $0x0  }
0x2fc: {  	[sflag:s21] =	ssyncadd.s32 $0xFFFFF380  }
0x2fd: {  	s3 =	simm.s32 $0x9610;
	[bflag:$0x0] =	sbarrier.arrive $0xFFFF  }
0x2fe: {  	s29 =	simm.s32 $0x6410;
	s20 =	simm.s32 $0xC80;
	s2 =	rddreg [dreg:$0x5]  }
0x2ff: {  	[tilespmem:s3], [sflag:$0x1] =	stream.indirect.gather [spmem:s2], $0x1, s29, s20, $0xb8;
	[tilespmem:$0x11090] =	vst v63  }
0x300: {  	s29 =	simm.s32 $0x1  }
0x301: {  	_ =	swait.ge [sflag:s29], $0xC80  }
0x302: {  	[sflag:s29] =	ssyncset.done $0x0  }
0x303: {  	s1 =	simm.s32 $0x0;
	[sflag:s29] =	ssyncadd.s32 $0xFFFFF380  }
0x304: {  	v1 =	vld [tilespmem:s1+$0x8990]  }
0x305: {  	v2 =	vld [tilespmem:s1+$0x9610]  }
0x306: {  	v3 =	vld [tilespmem:s1+$0x4B10]  }
0x307: {  	s2 =	simm.s32 $0x40;
	s20 =	rddreg [dreg:$0x1]  }
.LBB2_22:
0x308: {  	p2 =	sne.s32 s2, $0x31C0  }
.Ltmp25:
0x309: {  	s3 =	sshra.s32 s2, $0x2;
	(pc) =	sbr.rel @p2 .LBB2_22-.Ltmp25, $4  }
0x30a: {  	s2 =	sadd.s32 $0x40, s2;
	v4 =	vsub.f32 v1, v2;
	v1 =	vld [tilespmem:s3+$0x8990]  }
0x30b: {  	v2 =	vld [tilespmem:s3+$0x9610];
	vm0 =	veq.f32 v3, $0.0e+00  }
0x30c: {  	v3 =	vld [tilespmem:s3+$0x4B10];
	v4 =	vsel vm0, $0x0, v4  }
0x30d: {  	[tilespmem:s1+$0xA290] =	vst v4;
	s1 =	smov.u32 s3  }
0x30e: {  	_ =	sdelay $0x1  }
0x30f: {  	v1 =	vsub.f32 v1, v2  }
0x310: {  	vm0 =	veq.f32 v3, $0.0e+00  }
0x311: {  	v1 =	vsel vm0, $0x0, v1  }
0x312: {  	s29 =	rddreg [dreg:$0x1c];
	s2 =	simm.s32 $0xA290;
	[tilespmem:s1+$0xA290] =	vst v1  }
0x313: {  	[spmem:s29] =	stream.linear.scatter [tilespmem:s2], [sflag:$0x9], $0xC80, $0x38;
	[tilespmem:$0x11090] =	vst v63  }
0x314: {  	_ =	swait.ge [sflag:s21], $0xC80  }
0x315: {  	s1 =	sld [smem:$0x7FD];
	_ =	sdelay $0x2  }
0x316: {  	p2 =	slt.u32 @!p1 s1, $0x2  }
0x317: {  	p2 =	por p1, p2  }
.Ltmp26:
0x318: {  	_ = 	snop;
	(pc) =	sbr.rel @p2 .LBB2_26-.Ltmp26, $3  }
0x319: {  	_ =	sdelay $0x1  }
0x31a: {  	[sflag:s21] =	ssyncset.done $0x0  }
0x31b: {  	[sflag:s21] =	ssyncadd.s32 $0xFFFFF380  }
0x31c: {  	s1 =	sld [smem:$0x7FD];
	_ =	sdelay $0x2  }
0x31d: {  	s3 =	simm.s32 $0x0;
	s2 =	simm.s32 $0x400;
	s1 =	sor.u32 $0x47868C00, s1  }
.LBB2_25:
0x31e: {  	p2 =	slt.s32 s3, s1  }
0x31f: {  	p3 =	slt.s32 @!p2 s3, $0x47868C0D  }
0x320: {  	p2 =	por p2, !p3  }
0x321: {  	s3 =	rddreg @p2 [dreg:$0x2];
	s29 =	simm.s32 @p2 $0x11010  }
0x322: {  	[tilespmem:s29], [sflag:$0x9] =	stream.linear.gather @p2 [hbm4b:s3+s10], $0x80, $0x38;
	[tilespmem:$0x11090] =	vst v63  }
0x323: {  	_ =	swait.ge @p2 [sflag:s21], $0x80  }
0x324: {  	[sflag:s21] =	ssyncset.done @p2 $0x0  }
0x325: {  	[sflag:s21] =	ssyncadd.s32 @p2 $0xFFFFFF80  }
0x326: {  	v1 =	vld [tilespmem:$0x11010];
	_ =	sdelay $0x4  }
0x327: {  	(v2sf) =	vpush v1, $0x0;
	_ =	sdelay $0x8  }
0x328: {  	s2 =	sadd.s32 $0xFFFFFFFF, s2  }
0x329: {  	p2 =	sne.s32 s2, $0x0  }
.Ltmp27:
0x32a: {  	_ = 	snop;
	(pc) =	sbr.rel @p2 .LBB2_25-.Ltmp27, $2  }
0x32b: {  	_ =	sdelay $0x2  }
0x32c: {  	s3 =	spop (v2sf)  }
.Ltmp28:
0x32d: {  	_ = 	snop;
	(pc) =	sbr.rel .LBB2_26-.Ltmp28, $1  }
0x32e: {  	_ =	sdelay $0x3  }
.LBB2_47:
0x32f: {  	_ =	sfence.sel $0x180000  }
0x330: {  	[bflag:$0x0] =	sbarrier.arrive $0xFFFF  }
0x331: {  	_ =	strace $0x90000047  }
0x332: {  	[bflag:$0x2] =	sbarrier.arrive $0xFFFF  }
0x333: {  	s0 =	rddreg [dreg:$0x9]  }
0x334: {  	s0 =	sadd.s32 @!p1 $0x100000, s0  }
0x335: {  	[sflag:s0] =	ssyncadd.tile.s32 @!p1 $0x1;
	_ =	shalt  }
.Lfunc_end2:
_tile_overlayer_lowered:
.L_overlay_start_2:
0x336: {  	(tag) =	ssettag $0x2  }
0x337: {  	s0 =	rddreg [dreg:$0x0];
	s2 =	stileid.u32  }
0x338: {  	s1 =	rddreg [dreg:$0x1];
	p0 =	sne.s32 s2, $0x0  }
0x339: {  	s3 =	rddreg [dreg:$0x2];
	[bflag:$0x3] =	sbarrier.arrive $0xFFFF;
	s2 =	simm.s32 @!p0 $0x1C08  }
0x33a: {  	[timem:s3], [sflag:s2] =	dma.local @!p0 [hbm:s0], s1  }
0x33b: {  	s0 =	simm.s32 @!p0 $0x8  }
0x33c: {  	_ =	swait.ge @!p0 [sflag:s0], s1  }
0x33d: {  	s1 =	ssub.s32 @!p0 $0x0, s1;
	[sflag:s0] =	ssyncset.done @!p0 $0x0  }
0x33e: {  	[sflag:s0] =	ssyncadd.s32 @!p0 s1  }
0x33f: {  	[bflag:$0x3] =	sbarrier.arrive $0xFFFF  }
0x340: {  	_ =	shalt  }

</sc_bundles>
